<compile_context>
chip_gen: v7x
topology: tpu7x:2x2x1
jax: 0.10.2.dev20260603
libtpu: 0.0.44.dev20260713+nightly
codegen_flags: <defaults>
</compile_context>

<pallas_src>
import functools

import jax
import jax.numpy as jnp
from jax import lax
from jax.experimental import pallas as pl
from jax.experimental.pallas import tpu as pltpu
from jax.experimental.pallas import tpu_sc as plsc

NUM_WORKERS = 32
CHUNK = 128
NBUF = 8


def _gather_kernel(n_chunks, chunk, d, per_w):
    mesh = plsc.VectorSubcoreMesh(core_axis_name="c", subcore_axis_name="s")

    @functools.partial(
        pl.kernel,
        mesh=mesh,
        out_type=jax.ShapeDtypeStruct((NUM_WORKERS * per_w, 2 * d), jnp.float32),
        scratch_types=(
            [pltpu.VMEM((n_chunks, chunk), jnp.int32),
             pltpu.VMEM((NBUF, chunk, d), jnp.float32)]
            + [pltpu.SemaphoreType.DMA] * (2 * NBUF)
        ),
        compiler_params=pltpu.CompilerParams(use_tc_tiling_on_sc=False),
    )
    def emb(idx_hbm, tab_hbm, out_hbm, idx_v, rows_v, *sems):
        gsem = sems[:NBUF]
        wsem = sems[NBUF:]
        c = lax.axis_index("c")
        s = lax.axis_index("s")
        wid = s * 2 + c
        base = wid * per_w
        pltpu.sync_copy(idx_hbm.at[wid], idx_v)

        def fire_gather(slot, b):
            pltpu.async_copy(tab_hbm.at[idx_v.at[slot]], rows_v.at[b], gsem[b])

        def wait_gather(slot, b):
            pltpu.make_async_copy(
                tab_hbm.at[idx_v.at[slot]], rows_v.at[b], gsem[b]).wait()

        def fire_write(slot, b):
            pltpu.async_copy(
                rows_v.at[b],
                out_hbm.at[pl.ds(base + slot * chunk, chunk), pl.ds(0, d)],
                wsem[b])

        def wait_write(slot, b):
            pltpu.make_async_copy(
                rows_v.at[b],
                out_hbm.at[pl.ds(base + slot * chunk, chunk), pl.ds(0, d)],
                wsem[b]).wait()

        def do_slot(slot, k, fire, wait_prev):
            b = k % NBUF
            pb = (k - 1) % NBUF
            wait_gather(slot, b)
            fire_write(slot, b)
            if wait_prev:
                wait_write(slot - 1, pb)
            if fire:
                fire_gather(slot + NBUF - 1, pb)

        for j in range(NBUF - 1):
            fire_gather(j, j)

        for k in range(NBUF):
            do_slot(k, k, fire=(k + NBUF - 1 < n_chunks), wait_prev=(k >= 1))

        n_rounds = n_chunks // NBUF

        def body(r, _):
            s0 = r * NBUF
            for k in range(NBUF):
                do_slot(s0 + k, k, fire=True, wait_prev=True)
            return 0

        lax.fori_loop(1, n_rounds - 1, body, 0)

        s0 = (n_rounds - 1) * NBUF
        for k in range(NBUF):
            do_slot(s0 + k, k, fire=(s0 + k + NBUF - 1 < n_chunks),
                    wait_prev=True)

        wait_write(n_chunks - 1, (n_chunks - 1) % NBUF)

    return emb


TBLK = 32768
THALF = TBLK // 2


def _transpose_body(tt_ref, out_ref):
    sub = 2048
    for j in range(THALF // sub):
        lo = j * sub
        y1 = jnp.swapaxes(tt_ref[:, pl.ds(lo, sub)], 0, 1)
        y2 = jnp.swapaxes(tt_ref[:, pl.ds(THALF + lo, sub)], 0, 1)
        out_ref[pl.ds(lo, sub), :] = jnp.concatenate([y1, y2], axis=1)


def _table_rowmajor(tt, v, d):
    grid = (v + TBLK - 1) // TBLK
    return pl.pallas_call(
        _transpose_body,
        grid=(grid,),
        in_specs=[pl.BlockSpec((d, TBLK), lambda j: (0, j))],
        out_specs=pl.BlockSpec((THALF, 2 * d), lambda j: (j, 0)),
        out_shape=jax.ShapeDtypeStruct((grid * THALF, 2 * d), jnp.float32),
        compiler_params=pltpu.CompilerParams(vmem_limit_bytes=100 * 1024 * 1024),
    )(tt)


def kernel(indices, table):
    b, sq = indices.shape
    v, d = table.shape
    n = b * sq
    per_w = n // NUM_WORKERS
    n_chunks = per_w // CHUNK
    idx = indices.astype(jnp.int32)
    t = idx % TBLK
    idx2 = (idx - t) + 2 * (t % THALF) + t // THALF
    idx2 = idx2.reshape(NUM_WORKERS, n_chunks, CHUNK)
    tab2 = _table_rowmajor(table.T, v, d)
    tab_rm = tab2.reshape(2 * tab2.shape[0], d)
    out = _gather_kernel(n_chunks, CHUNK, d, per_w)(idx2, tab_rm)
    return out[:, :d].reshape(b, sq, d)

# --- scband reference (transcript-rebuilt; emitter-appended) ---
"""Pipeline reference for scband-base-language-model-2491081031815 (READ-ONLY COPY).

The authoritative reference and input builder live on the scoring server;
editing this copy changes nothing except your own understanding.
"""

import jax, jax.numpy as jnp
import numpy as np

VOCAB = 1000000
EMBED = 64
BATCH = 4096
SEQ = 200

def setup_inputs(seed: int = 0) -> dict:
    key = jax.random.key(seed)
    k_idx, k_tab = jax.random.split(key)
    indices = jax.random.randint(k_idx, (BATCH, SEQ), 0, VOCAB, dtype=jnp.int64 if jax.config.jax_enable_x64 else jnp.int32)
    table = jax.random.normal(k_tab, (VOCAB, EMBED), dtype=jnp.float32)
    return {"indices": indices, "table": table}

def reference(indices, table):
    # Faithful to nn.Embedding forward: row gather from the embedding table.
    return jnp.take(table, indices, axis=0)

if __name__ == "__main__":
    import jax
    _d = setup_inputs()
    print(jax.jit(kernel)(*tuple(_d.values())))

</pallas_src>

<mosaic_0001>
#map = affine_map<(d0, d1) -> (0, 0, 0)>
#map1 = affine_map<(d0, d1) -> (0, 0)>
module attributes {stable_mosaic.version = 14 : i64} {
  func.func @emb(%arg0: i32, %arg1: i32, %arg2: memref<32x200x128xi32, #tpu.memory_space<hbm>>, %arg3: memref<1015808x64xf32, #tpu.memory_space<hbm>>, %arg4: memref<819200x128xf32, #tpu.memory_space<hbm>>, %arg5: memref<200x128xi32, #tpu.memory_space<vmem>>, %arg6: memref<8x128x64xf32, #tpu.memory_space<vmem>>, %arg7: memref<!tpu.dma_semaphore, #tpu.memory_space<semaphore_mem>>, %arg8: memref<!tpu.dma_semaphore, #tpu.memory_space<semaphore_mem>>, %arg9: memref<!tpu.dma_semaphore, #tpu.memory_space<semaphore_mem>>, %arg10: memref<!tpu.dma_semaphore, #tpu.memory_space<semaphore_mem>>, %arg11: memref<!tpu.dma_semaphore, #tpu.memory_space<semaphore_mem>>, %arg12: memref<!tpu.dma_semaphore, #tpu.memory_space<semaphore_mem>>, %arg13: memref<!tpu.dma_semaphore, #tpu.memory_space<semaphore_mem>>, %arg14: memref<!tpu.dma_semaphore, #tpu.memory_space<semaphore_mem>>, %arg15: memref<!tpu.dma_semaphore, #tpu.memory_space<semaphore_mem>>, %arg16: memref<!tpu.dma_semaphore, #tpu.memory_space<semaphore_mem>>, %arg17: memref<!tpu.dma_semaphore, #tpu.memory_space<semaphore_mem>>, %arg18: memref<!tpu.dma_semaphore, #tpu.memory_space<semaphore_mem>>, %arg19: memref<!tpu.dma_semaphore, #tpu.memory_space<semaphore_mem>>, %arg20: memref<!tpu.dma_semaphore, #tpu.memory_space<semaphore_mem>>, %arg21: memref<!tpu.dma_semaphore, #tpu.memory_space<semaphore_mem>>, %arg22: memref<!tpu.dma_semaphore, #tpu.memory_space<semaphore_mem>>) attributes {dimension_semantics = [#tpu.dimension_semantics<core_parallel>, #tpu.dimension_semantics<subcore_parallel>], iteration_bounds = array<i64: 2, 16>, scalar_prefetch = 0 : i64, scratch_operands = 18 : i64, tpu.core_type = #tpu.core_type<sc_vector_subcore>, window_params = [{transform_indices = #map}, {transform_indices = #map1}, {transform_indices = #map1}]} {
    %mul3A = arith.constant 2 : i32
    %mul3A_0 = arith.muli %arg1, %mul3A : i32
    %add3A = arith.addi %mul3A_0, %arg0 : i32
    %mul3A_1 = arith.constant 25600 : i32
    %mul3A_2 = arith.muli %add3A, %mul3A_1 : i32
    "tpu.region"() ({
      %run_scoped3A = tpu.sem_alloc : memref<!tpu.dma_semaphore, #tpu.memory_space<semaphore_mem>>
      %dma_start3A_871 = arith.constant 0 : i32
      %dma_start3A_872 = arith.constant 0 : i32
      %dma_start3A_873 = tpu.memref_slice %arg2[%add3A, %dma_start3A_871, %dma_start3A_872] : memref<32x200x128xi32, #tpu.memory_space<hbm>> -> memref<1x200x128xi32, #tpu.memory_space<hbm>>
      %dma_start3A_874 = tpu.memref_squeeze %dma_start3A_873 : memref<1x200x128xi32, #tpu.memory_space<hbm>> -> memref<200x128xi32, #tpu.memory_space<hbm>>
      %dma_start3A_875 = arith.constant 0 : i32
      %dma_start3A_876 = arith.constant 0 : i32
      %dma_start3A_877 = tpu.memref_slice %arg2[%add3A, %dma_start3A_875, %dma_start3A_876] : memref<32x200x128xi32, #tpu.memory_space<hbm>> -> memref<1x200x128xi32, #tpu.memory_space<hbm>>
      %dma_start3A_878 = tpu.memref_squeeze %dma_start3A_877 : memref<1x200x128xi32, #tpu.memory_space<hbm>> -> memref<200x128xi32, #tpu.memory_space<hbm>>
      tpu.enqueue_dma source(%dma_start3A_878 : memref<200x128xi32, #tpu.memory_space<hbm>>) target(%arg5 : memref<200x128xi32, #tpu.memory_space<vmem>>) target_semaphore(%run_scoped3A : memref<!tpu.dma_semaphore, #tpu.memory_space<semaphore_mem>>)
      %dma_wait3A_879 = arith.constant 0 : i32
      %dma_wait3A_880 = arith.constant 0 : i32
      %dma_wait3A_881 = tpu.memref_slice %arg2[%add3A, %dma_wait3A_879, %dma_wait3A_880] : memref<32x200x128xi32, #tpu.memory_space<hbm>> -> memref<1x200x128xi32, #tpu.memory_space<hbm>>
      %dma_wait3A_882 = tpu.memref_squeeze %dma_wait3A_881 : memref<1x200x128xi32, #tpu.memory_space<hbm>> -> memref<200x128xi32, #tpu.memory_space<hbm>>
      %dma_wait3A_883 = arith.constant 0 : i32
      %dma_wait3A_884 = arith.constant 0 : i32
      %dma_wait3A_885 = tpu.memref_slice %arg2[%add3A, %dma_wait3A_883, %dma_wait3A_884] : memref<32x200x128xi32, #tpu.memory_space<hbm>> -> memref<1x200x128xi32, #tpu.memory_space<hbm>>
      %dma_wait3A_886 = tpu.memref_squeeze %dma_wait3A_885 : memref<1x200x128xi32, #tpu.memory_space<hbm>> -> memref<200x128xi32, #tpu.memory_space<hbm>>
      tpu.wait_dma2 semaphore(%run_scoped3A : memref<!tpu.dma_semaphore, #tpu.memory_space<semaphore_mem>>) src(%dma_wait3A_886 : memref<200x128xi32, #tpu.memory_space<hbm>>) dst(%arg5 : memref<200x128xi32, #tpu.memory_space<vmem>>)
      tpu.yield
    }) : () -> ()
    %dma_start3A = arith.constant 0 : i32
    %dma_start3A_3 = arith.constant 0 : i32
    %dma_start3A_4 = arith.constant 0 : i32
    %dma_start3A_5 = arith.constant 0 : i32
    %dma_start3A_6 = tpu.memref_slice %arg6[%dma_start3A_3, %dma_start3A_4, %dma_start3A_5] : memref<8x128x64xf32, #tpu.memory_space<vmem>> -> memref<1x128x64xf32, #tpu.memory_space<vmem>>
    %dma_start3A_7 = tpu.memref_squeeze %dma_start3A_6 : memref<1x128x64xf32, #tpu.memory_space<vmem>> -> memref<128x64xf32, #tpu.memory_space<vmem>>
    %dma_start3A_8 = arith.constant 0 : i32
    %dma_start3A_9 = tpu.memref_slice %arg5[%dma_start3A, %dma_start3A_8] : memref<200x128xi32, #tpu.memory_space<vmem>> -> memref<1x128xi32, #tpu.memory_space<vmem>>
    %dma_start3A_10 = tpu.memref_squeeze %dma_start3A_9 : memref<1x128xi32, #tpu.memory_space<vmem>> -> memref<128xi32, #tpu.memory_space<vmem>>
    %dma_start3A_11 = arith.constant 0 : i32
    %dma_start3A_12 = arith.constant 0 : i32
    %dma_start3A_13 = tpu.memref_slice %arg3[%dma_start3A_11, %dma_start3A_12] : memref<1015808x64xf32, #tpu.memory_space<hbm>> -> memref<1015808x64xf32, #tpu.memory_space<hbm>>
    tpu.enqueue_indirect_dma source(%dma_start3A_13 : memref<1015808x64xf32, #tpu.memory_space<hbm>>) target(%dma_start3A_7 : memref<128x64xf32, #tpu.memory_space<vmem>>) offsets(%dma_start3A_10 : memref<128xi32, #tpu.memory_space<vmem>>) semaphore(%arg7 : memref<!tpu.dma_semaphore, #tpu.memory_space<semaphore_mem>>)
    %dma_start3A_14 = arith.constant 1 : i32
    %dma_start3A_15 = arith.constant 1 : i32
    %dma_start3A_16 = arith.constant 0 : i32
    %dma_start3A_17 = arith.constant 0 : i32
    %dma_start3A_18 = tpu.memref_slice %arg6[%dma_start3A_15, %dma_start3A_16, %dma_start3A_17] : memref<8x128x64xf32, #tpu.memory_space<vmem>> -> memref<1x128x64xf32, #tpu.memory_space<vmem>>
    %dma_start3A_19 = tpu.memref_squeeze %dma_start3A_18 : memref<1x128x64xf32, #tpu.memory_space<vmem>> -> memref<128x64xf32, #tpu.memory_space<vmem>>
    %dma_start3A_20 = arith.constant 0 : i32
    %dma_start3A_21 = tpu.memref_slice %arg5[%dma_start3A_14, %dma_start3A_20] : memref<200x128xi32, #tpu.memory_space<vmem>> -> memref<1x128xi32, #tpu.memory_space<vmem>>
    %dma_start3A_22 = tpu.memref_squeeze %dma_start3A_21 : memref<1x128xi32, #tpu.memory_space<vmem>> -> memref<128xi32, #tpu.memory_space<vmem>>
    %dma_start3A_23 = arith.constant 0 : i32
    %dma_start3A_24 = arith.constant 0 : i32
    %dma_start3A_25 = tpu.memref_slice %arg3[%dma_start3A_23, %dma_start3A_24] : memref<1015808x64xf32, #tpu.memory_space<hbm>> -> memref<1015808x64xf32, #tpu.memory_space<hbm>>
    tpu.enqueue_indirect_dma source(%dma_start3A_25 : memref<1015808x64xf32, #tpu.memory_space<hbm>>) target(%dma_start3A_19 : memref<128x64xf32, #tpu.memory_space<vmem>>) offsets(%dma_start3A_22 : memref<128xi32, #tpu.memory_space<vmem>>) semaphore(%arg8 : memref<!tpu.dma_semaphore, #tpu.memory_space<semaphore_mem>>)
    %dma_start3A_26 = arith.constant 2 : i32
    %dma_start3A_27 = arith.constant 2 : i32
    %dma_start3A_28 = arith.constant 0 : i32
    %dma_start3A_29 = arith.constant 0 : i32
    %dma_start3A_30 = tpu.memref_slice %arg6[%dma_start3A_27, %dma_start3A_28, %dma_start3A_29] : memref<8x128x64xf32, #tpu.memory_space<vmem>> -> memref<1x128x64xf32, #tpu.memory_space<vmem>>
    %dma_start3A_31 = tpu.memref_squeeze %dma_start3A_30 : memref<1x128x64xf32, #tpu.memory_space<vmem>> -> memref<128x64xf32, #tpu.memory_space<vmem>>
    %dma_start3A_32 = arith.constant 0 : i32
    %dma_start3A_33 = tpu.memref_slice %arg5[%dma_start3A_26, %dma_start3A_32] : memref<200x128xi32, #tpu.memory_space<vmem>> -> memref<1x128xi32, #tpu.memory_space<vmem>>
    %dma_start3A_34 = tpu.memref_squeeze %dma_start3A_33 : memref<1x128xi32, #tpu.memory_space<vmem>> -> memref<128xi32, #tpu.memory_space<vmem>>
    %dma_start3A_35 = arith.constant 0 : i32
    %dma_start3A_36 = arith.constant 0 : i32
    %dma_start3A_37 = tpu.memref_slice %arg3[%dma_start3A_35, %dma_start3A_36] : memref<1015808x64xf32, #tpu.memory_space<hbm>> -> memref<1015808x64xf32, #tpu.memory_space<hbm>>
    tpu.enqueue_indirect_dma source(%dma_start3A_37 : memref<1015808x64xf32, #tpu.memory_space<hbm>>) target(%dma_start3A_31 : memref<128x64xf32, #tpu.memory_space<vmem>>) offsets(%dma_start3A_34 : memref<128xi32, #tpu.memory_space<vmem>>) semaphore(%arg9 : memref<!tpu.dma_semaphore, #tpu.memory_space<semaphore_mem>>)
    %dma_start3A_38 = arith.constant 3 : i32
    %dma_start3A_39 = arith.constant 3 : i32
    %dma_start3A_40 = arith.constant 0 : i32
    %dma_start3A_41 = arith.constant 0 : i32
    %dma_start3A_42 = tpu.memref_slice %arg6[%dma_start3A_39, %dma_start3A_40, %dma_start3A_41] : memref<8x128x64xf32, #tpu.memory_space<vmem>> -> memref<1x128x64xf32, #tpu.memory_space<vmem>>
    %dma_start3A_43 = tpu.memref_squeeze %dma_start3A_42 : memref<1x128x64xf32, #tpu.memory_space<vmem>> -> memref<128x64xf32, #tpu.memory_space<vmem>>
    %dma_start3A_44 = arith.constant 0 : i32
    %dma_start3A_45 = tpu.memref_slice %arg5[%dma_start3A_38, %dma_start3A_44] : memref<200x128xi32, #tpu.memory_space<vmem>> -> memref<1x128xi32, #tpu.memory_space<vmem>>
    %dma_start3A_46 = tpu.memref_squeeze %dma_start3A_45 : memref<1x128xi32, #tpu.memory_space<vmem>> -> memref<128xi32, #tpu.memory_space<vmem>>
    %dma_start3A_47 = arith.constant 0 : i32
    %dma_start3A_48 = arith.constant 0 : i32
    %dma_start3A_49 = tpu.memref_slice %arg3[%dma_start3A_47, %dma_start3A_48] : memref<1015808x64xf32, #tpu.memory_space<hbm>> -> memref<1015808x64xf32, #tpu.memory_space<hbm>>
    tpu.enqueue_indirect_dma source(%dma_start3A_49 : memref<1015808x64xf32, #tpu.memory_space<hbm>>) target(%dma_start3A_43 : memref<128x64xf32, #tpu.memory_space<vmem>>) offsets(%dma_start3A_46 : memref<128xi32, #tpu.memory_space<vmem>>) semaphore(%arg10 : memref<!tpu.dma_semaphore, #tpu.memory_space<semaphore_mem>>)
    %dma_start3A_50 = arith.constant 4 : i32
    %dma_start3A_51 = arith.constant 4 : i32
    %dma_start3A_52 = arith.constant 0 : i32
    %dma_start3A_53 = arith.constant 0 : i32
    %dma_start3A_54 = tpu.memref_slice %arg6[%dma_start3A_51, %dma_start3A_52, %dma_start3A_53] : memref<8x128x64xf32, #tpu.memory_space<vmem>> -> memref<1x128x64xf32, #tpu.memory_space<vmem>>
    %dma_start3A_55 = tpu.memref_squeeze %dma_start3A_54 : memref<1x128x64xf32, #tpu.memory_space<vmem>> -> memref<128x64xf32, #tpu.memory_space<vmem>>
    %dma_start3A_56 = arith.constant 0 : i32
    %dma_start3A_57 = tpu.memref_slice %arg5[%dma_start3A_50, %dma_start3A_56] : memref<200x128xi32, #tpu.memory_space<vmem>> -> memref<1x128xi32, #tpu.memory_space<vmem>>
    %dma_start3A_58 = tpu.memref_squeeze %dma_start3A_57 : memref<1x128xi32, #tpu.memory_space<vmem>> -> memref<128xi32, #tpu.memory_space<vmem>>
    %dma_start3A_59 = arith.constant 0 : i32
    %dma_start3A_60 = arith.constant 0 : i32
    %dma_start3A_61 = tpu.memref_slice %arg3[%dma_start3A_59, %dma_start3A_60] : memref<1015808x64xf32, #tpu.memory_space<hbm>> -> memref<1015808x64xf32, #tpu.memory_space<hbm>>
    tpu.enqueue_indirect_dma source(%dma_start3A_61 : memref<1015808x64xf32, #tpu.memory_space<hbm>>) target(%dma_start3A_55 : memref<128x64xf32, #tpu.memory_space<vmem>>) offsets(%dma_start3A_58 : memref<128xi32, #tpu.memory_space<vmem>>) semaphore(%arg11 : memref<!tpu.dma_semaphore, #tpu.memory_space<semaphore_mem>>)
    %dma_start3A_62 = arith.constant 5 : i32
    %dma_start3A_63 = arith.constant 5 : i32
    %dma_start3A_64 = arith.constant 0 : i32
    %dma_start3A_65 = arith.constant 0 : i32
    %dma_start3A_66 = tpu.memref_slice %arg6[%dma_start3A_63, %dma_start3A_64, %dma_start3A_65] : memref<8x128x64xf32, #tpu.memory_space<vmem>> -> memref<1x128x64xf32, #tpu.memory_space<vmem>>
    %dma_start3A_67 = tpu.memref_squeeze %dma_start3A_66 : memref<1x128x64xf32, #tpu.memory_space<vmem>> -> memref<128x64xf32, #tpu.memory_space<vmem>>
    %dma_start3A_68 = arith.constant 0 : i32
    %dma_start3A_69 = tpu.memref_slice %arg5[%dma_start3A_62, %dma_start3A_68] : memref<200x128xi32, #tpu.memory_space<vmem>> -> memref<1x128xi32, #tpu.memory_space<vmem>>
    %dma_start3A_70 = tpu.memref_squeeze %dma_start3A_69 : memref<1x128xi32, #tpu.memory_space<vmem>> -> memref<128xi32, #tpu.memory_space<vmem>>
    %dma_start3A_71 = arith.constant 0 : i32
    %dma_start3A_72 = arith.constant 0 : i32
    %dma_start3A_73 = tpu.memref_slice %arg3[%dma_start3A_71, %dma_start3A_72] : memref<1015808x64xf32, #tpu.memory_space<hbm>> -> memref<1015808x64xf32, #tpu.memory_space<hbm>>
    tpu.enqueue_indirect_dma source(%dma_start3A_73 : memref<1015808x64xf32, #tpu.memory_space<hbm>>) target(%dma_start3A_67 : memref<128x64xf32, #tpu.memory_space<vmem>>) offsets(%dma_start3A_70 : memref<128xi32, #tpu.memory_space<vmem>>) semaphore(%arg12 : memref<!tpu.dma_semaphore, #tpu.memory_space<semaphore_mem>>)
    %dma_start3A_74 = arith.constant 6 : i32
    %dma_start3A_75 = arith.constant 6 : i32
    %dma_start3A_76 = arith.constant 0 : i32
    %dma_start3A_77 = arith.constant 0 : i32
    %dma_start3A_78 = tpu.memref_slice %arg6[%dma_start3A_75, %dma_start3A_76, %dma_start3A_77] : memref<8x128x64xf32, #tpu.memory_space<vmem>> -> memref<1x128x64xf32, #tpu.memory_space<vmem>>
    %dma_start3A_79 = tpu.memref_squeeze %dma_start3A_78 : memref<1x128x64xf32, #tpu.memory_space<vmem>> -> memref<128x64xf32, #tpu.memory_space<vmem>>
    %dma_start3A_80 = arith.constant 0 : i32
    %dma_start3A_81 = tpu.memref_slice %arg5[%dma_start3A_74, %dma_start3A_80] : memref<200x128xi32, #tpu.memory_space<vmem>> -> memref<1x128xi32, #tpu.memory_space<vmem>>
    %dma_start3A_82 = tpu.memref_squeeze %dma_start3A_81 : memref<1x128xi32, #tpu.memory_space<vmem>> -> memref<128xi32, #tpu.memory_space<vmem>>
    %dma_start3A_83 = arith.constant 0 : i32
    %dma_start3A_84 = arith.constant 0 : i32
    %dma_start3A_85 = tpu.memref_slice %arg3[%dma_start3A_83, %dma_start3A_84] : memref<1015808x64xf32, #tpu.memory_space<hbm>> -> memref<1015808x64xf32, #tpu.memory_space<hbm>>
    tpu.enqueue_indirect_dma source(%dma_start3A_85 : memref<1015808x64xf32, #tpu.memory_space<hbm>>) target(%dma_start3A_79 : memref<128x64xf32, #tpu.memory_space<vmem>>) offsets(%dma_start3A_82 : memref<128xi32, #tpu.memory_space<vmem>>) semaphore(%arg13 : memref<!tpu.dma_semaphore, #tpu.memory_space<semaphore_mem>>)
    %dma_wait3A = arith.constant 0 : i32
    %dma_wait3A_86 = arith.constant 0 : i32
    %dma_wait3A_87 = arith.constant 0 : i32
    %dma_wait3A_88 = arith.constant 0 : i32
    %dma_wait3A_89 = tpu.memref_slice %arg6[%dma_wait3A_86, %dma_wait3A_87, %dma_wait3A_88] : memref<8x128x64xf32, #tpu.memory_space<vmem>> -> memref<1x128x64xf32, #tpu.memory_space<vmem>>
    %dma_wait3A_90 = tpu.memref_squeeze %dma_wait3A_89 : memref<1x128x64xf32, #tpu.memory_space<vmem>> -> memref<128x64xf32, #tpu.memory_space<vmem>>
    %dma_wait3A_91 = arith.constant 0 : i32
    %dma_wait3A_92 = tpu.memref_slice %arg5[%dma_wait3A, %dma_wait3A_91] : memref<200x128xi32, #tpu.memory_space<vmem>> -> memref<1x128xi32, #tpu.memory_space<vmem>>
    %dma_wait3A_93 = tpu.memref_squeeze %dma_wait3A_92 : memref<1x128xi32, #tpu.memory_space<vmem>> -> memref<128xi32, #tpu.memory_space<vmem>>
    %dma_wait3A_94 = arith.constant 0 : i32
    %dma_wait3A_95 = arith.constant 0 : i32
    %dma_wait3A_96 = tpu.memref_slice %arg3[%dma_wait3A_94, %dma_wait3A_95] : memref<1015808x64xf32, #tpu.memory_space<hbm>> -> memref<1015808x64xf32, #tpu.memory_space<hbm>>
    tpu.wait_indirect_dma semaphore(%arg7 : memref<!tpu.dma_semaphore, #tpu.memory_space<semaphore_mem>>) src(%dma_wait3A_96 : memref<1015808x64xf32, #tpu.memory_space<hbm>>) dst(%dma_wait3A_90 : memref<128x64xf32, #tpu.memory_space<vmem>>)
    %add3A_97 = arith.constant 0 : i32
    %add3A_98 = arith.addi %mul3A_2, %add3A_97 : i32
    %dma_start3A_99 = arith.constant 0 : i32
    %dma_start3A_100 = arith.constant 0 : i32
    %dma_start3A_101 = arith.constant 0 : i32
    %dma_start3A_102 = tpu.memref_slice %arg6[%dma_start3A_99, %dma_start3A_100, %dma_start3A_101] : memref<8x128x64xf32, #tpu.memory_space<vmem>> -> memref<1x128x64xf32, #tpu.memory_space<vmem>>
    %dma_start3A_103 = tpu.memref_squeeze %dma_start3A_102 : memref<1x128x64xf32, #tpu.memory_space<vmem>> -> memref<128x64xf32, #tpu.memory_space<vmem>>
    %dma_start3A_104 = arith.constant 0 : i32
    %dma_start3A_105 = tpu.memref_slice %arg4[%add3A_98, %dma_start3A_104] : memref<819200x128xf32, #tpu.memory_space<hbm>> -> memref<128x64xf32, #tpu.memory_space<hbm>>
    %dma_start3A_106 = arith.constant 0 : i32
    %dma_start3A_107 = tpu.memref_slice %arg4[%add3A_98, %dma_start3A_106] : memref<819200x128xf32, #tpu.memory_space<hbm>> -> memref<128x64xf32, #tpu.memory_space<hbm>>
    %dma_start3A_108 = arith.constant 0 : i32
    %dma_start3A_109 = arith.constant 0 : i32
    %dma_start3A_110 = tpu.memref_slice %arg6[%dma_start3A_99, %dma_start3A_108, %dma_start3A_109] : memref<8x128x64xf32, #tpu.memory_space<vmem>> -> memref<1x128x64xf32, #tpu.memory_space<vmem>>
    %dma_start3A_111 = tpu.memref_squeeze %dma_start3A_110 : memref<1x128x64xf32, #tpu.memory_space<vmem>> -> memref<128x64xf32, #tpu.memory_space<vmem>>
    tpu.enqueue_dma source(%dma_start3A_111 : memref<128x64xf32, #tpu.memory_space<vmem>>) target(%dma_start3A_107 : memref<128x64xf32, #tpu.memory_space<hbm>>) target_semaphore(%arg15 : memref<!tpu.dma_semaphore, #tpu.memory_space<semaphore_mem>>)
    %dma_start3A_112 = arith.constant 7 : i32
    %dma_start3A_113 = arith.constant 7 : i32
    %dma_start3A_114 = arith.constant 0 : i32
    %dma_start3A_115 = arith.constant 0 : i32
    %dma_start3A_116 = tpu.memref_slice %arg6[%dma_start3A_113, %dma_start3A_114, %dma_start3A_115] : memref<8x128x64xf32, #tpu.memory_space<vmem>> -> memref<1x128x64xf32, #tpu.memory_space<vmem>>
    %dma_start3A_117 = tpu.memref_squeeze %dma_start3A_116 : memref<1x128x64xf32, #tpu.memory_space<vmem>> -> memref<128x64xf32, #tpu.memory_space<vmem>>
    %dma_start3A_118 = arith.constant 0 : i32
    %dma_start3A_119 = tpu.memref_slice %arg5[%dma_start3A_112, %dma_start3A_118] : memref<200x128xi32, #tpu.memory_space<vmem>> -> memref<1x128xi32, #tpu.memory_space<vmem>>
    %dma_start3A_120 = tpu.memref_squeeze %dma_start3A_119 : memref<1x128xi32, #tpu.memory_space<vmem>> -> memref<128xi32, #tpu.memory_space<vmem>>
    %dma_start3A_121 = arith.constant 0 : i32
    %dma_start3A_122 = arith.constant 0 : i32
    %dma_start3A_123 = tpu.memref_slice %arg3[%dma_start3A_121, %dma_start3A_122] : memref<1015808x64xf32, #tpu.memory_space<hbm>> -> memref<1015808x64xf32, #tpu.memory_space<hbm>>
    tpu.enqueue_indirect_dma source(%dma_start3A_123 : memref<1015808x64xf32, #tpu.memory_space<hbm>>) target(%dma_start3A_117 : memref<128x64xf32, #tpu.memory_space<vmem>>) offsets(%dma_start3A_120 : memref<128xi32, #tpu.memory_space<vmem>>) semaphore(%arg14 : memref<!tpu.dma_semaphore, #tpu.memory_space<semaphore_mem>>)
    %dma_wait3A_124 = arith.constant 1 : i32
    %dma_wait3A_125 = arith.constant 1 : i32
    %dma_wait3A_126 = arith.constant 0 : i32
    %dma_wait3A_127 = arith.constant 0 : i32
    %dma_wait3A_128 = tpu.memref_slice %arg6[%dma_wait3A_125, %dma_wait3A_126, %dma_wait3A_127] : memref<8x128x64xf32, #tpu.memory_space<vmem>> -> memref<1x128x64xf32, #tpu.memory_space<vmem>>
    %dma_wait3A_129 = tpu.memref_squeeze %dma_wait3A_128 : memref<1x128x64xf32, #tpu.memory_space<vmem>> -> memref<128x64xf32, #tpu.memory_space<vmem>>
    %dma_wait3A_130 = arith.constant 0 : i32
    %dma_wait3A_131 = tpu.memref_slice %arg5[%dma_wait3A_124, %dma_wait3A_130] : memref<200x128xi32, #tpu.memory_space<vmem>> -> memref<1x128xi32, #tpu.memory_space<vmem>>
    %dma_wait3A_132 = tpu.memref_squeeze %dma_wait3A_131 : memref<1x128xi32, #tpu.memory_space<vmem>> -> memref<128xi32, #tpu.memory_space<vmem>>
    %dma_wait3A_133 = arith.constant 0 : i32
    %dma_wait3A_134 = arith.constant 0 : i32
    %dma_wait3A_135 = tpu.memref_slice %arg3[%dma_wait3A_133, %dma_wait3A_134] : memref<1015808x64xf32, #tpu.memory_space<hbm>> -> memref<1015808x64xf32, #tpu.memory_space<hbm>>
    tpu.wait_indirect_dma semaphore(%arg8 : memref<!tpu.dma_semaphore, #tpu.memory_space<semaphore_mem>>) src(%dma_wait3A_135 : memref<1015808x64xf32, #tpu.memory_space<hbm>>) dst(%dma_wait3A_129 : memref<128x64xf32, #tpu.memory_space<vmem>>)
    %add3A_136 = arith.constant 128 : i32
    %add3A_137 = arith.addi %mul3A_2, %add3A_136 : i32
    %dma_start3A_138 = arith.constant 1 : i32
    %dma_start3A_139 = arith.constant 0 : i32
    %dma_start3A_140 = arith.constant 0 : i32
    %dma_start3A_141 = tpu.memref_slice %arg6[%dma_start3A_138, %dma_start3A_139, %dma_start3A_140] : memref<8x128x64xf32, #tpu.memory_space<vmem>> -> memref<1x128x64xf32, #tpu.memory_space<vmem>>
    %dma_start3A_142 = tpu.memref_squeeze %dma_start3A_141 : memref<1x128x64xf32, #tpu.memory_space<vmem>> -> memref<128x64xf32, #tpu.memory_space<vmem>>
    %dma_start3A_143 = arith.constant 0 : i32
    %dma_start3A_144 = tpu.memref_slice %arg4[%add3A_137, %dma_start3A_143] : memref<819200x128xf32, #tpu.memory_space<hbm>> -> memref<128x64xf32, #tpu.memory_space<hbm>>
    %dma_start3A_145 = arith.constant 0 : i32
    %dma_start3A_146 = tpu.memref_slice %arg4[%add3A_137, %dma_start3A_145] : memref<819200x128xf32, #tpu.memory_space<hbm>> -> memref<128x64xf32, #tpu.memory_space<hbm>>
    %dma_start3A_147 = arith.constant 0 : i32
    %dma_start3A_148 = arith.constant 0 : i32
    %dma_start3A_149 = tpu.memref_slice %arg6[%dma_start3A_138, %dma_start3A_147, %dma_start3A_148] : memref<8x128x64xf32, #tpu.memory_space<vmem>> -> memref<1x128x64xf32, #tpu.memory_space<vmem>>
    %dma_start3A_150 = tpu.memref_squeeze %dma_start3A_149 : memref<1x128x64xf32, #tpu.memory_space<vmem>> -> memref<128x64xf32, #tpu.memory_space<vmem>>
    tpu.enqueue_dma source(%dma_start3A_150 : memref<128x64xf32, #tpu.memory_space<vmem>>) target(%dma_start3A_146 : memref<128x64xf32, #tpu.memory_space<hbm>>) target_semaphore(%arg16 : memref<!tpu.dma_semaphore, #tpu.memory_space<semaphore_mem>>)
    %add3A_151 = arith.constant 0 : i32
    %add3A_152 = arith.addi %mul3A_2, %add3A_151 : i32
    %dma_wait3A_153 = arith.constant 0 : i32
    %dma_wait3A_154 = arith.constant 0 : i32
    %dma_wait3A_155 = arith.constant 0 : i32
    %dma_wait3A_156 = tpu.memref_slice %arg6[%dma_wait3A_153, %dma_wait3A_154, %dma_wait3A_155] : memref<8x128x64xf32, #tpu.memory_space<vmem>> -> memref<1x128x64xf32, #tpu.memory_space<vmem>>
    %dma_wait3A_157 = tpu.memref_squeeze %dma_wait3A_156 : memref<1x128x64xf32, #tpu.memory_space<vmem>> -> memref<128x64xf32, #tpu.memory_space<vmem>>
    %dma_wait3A_158 = arith.constant 0 : i32
    %dma_wait3A_159 = tpu.memref_slice %arg4[%add3A_152, %dma_wait3A_158] : memref<819200x128xf32, #tpu.memory_space<hbm>> -> memref<128x64xf32, #tpu.memory_space<hbm>>
    %dma_wait3A_160 = arith.constant 0 : i32
    %dma_wait3A_161 = tpu.memref_slice %arg4[%add3A_152, %dma_wait3A_160] : memref<819200x128xf32, #tpu.memory_space<hbm>> -> memref<128x64xf32, #tpu.memory_space<hbm>>
    %dma_wait3A_162 = arith.constant 0 : i32
    %dma_wait3A_163 = arith.constant 0 : i32
    %dma_wait3A_164 = tpu.memref_slice %arg6[%dma_wait3A_153, %dma_wait3A_162, %dma_wait3A_163] : memref<8x128x64xf32, #tpu.memory_space<vmem>> -> memref<1x128x64xf32, #tpu.memory_space<vmem>>
    %dma_wait3A_165 = tpu.memref_squeeze %dma_wait3A_164 : memref<1x128x64xf32, #tpu.memory_space<vmem>> -> memref<128x64xf32, #tpu.memory_space<vmem>>
    tpu.wait_dma2 semaphore(%arg15 : memref<!tpu.dma_semaphore, #tpu.memory_space<semaphore_mem>>) src(%dma_wait3A_165 : memref<128x64xf32, #tpu.memory_space<vmem>>) dst(%dma_wait3A_161 : memref<128x64xf32, #tpu.memory_space<hbm>>)
    %dma_start3A_166 = arith.constant 8 : i32
    %dma_start3A_167 = arith.constant 0 : i32
    %dma_start3A_168 = arith.constant 0 : i32
    %dma_start3A_169 = arith.constant 0 : i32
    %dma_start3A_170 = tpu.memref_slice %arg6[%dma_start3A_167, %dma_start3A_168, %dma_start3A_169] : memref<8x128x64xf32, #tpu.memory_space<vmem>> -> memref<1x128x64xf32, #tpu.memory_space<vmem>>
    %dma_start3A_171 = tpu.memref_squeeze %dma_start3A_170 : memref<1x128x64xf32, #tpu.memory_space<vmem>> -> memref<128x64xf32, #tpu.memory_space<vmem>>
    %dma_start3A_172 = arith.constant 0 : i32
    %dma_start3A_173 = tpu.memref_slice %arg5[%dma_start3A_166, %dma_start3A_172] : memref<200x128xi32, #tpu.memory_space<vmem>> -> memref<1x128xi32, #tpu.memory_space<vmem>>
    %dma_start3A_174 = tpu.memref_squeeze %dma_start3A_173 : memref<1x128xi32, #tpu.memory_space<vmem>> -> memref<128xi32, #tpu.memory_space<vmem>>
    %dma_start3A_175 = arith.constant 0 : i32
    %dma_start3A_176 = arith.constant 0 : i32
    %dma_start3A_177 = tpu.memref_slice %arg3[%dma_start3A_175, %dma_start3A_176] : memref<1015808x64xf32, #tpu.memory_space<hbm>> -> memref<1015808x64xf32, #tpu.memory_space<hbm>>
    tpu.enqueue_indirect_dma source(%dma_start3A_177 : memref<1015808x64xf32, #tpu.memory_space<hbm>>) target(%dma_start3A_171 : memref<128x64xf32, #tpu.memory_space<vmem>>) offsets(%dma_start3A_174 : memref<128xi32, #tpu.memory_space<vmem>>) semaphore(%arg7 : memref<!tpu.dma_semaphore, #tpu.memory_space<semaphore_mem>>)
    %dma_wait3A_178 = arith.constant 2 : i32
    %dma_wait3A_179 = arith.constant 2 : i32
    %dma_wait3A_180 = arith.constant 0 : i32
    %dma_wait3A_181 = arith.constant 0 : i32
    %dma_wait3A_182 = tpu.memref_slice %arg6[%dma_wait3A_179, %dma_wait3A_180, %dma_wait3A_181] : memref<8x128x64xf32, #tpu.memory_space<vmem>> -> memref<1x128x64xf32, #tpu.memory_space<vmem>>
    %dma_wait3A_183 = tpu.memref_squeeze %dma_wait3A_182 : memref<1x128x64xf32, #tpu.memory_space<vmem>> -> memref<128x64xf32, #tpu.memory_space<vmem>>
    %dma_wait3A_184 = arith.constant 0 : i32
    %dma_wait3A_185 = tpu.memref_slice %arg5[%dma_wait3A_178, %dma_wait3A_184] : memref<200x128xi32, #tpu.memory_space<vmem>> -> memref<1x128xi32, #tpu.memory_space<vmem>>
    %dma_wait3A_186 = tpu.memref_squeeze %dma_wait3A_185 : memref<1x128xi32, #tpu.memory_space<vmem>> -> memref<128xi32, #tpu.memory_space<vmem>>
    %dma_wait3A_187 = arith.constant 0 : i32
    %dma_wait3A_188 = arith.constant 0 : i32
    %dma_wait3A_189 = tpu.memref_slice %arg3[%dma_wait3A_187, %dma_wait3A_188] : memref<1015808x64xf32, #tpu.memory_space<hbm>> -> memref<1015808x64xf32, #tpu.memory_space<hbm>>
    tpu.wait_indirect_dma semaphore(%arg9 : memref<!tpu.dma_semaphore, #tpu.memory_space<semaphore_mem>>) src(%dma_wait3A_189 : memref<1015808x64xf32, #tpu.memory_space<hbm>>) dst(%dma_wait3A_183 : memref<128x64xf32, #tpu.memory_space<vmem>>)
    %add3A_190 = arith.constant 256 : i32
    %add3A_191 = arith.addi %mul3A_2, %add3A_190 : i32
    %dma_start3A_192 = arith.constant 2 : i32
    %dma_start3A_193 = arith.constant 0 : i32
    %dma_start3A_194 = arith.constant 0 : i32
    %dma_start3A_195 = tpu.memref_slice %arg6[%dma_start3A_192, %dma_start3A_193, %dma_start3A_194] : memref<8x128x64xf32, #tpu.memory_space<vmem>> -> memref<1x128x64xf32, #tpu.memory_space<vmem>>
    %dma_start3A_196 = tpu.memref_squeeze %dma_start3A_195 : memref<1x128x64xf32, #tpu.memory_space<vmem>> -> memref<128x64xf32, #tpu.memory_space<vmem>>
    %dma_start3A_197 = arith.constant 0 : i32
    %dma_start3A_198 = tpu.memref_slice %arg4[%add3A_191, %dma_start3A_197] : memref<819200x128xf32, #tpu.memory_space<hbm>> -> memref<128x64xf32, #tpu.memory_space<hbm>>
    %dma_start3A_199 = arith.constant 0 : i32
    %dma_start3A_200 = tpu.memref_slice %arg4[%add3A_191, %dma_start3A_199] : memref<819200x128xf32, #tpu.memory_space<hbm>> -> memref<128x64xf32, #tpu.memory_space<hbm>>
    %dma_start3A_201 = arith.constant 0 : i32
    %dma_start3A_202 = arith.constant 0 : i32
    %dma_start3A_203 = tpu.memref_slice %arg6[%dma_start3A_192, %dma_start3A_201, %dma_start3A_202] : memref<8x128x64xf32, #tpu.memory_space<vmem>> -> memref<1x128x64xf32, #tpu.memory_space<vmem>>
    %dma_start3A_204 = tpu.memref_squeeze %dma_start3A_203 : memref<1x128x64xf32, #tpu.memory_space<vmem>> -> memref<128x64xf32, #tpu.memory_space<vmem>>
    tpu.enqueue_dma source(%dma_start3A_204 : memref<128x64xf32, #tpu.memory_space<vmem>>) target(%dma_start3A_200 : memref<128x64xf32, #tpu.memory_space<hbm>>) target_semaphore(%arg17 : memref<!tpu.dma_semaphore, #tpu.memory_space<semaphore_mem>>)
    %add3A_205 = arith.constant 128 : i32
    %add3A_206 = arith.addi %mul3A_2, %add3A_205 : i32
    %dma_wait3A_207 = arith.constant 1 : i32
    %dma_wait3A_208 = arith.constant 0 : i32
    %dma_wait3A_209 = arith.constant 0 : i32
    %dma_wait3A_210 = tpu.memref_slice %arg6[%dma_wait3A_207, %dma_wait3A_208, %dma_wait3A_209] : memref<8x128x64xf32, #tpu.memory_space<vmem>> -> memref<1x128x64xf32, #tpu.memory_space<vmem>>
    %dma_wait3A_211 = tpu.memref_squeeze %dma_wait3A_210 : memref<1x128x64xf32, #tpu.memory_space<vmem>> -> memref<128x64xf32, #tpu.memory_space<vmem>>
    %dma_wait3A_212 = arith.constant 0 : i32
    %dma_wait3A_213 = tpu.memref_slice %arg4[%add3A_206, %dma_wait3A_212] : memref<819200x128xf32, #tpu.memory_space<hbm>> -> memref<128x64xf32, #tpu.memory_space<hbm>>
    %dma_wait3A_214 = arith.constant 0 : i32
    %dma_wait3A_215 = tpu.memref_slice %arg4[%add3A_206, %dma_wait3A_214] : memref<819200x128xf32, #tpu.memory_space<hbm>> -> memref<128x64xf32, #tpu.memory_space<hbm>>
    %dma_wait3A_216 = arith.constant 0 : i32
    %dma_wait3A_217 = arith.constant 0 : i32
    %dma_wait3A_218 = tpu.memref_slice %arg6[%dma_wait3A_207, %dma_wait3A_216, %dma_wait3A_217] : memref<8x128x64xf32, #tpu.memory_space<vmem>> -> memref<1x128x64xf32, #tpu.memory_space<vmem>>
    %dma_wait3A_219 = tpu.memref_squeeze %dma_wait3A_218 : memref<1x128x64xf32, #tpu.memory_space<vmem>> -> memref<128x64xf32, #tpu.memory_space<vmem>>
    tpu.wait_dma2 semaphore(%arg16 : memref<!tpu.dma_semaphore, #tpu.memory_space<semaphore_mem>>) src(%dma_wait3A_219 : memref<128x64xf32, #tpu.memory_space<vmem>>) dst(%dma_wait3A_215 : memref<128x64xf32, #tpu.memory_space<hbm>>)
    %dma_start3A_220 = arith.constant 9 : i32
    %dma_start3A_221 = arith.constant 1 : i32
    %dma_start3A_222 = arith.constant 0 : i32
    %dma_start3A_223 = arith.constant 0 : i32
    %dma_start3A_224 = tpu.memref_slice %arg6[%dma_start3A_221, %dma_start3A_222, %dma_start3A_223] : memref<8x128x64xf32, #tpu.memory_space<vmem>> -> memref<1x128x64xf32, #tpu.memory_space<vmem>>
    %dma_start3A_225 = tpu.memref_squeeze %dma_start3A_224 : memref<1x128x64xf32, #tpu.memory_space<vmem>> -> memref<128x64xf32, #tpu.memory_space<vmem>>
    %dma_start3A_226 = arith.constant 0 : i32
    %dma_start3A_227 = tpu.memref_slice %arg5[%dma_start3A_220, %dma_start3A_226] : memref<200x128xi32, #tpu.memory_space<vmem>> -> memref<1x128xi32, #tpu.memory_space<vmem>>
    %dma_start3A_228 = tpu.memref_squeeze %dma_start3A_227 : memref<1x128xi32, #tpu.memory_space<vmem>> -> memref<128xi32, #tpu.memory_space<vmem>>
    %dma_start3A_229 = arith.constant 0 : i32
    %dma_start3A_230 = arith.constant 0 : i32
    %dma_start3A_231 = tpu.memref_slice %arg3[%dma_start3A_229, %dma_start3A_230] : memref<1015808x64xf32, #tpu.memory_space<hbm>> -> memref<1015808x64xf32, #tpu.memory_space<hbm>>
    tpu.enqueue_indirect_dma source(%dma_start3A_231 : memref<1015808x64xf32, #tpu.memory_space<hbm>>) target(%dma_start3A_225 : memref<128x64xf32, #tpu.memory_space<vmem>>) offsets(%dma_start3A_228 : memref<128xi32, #tpu.memory_space<vmem>>) semaphore(%arg8 : memref<!tpu.dma_semaphore, #tpu.memory_space<semaphore_mem>>)
    %dma_wait3A_232 = arith.constant 3 : i32
    %dma_wait3A_233 = arith.constant 3 : i32
    %dma_wait3A_234 = arith.constant 0 : i32
    %dma_wait3A_235 = arith.constant 0 : i32
    %dma_wait3A_236 = tpu.memref_slice %arg6[%dma_wait3A_233, %dma_wait3A_234, %dma_wait3A_235] : memref<8x128x64xf32, #tpu.memory_space<vmem>> -> memref<1x128x64xf32, #tpu.memory_space<vmem>>
    %dma_wait3A_237 = tpu.memref_squeeze %dma_wait3A_236 : memref<1x128x64xf32, #tpu.memory_space<vmem>> -> memref<128x64xf32, #tpu.memory_space<vmem>>
    %dma_wait3A_238 = arith.constant 0 : i32
    %dma_wait3A_239 = tpu.memref_slice %arg5[%dma_wait3A_232, %dma_wait3A_238] : memref<200x128xi32, #tpu.memory_space<vmem>> -> memref<1x128xi32, #tpu.memory_space<vmem>>
    %dma_wait3A_240 = tpu.memref_squeeze %dma_wait3A_239 : memref<1x128xi32, #tpu.memory_space<vmem>> -> memref<128xi32, #tpu.memory_space<vmem>>
    %dma_wait3A_241 = arith.constant 0 : i32
    %dma_wait3A_242 = arith.constant 0 : i32
    %dma_wait3A_243 = tpu.memref_slice %arg3[%dma_wait3A_241, %dma_wait3A_242] : memref<1015808x64xf32, #tpu.memory_space<hbm>> -> memref<1015808x64xf32, #tpu.memory_space<hbm>>
    tpu.wait_indirect_dma semaphore(%arg10 : memref<!tpu.dma_semaphore, #tpu.memory_space<semaphore_mem>>) src(%dma_wait3A_243 : memref<1015808x64xf32, #tpu.memory_space<hbm>>) dst(%dma_wait3A_237 : memref<128x64xf32, #tpu.memory_space<vmem>>)
    %add3A_244 = arith.constant 384 : i32
    %add3A_245 = arith.addi %mul3A_2, %add3A_244 : i32
    %dma_start3A_246 = arith.constant 3 : i32
    %dma_start3A_247 = arith.constant 0 : i32
    %dma_start3A_248 = arith.constant 0 : i32
    %dma_start3A_249 = tpu.memref_slice %arg6[%dma_start3A_246, %dma_start3A_247, %dma_start3A_248] : memref<8x128x64xf32, #tpu.memory_space<vmem>> -> memref<1x128x64xf32, #tpu.memory_space<vmem>>
    %dma_start3A_250 = tpu.memref_squeeze %dma_start3A_249 : memref<1x128x64xf32, #tpu.memory_space<vmem>> -> memref<128x64xf32, #tpu.memory_space<vmem>>
    %dma_start3A_251 = arith.constant 0 : i32
    %dma_start3A_252 = tpu.memref_slice %arg4[%add3A_245, %dma_start3A_251] : memref<819200x128xf32, #tpu.memory_space<hbm>> -> memref<128x64xf32, #tpu.memory_space<hbm>>
    %dma_start3A_253 = arith.constant 0 : i32
    %dma_start3A_254 = tpu.memref_slice %arg4[%add3A_245, %dma_start3A_253] : memref<819200x128xf32, #tpu.memory_space<hbm>> -> memref<128x64xf32, #tpu.memory_space<hbm>>
    %dma_start3A_255 = arith.constant 0 : i32
    %dma_start3A_256 = arith.constant 0 : i32
    %dma_start3A_257 = tpu.memref_slice %arg6[%dma_start3A_246, %dma_start3A_255, %dma_start3A_256] : memref<8x128x64xf32, #tpu.memory_space<vmem>> -> memref<1x128x64xf32, #tpu.memory_space<vmem>>
    %dma_start3A_258 = tpu.memref_squeeze %dma_start3A_257 : memref<1x128x64xf32, #tpu.memory_space<vmem>> -> memref<128x64xf32, #tpu.memory_space<vmem>>
    tpu.enqueue_dma source(%dma_start3A_258 : memref<128x64xf32, #tpu.memory_space<vmem>>) target(%dma_start3A_254 : memref<128x64xf32, #tpu.memory_space<hbm>>) target_semaphore(%arg18 : memref<!tpu.dma_semaphore, #tpu.memory_space<semaphore_mem>>)
    %add3A_259 = arith.constant 256 : i32
    %add3A_260 = arith.addi %mul3A_2, %add3A_259 : i32
    %dma_wait3A_261 = arith.constant 2 : i32
    %dma_wait3A_262 = arith.constant 0 : i32
    %dma_wait3A_263 = arith.constant 0 : i32
    %dma_wait3A_264 = tpu.memref_slice %arg6[%dma_wait3A_261, %dma_wait3A_262, %dma_wait3A_263] : memref<8x128x64xf32, #tpu.memory_space<vmem>> -> memref<1x128x64xf32, #tpu.memory_space<vmem>>
    %dma_wait3A_265 = tpu.memref_squeeze %dma_wait3A_264 : memref<1x128x64xf32, #tpu.memory_space<vmem>> -> memref<128x64xf32, #tpu.memory_space<vmem>>
    %dma_wait3A_266 = arith.constant 0 : i32
    %dma_wait3A_267 = tpu.memref_slice %arg4[%add3A_260, %dma_wait3A_266] : memref<819200x128xf32, #tpu.memory_space<hbm>> -> memref<128x64xf32, #tpu.memory_space<hbm>>
    %dma_wait3A_268 = arith.constant 0 : i32
    %dma_wait3A_269 = tpu.memref_slice %arg4[%add3A_260, %dma_wait3A_268] : memref<819200x128xf32, #tpu.memory_space<hbm>> -> memref<128x64xf32, #tpu.memory_space<hbm>>
    %dma_wait3A_270 = arith.constant 0 : i32
    %dma_wait3A_271 = arith.constant 0 : i32
    %dma_wait3A_272 = tpu.memref_slice %arg6[%dma_wait3A_261, %dma_wait3A_270, %dma_wait3A_271] : memref<8x128x64xf32, #tpu.memory_space<vmem>> -> memref<1x128x64xf32, #tpu.memory_space<vmem>>
    %dma_wait3A_273 = tpu.memref_squeeze %dma_wait3A_272 : memref<1x128x64xf32, #tpu.memory_space<vmem>> -> memref<128x64xf32, #tpu.memory_space<vmem>>
    tpu.wait_dma2 semaphore(%arg17 : memref<!tpu.dma_semaphore, #tpu.memory_space<semaphore_mem>>) src(%dma_wait3A_273 : memref<128x64xf32, #tpu.memory_space<vmem>>) dst(%dma_wait3A_269 : memref<128x64xf32, #tpu.memory_space<hbm>>)
    %dma_start3A_274 = arith.constant 10 : i32
    %dma_start3A_275 = arith.constant 2 : i32
    %dma_start3A_276 = arith.constant 0 : i32
    %dma_start3A_277 = arith.constant 0 : i32
    %dma_start3A_278 = tpu.memref_slice %arg6[%dma_start3A_275, %dma_start3A_276, %dma_start3A_277] : memref<8x128x64xf32, #tpu.memory_space<vmem>> -> memref<1x128x64xf32, #tpu.memory_space<vmem>>
    %dma_start3A_279 = tpu.memref_squeeze %dma_start3A_278 : memref<1x128x64xf32, #tpu.memory_space<vmem>> -> memref<128x64xf32, #tpu.memory_space<vmem>>
    %dma_start3A_280 = arith.constant 0 : i32
    %dma_start3A_281 = tpu.memref_slice %arg5[%dma_start3A_274, %dma_start3A_280] : memref<200x128xi32, #tpu.memory_space<vmem>> -> memref<1x128xi32, #tpu.memory_space<vmem>>
    %dma_start3A_282 = tpu.memref_squeeze %dma_start3A_281 : memref<1x128xi32, #tpu.memory_space<vmem>> -> memref<128xi32, #tpu.memory_space<vmem>>
    %dma_start3A_283 = arith.constant 0 : i32
    %dma_start3A_284 = arith.constant 0 : i32
    %dma_start3A_285 = tpu.memref_slice %arg3[%dma_start3A_283, %dma_start3A_284] : memref<1015808x64xf32, #tpu.memory_space<hbm>> -> memref<1015808x64xf32, #tpu.memory_space<hbm>>
    tpu.enqueue_indirect_dma source(%dma_start3A_285 : memref<1015808x64xf32, #tpu.memory_space<hbm>>) target(%dma_start3A_279 : memref<128x64xf32, #tpu.memory_space<vmem>>) offsets(%dma_start3A_282 : memref<128xi32, #tpu.memory_space<vmem>>) semaphore(%arg9 : memref<!tpu.dma_semaphore, #tpu.memory_space<semaphore_mem>>)
    %dma_wait3A_286 = arith.constant 4 : i32
    %dma_wait3A_287 = arith.constant 4 : i32
    %dma_wait3A_288 = arith.constant 0 : i32
    %dma_wait3A_289 = arith.constant 0 : i32
    %dma_wait3A_290 = tpu.memref_slice %arg6[%dma_wait3A_287, %dma_wait3A_288, %dma_wait3A_289] : memref<8x128x64xf32, #tpu.memory_space<vmem>> -> memref<1x128x64xf32, #tpu.memory_space<vmem>>
    %dma_wait3A_291 = tpu.memref_squeeze %dma_wait3A_290 : memref<1x128x64xf32, #tpu.memory_space<vmem>> -> memref<128x64xf32, #tpu.memory_space<vmem>>
    %dma_wait3A_292 = arith.constant 0 : i32
    %dma_wait3A_293 = tpu.memref_slice %arg5[%dma_wait3A_286, %dma_wait3A_292] : memref<200x128xi32, #tpu.memory_space<vmem>> -> memref<1x128xi32, #tpu.memory_space<vmem>>
    %dma_wait3A_294 = tpu.memref_squeeze %dma_wait3A_293 : memref<1x128xi32, #tpu.memory_space<vmem>> -> memref<128xi32, #tpu.memory_space<vmem>>
    %dma_wait3A_295 = arith.constant 0 : i32
    %dma_wait3A_296 = arith.constant 0 : i32
    %dma_wait3A_297 = tpu.memref_slice %arg3[%dma_wait3A_295, %dma_wait3A_296] : memref<1015808x64xf32, #tpu.memory_space<hbm>> -> memref<1015808x64xf32, #tpu.memory_space<hbm>>
    tpu.wait_indirect_dma semaphore(%arg11 : memref<!tpu.dma_semaphore, #tpu.memory_space<semaphore_mem>>) src(%dma_wait3A_297 : memref<1015808x64xf32, #tpu.memory_space<hbm>>) dst(%dma_wait3A_291 : memref<128x64xf32, #tpu.memory_space<vmem>>)
    %add3A_298 = arith.constant 512 : i32
    %add3A_299 = arith.addi %mul3A_2, %add3A_298 : i32
    %dma_start3A_300 = arith.constant 4 : i32
    %dma_start3A_301 = arith.constant 0 : i32
    %dma_start3A_302 = arith.constant 0 : i32
    %dma_start3A_303 = tpu.memref_slice %arg6[%dma_start3A_300, %dma_start3A_301, %dma_start3A_302] : memref<8x128x64xf32, #tpu.memory_space<vmem>> -> memref<1x128x64xf32, #tpu.memory_space<vmem>>
    %dma_start3A_304 = tpu.memref_squeeze %dma_start3A_303 : memref<1x128x64xf32, #tpu.memory_space<vmem>> -> memref<128x64xf32, #tpu.memory_space<vmem>>
    %dma_start3A_305 = arith.constant 0 : i32
    %dma_start3A_306 = tpu.memref_slice %arg4[%add3A_299, %dma_start3A_305] : memref<819200x128xf32, #tpu.memory_space<hbm>> -> memref<128x64xf32, #tpu.memory_space<hbm>>
    %dma_start3A_307 = arith.constant 0 : i32
    %dma_start3A_308 = tpu.memref_slice %arg4[%add3A_299, %dma_start3A_307] : memref<819200x128xf32, #tpu.memory_space<hbm>> -> memref<128x64xf32, #tpu.memory_space<hbm>>
    %dma_start3A_309 = arith.constant 0 : i32
    %dma_start3A_310 = arith.constant 0 : i32
    %dma_start3A_311 = tpu.memref_slice %arg6[%dma_start3A_300, %dma_start3A_309, %dma_start3A_310] : memref<8x128x64xf32, #tpu.memory_space<vmem>> -> memref<1x128x64xf32, #tpu.memory_space<vmem>>
    %dma_start3A_312 = tpu.memref_squeeze %dma_start3A_311 : memref<1x128x64xf32, #tpu.memory_space<vmem>> -> memref<128x64xf32, #tpu.memory_space<vmem>>
    tpu.enqueue_dma source(%dma_start3A_312 : memref<128x64xf32, #tpu.memory_space<vmem>>) target(%dma_start3A_308 : memref<128x64xf32, #tpu.memory_space<hbm>>) target_semaphore(%arg19 : memref<!tpu.dma_semaphore, #tpu.memory_space<semaphore_mem>>)
    %add3A_313 = arith.constant 384 : i32
    %add3A_314 = arith.addi %mul3A_2, %add3A_313 : i32
    %dma_wait3A_315 = arith.constant 3 : i32
    %dma_wait3A_316 = arith.constant 0 : i32
    %dma_wait3A_317 = arith.constant 0 : i32
    %dma_wait3A_318 = tpu.memref_slice %arg6[%dma_wait3A_315, %dma_wait3A_316, %dma_wait3A_317] : memref<8x128x64xf32, #tpu.memory_space<vmem>> -> memref<1x128x64xf32, #tpu.memory_space<vmem>>
    %dma_wait3A_319 = tpu.memref_squeeze %dma_wait3A_318 : memref<1x128x64xf32, #tpu.memory_space<vmem>> -> memref<128x64xf32, #tpu.memory_space<vmem>>
    %dma_wait3A_320 = arith.constant 0 : i32
    %dma_wait3A_321 = tpu.memref_slice %arg4[%add3A_314, %dma_wait3A_320] : memref<819200x128xf32, #tpu.memory_space<hbm>> -> memref<128x64xf32, #tpu.memory_space<hbm>>
    %dma_wait3A_322 = arith.constant 0 : i32
    %dma_wait3A_323 = tpu.memref_slice %arg4[%add3A_314, %dma_wait3A_322] : memref<819200x128xf32, #tpu.memory_space<hbm>> -> memref<128x64xf32, #tpu.memory_space<hbm>>
    %dma_wait3A_324 = arith.constant 0 : i32
    %dma_wait3A_325 = arith.constant 0 : i32
    %dma_wait3A_326 = tpu.memref_slice %arg6[%dma_wait3A_315, %dma_wait3A_324, %dma_wait3A_325] : memref<8x128x64xf32, #tpu.memory_space<vmem>> -> memref<1x128x64xf32, #tpu.memory_space<vmem>>
    %dma_wait3A_327 = tpu.memref_squeeze %dma_wait3A_326 : memref<1x128x64xf32, #tpu.memory_space<vmem>> -> memref<128x64xf32, #tpu.memory_space<vmem>>
    tpu.wait_dma2 semaphore(%arg18 : memref<!tpu.dma_semaphore, #tpu.memory_space<semaphore_mem>>) src(%dma_wait3A_327 : memref<128x64xf32, #tpu.memory_space<vmem>>) dst(%dma_wait3A_323 : memref<128x64xf32, #tpu.memory_space<hbm>>)
    %dma_start3A_328 = arith.constant 11 : i32
    %dma_start3A_329 = arith.constant 3 : i32
    %dma_start3A_330 = arith.constant 0 : i32
    %dma_start3A_331 = arith.constant 0 : i32
    %dma_start3A_332 = tpu.memref_slice %arg6[%dma_start3A_329, %dma_start3A_330, %dma_start3A_331] : memref<8x128x64xf32, #tpu.memory_space<vmem>> -> memref<1x128x64xf32, #tpu.memory_space<vmem>>
    %dma_start3A_333 = tpu.memref_squeeze %dma_start3A_332 : memref<1x128x64xf32, #tpu.memory_space<vmem>> -> memref<128x64xf32, #tpu.memory_space<vmem>>
    %dma_start3A_334 = arith.constant 0 : i32
    %dma_start3A_335 = tpu.memref_slice %arg5[%dma_start3A_328, %dma_start3A_334] : memref<200x128xi32, #tpu.memory_space<vmem>> -> memref<1x128xi32, #tpu.memory_space<vmem>>
    %dma_start3A_336 = tpu.memref_squeeze %dma_start3A_335 : memref<1x128xi32, #tpu.memory_space<vmem>> -> memref<128xi32, #tpu.memory_space<vmem>>
    %dma_start3A_337 = arith.constant 0 : i32
    %dma_start3A_338 = arith.constant 0 : i32
    %dma_start3A_339 = tpu.memref_slice %arg3[%dma_start3A_337, %dma_start3A_338] : memref<1015808x64xf32, #tpu.memory_space<hbm>> -> memref<1015808x64xf32, #tpu.memory_space<hbm>>
    tpu.enqueue_indirect_dma source(%dma_start3A_339 : memref<1015808x64xf32, #tpu.memory_space<hbm>>) target(%dma_start3A_333 : memref<128x64xf32, #tpu.memory_space<vmem>>) offsets(%dma_start3A_336 : memref<128xi32, #tpu.memory_space<vmem>>) semaphore(%arg10 : memref<!tpu.dma_semaphore, #tpu.memory_space<semaphore_mem>>)
    %dma_wait3A_340 = arith.constant 5 : i32
    %dma_wait3A_341 = arith.constant 5 : i32
    %dma_wait3A_342 = arith.constant 0 : i32
    %dma_wait3A_343 = arith.constant 0 : i32
    %dma_wait3A_344 = tpu.memref_slice %arg6[%dma_wait3A_341, %dma_wait3A_342, %dma_wait3A_343] : memref<8x128x64xf32, #tpu.memory_space<vmem>> -> memref<1x128x64xf32, #tpu.memory_space<vmem>>
    %dma_wait3A_345 = tpu.memref_squeeze %dma_wait3A_344 : memref<1x128x64xf32, #tpu.memory_space<vmem>> -> memref<128x64xf32, #tpu.memory_space<vmem>>
    %dma_wait3A_346 = arith.constant 0 : i32
    %dma_wait3A_347 = tpu.memref_slice %arg5[%dma_wait3A_340, %dma_wait3A_346] : memref<200x128xi32, #tpu.memory_space<vmem>> -> memref<1x128xi32, #tpu.memory_space<vmem>>
    %dma_wait3A_348 = tpu.memref_squeeze %dma_wait3A_347 : memref<1x128xi32, #tpu.memory_space<vmem>> -> memref<128xi32, #tpu.memory_space<vmem>>
    %dma_wait3A_349 = arith.constant 0 : i32
    %dma_wait3A_350 = arith.constant 0 : i32
    %dma_wait3A_351 = tpu.memref_slice %arg3[%dma_wait3A_349, %dma_wait3A_350] : memref<1015808x64xf32, #tpu.memory_space<hbm>> -> memref<1015808x64xf32, #tpu.memory_space<hbm>>
    tpu.wait_indirect_dma semaphore(%arg12 : memref<!tpu.dma_semaphore, #tpu.memory_space<semaphore_mem>>) src(%dma_wait3A_351 : memref<1015808x64xf32, #tpu.memory_space<hbm>>) dst(%dma_wait3A_345 : memref<128x64xf32, #tpu.memory_space<vmem>>)
    %add3A_352 = arith.constant 640 : i32
    %add3A_353 = arith.addi %mul3A_2, %add3A_352 : i32
    %dma_start3A_354 = arith.constant 5 : i32
    %dma_start3A_355 = arith.constant 0 : i32
    %dma_start3A_356 = arith.constant 0 : i32
    %dma_start3A_357 = tpu.memref_slice %arg6[%dma_start3A_354, %dma_start3A_355, %dma_start3A_356] : memref<8x128x64xf32, #tpu.memory_space<vmem>> -> memref<1x128x64xf32, #tpu.memory_space<vmem>>
    %dma_start3A_358 = tpu.memref_squeeze %dma_start3A_357 : memref<1x128x64xf32, #tpu.memory_space<vmem>> -> memref<128x64xf32, #tpu.memory_space<vmem>>
    %dma_start3A_359 = arith.constant 0 : i32
    %dma_start3A_360 = tpu.memref_slice %arg4[%add3A_353, %dma_start3A_359] : memref<819200x128xf32, #tpu.memory_space<hbm>> -> memref<128x64xf32, #tpu.memory_space<hbm>>
    %dma_start3A_361 = arith.constant 0 : i32
    %dma_start3A_362 = tpu.memref_slice %arg4[%add3A_353, %dma_start3A_361] : memref<819200x128xf32, #tpu.memory_space<hbm>> -> memref<128x64xf32, #tpu.memory_space<hbm>>
    %dma_start3A_363 = arith.constant 0 : i32
    %dma_start3A_364 = arith.constant 0 : i32
    %dma_start3A_365 = tpu.memref_slice %arg6[%dma_start3A_354, %dma_start3A_363, %dma_start3A_364] : memref<8x128x64xf32, #tpu.memory_space<vmem>> -> memref<1x128x64xf32, #tpu.memory_space<vmem>>
    %dma_start3A_366 = tpu.memref_squeeze %dma_start3A_365 : memref<1x128x64xf32, #tpu.memory_space<vmem>> -> memref<128x64xf32, #tpu.memory_space<vmem>>
    tpu.enqueue_dma source(%dma_start3A_366 : memref<128x64xf32, #tpu.memory_space<vmem>>) target(%dma_start3A_362 : memref<128x64xf32, #tpu.memory_space<hbm>>) target_semaphore(%arg20 : memref<!tpu.dma_semaphore, #tpu.memory_space<semaphore_mem>>)
    %add3A_367 = arith.constant 512 : i32
    %add3A_368 = arith.addi %mul3A_2, %add3A_367 : i32
    %dma_wait3A_369 = arith.constant 4 : i32
    %dma_wait3A_370 = arith.constant 0 : i32
    %dma_wait3A_371 = arith.constant 0 : i32
    %dma_wait3A_372 = tpu.memref_slice %arg6[%dma_wait3A_369, %dma_wait3A_370, %dma_wait3A_371] : memref<8x128x64xf32, #tpu.memory_space<vmem>> -> memref<1x128x64xf32, #tpu.memory_space<vmem>>
    %dma_wait3A_373 = tpu.memref_squeeze %dma_wait3A_372 : memref<1x128x64xf32, #tpu.memory_space<vmem>> -> memref<128x64xf32, #tpu.memory_space<vmem>>
    %dma_wait3A_374 = arith.constant 0 : i32
    %dma_wait3A_375 = tpu.memref_slice %arg4[%add3A_368, %dma_wait3A_374] : memref<819200x128xf32, #tpu.memory_space<hbm>> -> memref<128x64xf32, #tpu.memory_space<hbm>>
    %dma_wait3A_376 = arith.constant 0 : i32
    %dma_wait3A_377 = tpu.memref_slice %arg4[%add3A_368, %dma_wait3A_376] : memref<819200x128xf32, #tpu.memory_space<hbm>> -> memref<128x64xf32, #tpu.memory_space<hbm>>
    %dma_wait3A_378 = arith.constant 0 : i32
    %dma_wait3A_379 = arith.constant 0 : i32
    %dma_wait3A_380 = tpu.memref_slice %arg6[%dma_wait3A_369, %dma_wait3A_378, %dma_wait3A_379] : memref<8x128x64xf32, #tpu.memory_space<vmem>> -> memref<1x128x64xf32, #tpu.memory_space<vmem>>
    %dma_wait3A_381 = tpu.memref_squeeze %dma_wait3A_380 : memref<1x128x64xf32, #tpu.memory_space<vmem>> -> memref<128x64xf32, #tpu.memory_space<vmem>>
    tpu.wait_dma2 semaphore(%arg19 : memref<!tpu.dma_semaphore, #tpu.memory_space<semaphore_mem>>) src(%dma_wait3A_381 : memref<128x64xf32, #tpu.memory_space<vmem>>) dst(%dma_wait3A_377 : memref<128x64xf32, #tpu.memory_space<hbm>>)
    %dma_start3A_382 = arith.constant 12 : i32
    %dma_start3A_383 = arith.constant 4 : i32
    %dma_start3A_384 = arith.constant 0 : i32
    %dma_start3A_385 = arith.constant 0 : i32
    %dma_start3A_386 = tpu.memref_slice %arg6[%dma_start3A_383, %dma_start3A_384, %dma_start3A_385] : memref<8x128x64xf32, #tpu.memory_space<vmem>> -> memref<1x128x64xf32, #tpu.memory_space<vmem>>
    %dma_start3A_387 = tpu.memref_squeeze %dma_start3A_386 : memref<1x128x64xf32, #tpu.memory_space<vmem>> -> memref<128x64xf32, #tpu.memory_space<vmem>>
    %dma_start3A_388 = arith.constant 0 : i32
    %dma_start3A_389 = tpu.memref_slice %arg5[%dma_start3A_382, %dma_start3A_388] : memref<200x128xi32, #tpu.memory_space<vmem>> -> memref<1x128xi32, #tpu.memory_space<vmem>>
    %dma_start3A_390 = tpu.memref_squeeze %dma_start3A_389 : memref<1x128xi32, #tpu.memory_space<vmem>> -> memref<128xi32, #tpu.memory_space<vmem>>
    %dma_start3A_391 = arith.constant 0 : i32
    %dma_start3A_392 = arith.constant 0 : i32
    %dma_start3A_393 = tpu.memref_slice %arg3[%dma_start3A_391, %dma_start3A_392] : memref<1015808x64xf32, #tpu.memory_space<hbm>> -> memref<1015808x64xf32, #tpu.memory_space<hbm>>
    tpu.enqueue_indirect_dma source(%dma_start3A_393 : memref<1015808x64xf32, #tpu.memory_space<hbm>>) target(%dma_start3A_387 : memref<128x64xf32, #tpu.memory_space<vmem>>) offsets(%dma_start3A_390 : memref<128xi32, #tpu.memory_space<vmem>>) semaphore(%arg11 : memref<!tpu.dma_semaphore, #tpu.memory_space<semaphore_mem>>)
    %dma_wait3A_394 = arith.constant 6 : i32
    %dma_wait3A_395 = arith.constant 6 : i32
    %dma_wait3A_396 = arith.constant 0 : i32
    %dma_wait3A_397 = arith.constant 0 : i32
    %dma_wait3A_398 = tpu.memref_slice %arg6[%dma_wait3A_395, %dma_wait3A_396, %dma_wait3A_397] : memref<8x128x64xf32, #tpu.memory_space<vmem>> -> memref<1x128x64xf32, #tpu.memory_space<vmem>>
    %dma_wait3A_399 = tpu.memref_squeeze %dma_wait3A_398 : memref<1x128x64xf32, #tpu.memory_space<vmem>> -> memref<128x64xf32, #tpu.memory_space<vmem>>
    %dma_wait3A_400 = arith.constant 0 : i32
    %dma_wait3A_401 = tpu.memref_slice %arg5[%dma_wait3A_394, %dma_wait3A_400] : memref<200x128xi32, #tpu.memory_space<vmem>> -> memref<1x128xi32, #tpu.memory_space<vmem>>
    %dma_wait3A_402 = tpu.memref_squeeze %dma_wait3A_401 : memref<1x128xi32, #tpu.memory_space<vmem>> -> memref<128xi32, #tpu.memory_space<vmem>>
    %dma_wait3A_403 = arith.constant 0 : i32
    %dma_wait3A_404 = arith.constant 0 : i32
    %dma_wait3A_405 = tpu.memref_slice %arg3[%dma_wait3A_403, %dma_wait3A_404] : memref<1015808x64xf32, #tpu.memory_space<hbm>> -> memref<1015808x64xf32, #tpu.memory_space<hbm>>
    tpu.wait_indirect_dma semaphore(%arg13 : memref<!tpu.dma_semaphore, #tpu.memory_space<semaphore_mem>>) src(%dma_wait3A_405 : memref<1015808x64xf32, #tpu.memory_space<hbm>>) dst(%dma_wait3A_399 : memref<128x64xf32, #tpu.memory_space<vmem>>)
    %add3A_406 = arith.constant 768 : i32
    %add3A_407 = arith.addi %mul3A_2, %add3A_406 : i32
    %dma_start3A_408 = arith.constant 6 : i32
    %dma_start3A_409 = arith.constant 0 : i32
    %dma_start3A_410 = arith.constant 0 : i32
    %dma_start3A_411 = tpu.memref_slice %arg6[%dma_start3A_408, %dma_start3A_409, %dma_start3A_410] : memref<8x128x64xf32, #tpu.memory_space<vmem>> -> memref<1x128x64xf32, #tpu.memory_space<vmem>>
    %dma_start3A_412 = tpu.memref_squeeze %dma_start3A_411 : memref<1x128x64xf32, #tpu.memory_space<vmem>> -> memref<128x64xf32, #tpu.memory_space<vmem>>
    %dma_start3A_413 = arith.constant 0 : i32
    %dma_start3A_414 = tpu.memref_slice %arg4[%add3A_407, %dma_start3A_413] : memref<819200x128xf32, #tpu.memory_space<hbm>> -> memref<128x64xf32, #tpu.memory_space<hbm>>
    %dma_start3A_415 = arith.constant 0 : i32
    %dma_start3A_416 = tpu.memref_slice %arg4[%add3A_407, %dma_start3A_415] : memref<819200x128xf32, #tpu.memory_space<hbm>> -> memref<128x64xf32, #tpu.memory_space<hbm>>
    %dma_start3A_417 = arith.constant 0 : i32
    %dma_start3A_418 = arith.constant 0 : i32
    %dma_start3A_419 = tpu.memref_slice %arg6[%dma_start3A_408, %dma_start3A_417, %dma_start3A_418] : memref<8x128x64xf32, #tpu.memory_space<vmem>> -> memref<1x128x64xf32, #tpu.memory_space<vmem>>
    %dma_start3A_420 = tpu.memref_squeeze %dma_start3A_419 : memref<1x128x64xf32, #tpu.memory_space<vmem>> -> memref<128x64xf32, #tpu.memory_space<vmem>>
    tpu.enqueue_dma source(%dma_start3A_420 : memref<128x64xf32, #tpu.memory_space<vmem>>) target(%dma_start3A_416 : memref<128x64xf32, #tpu.memory_space<hbm>>) target_semaphore(%arg21 : memref<!tpu.dma_semaphore, #tpu.memory_space<semaphore_mem>>)
    %add3A_421 = arith.constant 640 : i32
    %add3A_422 = arith.addi %mul3A_2, %add3A_421 : i32
    %dma_wait3A_423 = arith.constant 5 : i32
    %dma_wait3A_424 = arith.constant 0 : i32
    %dma_wait3A_425 = arith.constant 0 : i32
    %dma_wait3A_426 = tpu.memref_slice %arg6[%dma_wait3A_423, %dma_wait3A_424, %dma_wait3A_425] : memref<8x128x64xf32, #tpu.memory_space<vmem>> -> memref<1x128x64xf32, #tpu.memory_space<vmem>>
    %dma_wait3A_427 = tpu.memref_squeeze %dma_wait3A_426 : memref<1x128x64xf32, #tpu.memory_space<vmem>> -> memref<128x64xf32, #tpu.memory_space<vmem>>
    %dma_wait3A_428 = arith.constant 0 : i32
    %dma_wait3A_429 = tpu.memref_slice %arg4[%add3A_422, %dma_wait3A_428] : memref<819200x128xf32, #tpu.memory_space<hbm>> -> memref<128x64xf32, #tpu.memory_space<hbm>>
    %dma_wait3A_430 = arith.constant 0 : i32
    %dma_wait3A_431 = tpu.memref_slice %arg4[%add3A_422, %dma_wait3A_430] : memref<819200x128xf32, #tpu.memory_space<hbm>> -> memref<128x64xf32, #tpu.memory_space<hbm>>
    %dma_wait3A_432 = arith.constant 0 : i32
    %dma_wait3A_433 = arith.constant 0 : i32
    %dma_wait3A_434 = tpu.memref_slice %arg6[%dma_wait3A_423, %dma_wait3A_432, %dma_wait3A_433] : memref<8x128x64xf32, #tpu.memory_space<vmem>> -> memref<1x128x64xf32, #tpu.memory_space<vmem>>
    %dma_wait3A_435 = tpu.memref_squeeze %dma_wait3A_434 : memref<1x128x64xf32, #tpu.memory_space<vmem>> -> memref<128x64xf32, #tpu.memory_space<vmem>>
    tpu.wait_dma2 semaphore(%arg20 : memref<!tpu.dma_semaphore, #tpu.memory_space<semaphore_mem>>) src(%dma_wait3A_435 : memref<128x64xf32, #tpu.memory_space<vmem>>) dst(%dma_wait3A_431 : memref<128x64xf32, #tpu.memory_space<hbm>>)
    %dma_start3A_436 = arith.constant 13 : i32
    %dma_start3A_437 = arith.constant 5 : i32
    %dma_start3A_438 = arith.constant 0 : i32
    %dma_start3A_439 = arith.constant 0 : i32
    %dma_start3A_440 = tpu.memref_slice %arg6[%dma_start3A_437, %dma_start3A_438, %dma_start3A_439] : memref<8x128x64xf32, #tpu.memory_space<vmem>> -> memref<1x128x64xf32, #tpu.memory_space<vmem>>
    %dma_start3A_441 = tpu.memref_squeeze %dma_start3A_440 : memref<1x128x64xf32, #tpu.memory_space<vmem>> -> memref<128x64xf32, #tpu.memory_space<vmem>>
    %dma_start3A_442 = arith.constant 0 : i32
    %dma_start3A_443 = tpu.memref_slice %arg5[%dma_start3A_436, %dma_start3A_442] : memref<200x128xi32, #tpu.memory_space<vmem>> -> memref<1x128xi32, #tpu.memory_space<vmem>>
    %dma_start3A_444 = tpu.memref_squeeze %dma_start3A_443 : memref<1x128xi32, #tpu.memory_space<vmem>> -> memref<128xi32, #tpu.memory_space<vmem>>
    %dma_start3A_445 = arith.constant 0 : i32
    %dma_start3A_446 = arith.constant 0 : i32
    %dma_start3A_447 = tpu.memref_slice %arg3[%dma_start3A_445, %dma_start3A_446] : memref<1015808x64xf32, #tpu.memory_space<hbm>> -> memref<1015808x64xf32, #tpu.memory_space<hbm>>
    tpu.enqueue_indirect_dma source(%dma_start3A_447 : memref<1015808x64xf32, #tpu.memory_space<hbm>>) target(%dma_start3A_441 : memref<128x64xf32, #tpu.memory_space<vmem>>) offsets(%dma_start3A_444 : memref<128xi32, #tpu.memory_space<vmem>>) semaphore(%arg12 : memref<!tpu.dma_semaphore, #tpu.memory_space<semaphore_mem>>)
    %dma_wait3A_448 = arith.constant 7 : i32
    %dma_wait3A_449 = arith.constant 7 : i32
    %dma_wait3A_450 = arith.constant 0 : i32
    %dma_wait3A_451 = arith.constant 0 : i32
    %dma_wait3A_452 = tpu.memref_slice %arg6[%dma_wait3A_449, %dma_wait3A_450, %dma_wait3A_451] : memref<8x128x64xf32, #tpu.memory_space<vmem>> -> memref<1x128x64xf32, #tpu.memory_space<vmem>>
    %dma_wait3A_453 = tpu.memref_squeeze %dma_wait3A_452 : memref<1x128x64xf32, #tpu.memory_space<vmem>> -> memref<128x64xf32, #tpu.memory_space<vmem>>
    %dma_wait3A_454 = arith.constant 0 : i32
    %dma_wait3A_455 = tpu.memref_slice %arg5[%dma_wait3A_448, %dma_wait3A_454] : memref<200x128xi32, #tpu.memory_space<vmem>> -> memref<1x128xi32, #tpu.memory_space<vmem>>
    %dma_wait3A_456 = tpu.memref_squeeze %dma_wait3A_455 : memref<1x128xi32, #tpu.memory_space<vmem>> -> memref<128xi32, #tpu.memory_space<vmem>>
    %dma_wait3A_457 = arith.constant 0 : i32
    %dma_wait3A_458 = arith.constant 0 : i32
    %dma_wait3A_459 = tpu.memref_slice %arg3[%dma_wait3A_457, %dma_wait3A_458] : memref<1015808x64xf32, #tpu.memory_space<hbm>> -> memref<1015808x64xf32, #tpu.memory_space<hbm>>
    tpu.wait_indirect_dma semaphore(%arg14 : memref<!tpu.dma_semaphore, #tpu.memory_space<semaphore_mem>>) src(%dma_wait3A_459 : memref<1015808x64xf32, #tpu.memory_space<hbm>>) dst(%dma_wait3A_453 : memref<128x64xf32, #tpu.memory_space<vmem>>)
    %add3A_460 = arith.constant 896 : i32
    %add3A_461 = arith.addi %mul3A_2, %add3A_460 : i32
    %dma_start3A_462 = arith.constant 7 : i32
    %dma_start3A_463 = arith.constant 0 : i32
    %dma_start3A_464 = arith.constant 0 : i32
    %dma_start3A_465 = tpu.memref_slice %arg6[%dma_start3A_462, %dma_start3A_463, %dma_start3A_464] : memref<8x128x64xf32, #tpu.memory_space<vmem>> -> memref<1x128x64xf32, #tpu.memory_space<vmem>>
    %dma_start3A_466 = tpu.memref_squeeze %dma_start3A_465 : memref<1x128x64xf32, #tpu.memory_space<vmem>> -> memref<128x64xf32, #tpu.memory_space<vmem>>
    %dma_start3A_467 = arith.constant 0 : i32
    %dma_start3A_468 = tpu.memref_slice %arg4[%add3A_461, %dma_start3A_467] : memref<819200x128xf32, #tpu.memory_space<hbm>> -> memref<128x64xf32, #tpu.memory_space<hbm>>
    %dma_start3A_469 = arith.constant 0 : i32
    %dma_start3A_470 = tpu.memref_slice %arg4[%add3A_461, %dma_start3A_469] : memref<819200x128xf32, #tpu.memory_space<hbm>> -> memref<128x64xf32, #tpu.memory_space<hbm>>
    %dma_start3A_471 = arith.constant 0 : i32
    %dma_start3A_472 = arith.constant 0 : i32
    %dma_start3A_473 = tpu.memref_slice %arg6[%dma_start3A_462, %dma_start3A_471, %dma_start3A_472] : memref<8x128x64xf32, #tpu.memory_space<vmem>> -> memref<1x128x64xf32, #tpu.memory_space<vmem>>
    %dma_start3A_474 = tpu.memref_squeeze %dma_start3A_473 : memref<1x128x64xf32, #tpu.memory_space<vmem>> -> memref<128x64xf32, #tpu.memory_space<vmem>>
    tpu.enqueue_dma source(%dma_start3A_474 : memref<128x64xf32, #tpu.memory_space<vmem>>) target(%dma_start3A_470 : memref<128x64xf32, #tpu.memory_space<hbm>>) target_semaphore(%arg22 : memref<!tpu.dma_semaphore, #tpu.memory_space<semaphore_mem>>)
    %add3A_475 = arith.constant 768 : i32
    %add3A_476 = arith.addi %mul3A_2, %add3A_475 : i32
    %dma_wait3A_477 = arith.constant 6 : i32
    %dma_wait3A_478 = arith.constant 0 : i32
    %dma_wait3A_479 = arith.constant 0 : i32
    %dma_wait3A_480 = tpu.memref_slice %arg6[%dma_wait3A_477, %dma_wait3A_478, %dma_wait3A_479] : memref<8x128x64xf32, #tpu.memory_space<vmem>> -> memref<1x128x64xf32, #tpu.memory_space<vmem>>
    %dma_wait3A_481 = tpu.memref_squeeze %dma_wait3A_480 : memref<1x128x64xf32, #tpu.memory_space<vmem>> -> memref<128x64xf32, #tpu.memory_space<vmem>>
    %dma_wait3A_482 = arith.constant 0 : i32
    %dma_wait3A_483 = tpu.memref_slice %arg4[%add3A_476, %dma_wait3A_482] : memref<819200x128xf32, #tpu.memory_space<hbm>> -> memref<128x64xf32, #tpu.memory_space<hbm>>
    %dma_wait3A_484 = arith.constant 0 : i32
    %dma_wait3A_485 = tpu.memref_slice %arg4[%add3A_476, %dma_wait3A_484] : memref<819200x128xf32, #tpu.memory_space<hbm>> -> memref<128x64xf32, #tpu.memory_space<hbm>>
    %dma_wait3A_486 = arith.constant 0 : i32
    %dma_wait3A_487 = arith.constant 0 : i32
    %dma_wait3A_488 = tpu.memref_slice %arg6[%dma_wait3A_477, %dma_wait3A_486, %dma_wait3A_487] : memref<8x128x64xf32, #tpu.memory_space<vmem>> -> memref<1x128x64xf32, #tpu.memory_space<vmem>>
    %dma_wait3A_489 = tpu.memref_squeeze %dma_wait3A_488 : memref<1x128x64xf32, #tpu.memory_space<vmem>> -> memref<128x64xf32, #tpu.memory_space<vmem>>
    tpu.wait_dma2 semaphore(%arg21 : memref<!tpu.dma_semaphore, #tpu.memory_space<semaphore_mem>>) src(%dma_wait3A_489 : memref<128x64xf32, #tpu.memory_space<vmem>>) dst(%dma_wait3A_485 : memref<128x64xf32, #tpu.memory_space<hbm>>)
    %dma_start3A_490 = arith.constant 14 : i32
    %dma_start3A_491 = arith.constant 6 : i32
    %dma_start3A_492 = arith.constant 0 : i32
    %dma_start3A_493 = arith.constant 0 : i32
    %dma_start3A_494 = tpu.memref_slice %arg6[%dma_start3A_491, %dma_start3A_492, %dma_start3A_493] : memref<8x128x64xf32, #tpu.memory_space<vmem>> -> memref<1x128x64xf32, #tpu.memory_space<vmem>>
    %dma_start3A_495 = tpu.memref_squeeze %dma_start3A_494 : memref<1x128x64xf32, #tpu.memory_space<vmem>> -> memref<128x64xf32, #tpu.memory_space<vmem>>
    %dma_start3A_496 = arith.constant 0 : i32
    %dma_start3A_497 = tpu.memref_slice %arg5[%dma_start3A_490, %dma_start3A_496] : memref<200x128xi32, #tpu.memory_space<vmem>> -> memref<1x128xi32, #tpu.memory_space<vmem>>
    %dma_start3A_498 = tpu.memref_squeeze %dma_start3A_497 : memref<1x128xi32, #tpu.memory_space<vmem>> -> memref<128xi32, #tpu.memory_space<vmem>>
    %dma_start3A_499 = arith.constant 0 : i32
    %dma_start3A_500 = arith.constant 0 : i32
    %dma_start3A_501 = tpu.memref_slice %arg3[%dma_start3A_499, %dma_start3A_500] : memref<1015808x64xf32, #tpu.memory_space<hbm>> -> memref<1015808x64xf32, #tpu.memory_space<hbm>>
    tpu.enqueue_indirect_dma source(%dma_start3A_501 : memref<1015808x64xf32, #tpu.memory_space<hbm>>) target(%dma_start3A_495 : memref<128x64xf32, #tpu.memory_space<vmem>>) offsets(%dma_start3A_498 : memref<128xi32, #tpu.memory_space<vmem>>) semaphore(%arg13 : memref<!tpu.dma_semaphore, #tpu.memory_space<semaphore_mem>>)
    %scan3A = arith.constant 0 : i32
    %scan3A_502 = arith.constant 1 : i32
    %scan3A_503 = arith.constant 23 : i32
    %scan3A_504 = arith.addi %scan3A_502, %scan3A_503 : i32
    %scan3A_505 = arith.constant 1 : i32
    %scan3A_506 = scf.for %scan3A_871 = %scan3A_502 to %scan3A_504 step %scan3A_505 iter_args(%scan3A_872 = %scan3A) -> (i32)  : i32 {
      %mul3A_873 = arith.constant 8 : i32
      %mul3A_874 = arith.muli %scan3A_871, %mul3A_873 : i32
      %add3A_875 = arith.constant 0 : i32
      %add3A_876 = arith.addi %mul3A_874, %add3A_875 : i32
      %dma_wait3A_877 = arith.constant 0 : i32
      %dma_wait3A_878 = arith.constant 0 : i32
      %dma_wait3A_879 = arith.constant 0 : i32
      %dma_wait3A_880 = tpu.memref_slice %arg6[%dma_wait3A_877, %dma_wait3A_878, %dma_wait3A_879] : memref<8x128x64xf32, #tpu.memory_space<vmem>> -> memref<1x128x64xf32, #tpu.memory_space<vmem>>
      %dma_wait3A_881 = tpu.memref_squeeze %dma_wait3A_880 : memref<1x128x64xf32, #tpu.memory_space<vmem>> -> memref<128x64xf32, #tpu.memory_space<vmem>>
      %dma_wait3A_882 = arith.constant 0 : i32
      %dma_wait3A_883 = tpu.memref_slice %arg5[%add3A_876, %dma_wait3A_882] : memref<200x128xi32, #tpu.memory_space<vmem>> -> memref<1x128xi32, #tpu.memory_space<vmem>>
      %dma_wait3A_884 = tpu.memref_squeeze %dma_wait3A_883 : memref<1x128xi32, #tpu.memory_space<vmem>> -> memref<128xi32, #tpu.memory_space<vmem>>
      %dma_wait3A_885 = arith.constant 0 : i32
      %dma_wait3A_886 = arith.constant 0 : i32
      %dma_wait3A_887 = tpu.memref_slice %arg3[%dma_wait3A_885, %dma_wait3A_886] : memref<1015808x64xf32, #tpu.memory_space<hbm>> -> memref<1015808x64xf32, #tpu.memory_space<hbm>>
      tpu.wait_indirect_dma semaphore(%arg7 : memref<!tpu.dma_semaphore, #tpu.memory_space<semaphore_mem>>) src(%dma_wait3A_887 : memref<1015808x64xf32, #tpu.memory_space<hbm>>) dst(%dma_wait3A_881 : memref<128x64xf32, #tpu.memory_space<vmem>>)
      %mul3A_888 = arith.constant 128 : i32
      %mul3A_889 = arith.muli %add3A_876, %mul3A_888 : i32
      %add3A_890 = arith.addi %mul3A_2, %mul3A_889 : i32
      %dma_start3A_891 = arith.constant 0 : i32
      %dma_start3A_892 = arith.constant 0 : i32
      %dma_start3A_893 = arith.constant 0 : i32
      %dma_start3A_894 = tpu.memref_slice %arg6[%dma_start3A_891, %dma_start3A_892, %dma_start3A_893] : memref<8x128x64xf32, #tpu.memory_space<vmem>> -> memref<1x128x64xf32, #tpu.memory_space<vmem>>
      %dma_start3A_895 = tpu.memref_squeeze %dma_start3A_894 : memref<1x128x64xf32, #tpu.memory_space<vmem>> -> memref<128x64xf32, #tpu.memory_space<vmem>>
      %dma_start3A_896 = arith.constant 0 : i32
      %dma_start3A_897 = tpu.memref_slice %arg4[%add3A_890, %dma_start3A_896] : memref<819200x128xf32, #tpu.memory_space<hbm>> -> memref<128x64xf32, #tpu.memory_space<hbm>>
      %dma_start3A_898 = arith.constant 0 : i32
      %dma_start3A_899 = tpu.memref_slice %arg4[%add3A_890, %dma_start3A_898] : memref<819200x128xf32, #tpu.memory_space<hbm>> -> memref<128x64xf32, #tpu.memory_space<hbm>>
      %dma_start3A_900 = arith.constant 0 : i32
      %dma_start3A_901 = arith.constant 0 : i32
      %dma_start3A_902 = tpu.memref_slice %arg6[%dma_start3A_891, %dma_start3A_900, %dma_start3A_901] : memref<8x128x64xf32, #tpu.memory_space<vmem>> -> memref<1x128x64xf32, #tpu.memory_space<vmem>>
      %dma_start3A_903 = tpu.memref_squeeze %dma_start3A_902 : memref<1x128x64xf32, #tpu.memory_space<vmem>> -> memref<128x64xf32, #tpu.memory_space<vmem>>
      tpu.enqueue_dma source(%dma_start3A_903 : memref<128x64xf32, #tpu.memory_space<vmem>>) target(%dma_start3A_899 : memref<128x64xf32, #tpu.memory_space<hbm>>) target_semaphore(%arg15 : memref<!tpu.dma_semaphore, #tpu.memory_space<semaphore_mem>>)
      %sub3A = arith.constant 1 : i32
      %sub3A_904 = arith.subi %add3A_876, %sub3A : i32
      %mul3A_905 = arith.constant 128 : i32
      %mul3A_906 = arith.muli %sub3A_904, %mul3A_905 : i32
      %add3A_907 = arith.addi %mul3A_2, %mul3A_906 : i32
      %dma_wait3A_908 = arith.constant 7 : i32
      %dma_wait3A_909 = arith.constant 0 : i32
      %dma_wait3A_910 = arith.constant 0 : i32
      %dma_wait3A_911 = tpu.memref_slice %arg6[%dma_wait3A_908, %dma_wait3A_909, %dma_wait3A_910] : memref<8x128x64xf32, #tpu.memory_space<vmem>> -> memref<1x128x64xf32, #tpu.memory_space<vmem>>
      %dma_wait3A_912 = tpu.memref_squeeze %dma_wait3A_911 : memref<1x128x64xf32, #tpu.memory_space<vmem>> -> memref<128x64xf32, #tpu.memory_space<vmem>>
      %dma_wait3A_913 = arith.constant 0 : i32
      %dma_wait3A_914 = tpu.memref_slice %arg4[%add3A_907, %dma_wait3A_913] : memref<819200x128xf32, #tpu.memory_space<hbm>> -> memref<128x64xf32, #tpu.memory_space<hbm>>
      %dma_wait3A_915 = arith.constant 0 : i32
      %dma_wait3A_916 = tpu.memref_slice %arg4[%add3A_907, %dma_wait3A_915] : memref<819200x128xf32, #tpu.memory_space<hbm>> -> memref<128x64xf32, #tpu.memory_space<hbm>>
      %dma_wait3A_917 = arith.constant 0 : i32
      %dma_wait3A_918 = arith.constant 0 : i32
      %dma_wait3A_919 = tpu.memref_slice %arg6[%dma_wait3A_908, %dma_wait3A_917, %dma_wait3A_918] : memref<8x128x64xf32, #tpu.memory_space<vmem>> -> memref<1x128x64xf32, #tpu.memory_space<vmem>>
      %dma_wait3A_920 = tpu.memref_squeeze %dma_wait3A_919 : memref<1x128x64xf32, #tpu.memory_space<vmem>> -> memref<128x64xf32, #tpu.memory_space<vmem>>
      tpu.wait_dma2 semaphore(%arg22 : memref<!tpu.dma_semaphore, #tpu.memory_space<semaphore_mem>>) src(%dma_wait3A_920 : memref<128x64xf32, #tpu.memory_space<vmem>>) dst(%dma_wait3A_916 : memref<128x64xf32, #tpu.memory_space<hbm>>)
      %add3A_921 = arith.constant 8 : i32
      %add3A_922 = arith.addi %add3A_876, %add3A_921 : i32
      %sub3A_923 = arith.constant 1 : i32
      %sub3A_924 = arith.subi %add3A_922, %sub3A_923 : i32
      %dma_start3A_925 = arith.constant 7 : i32
      %dma_start3A_926 = arith.constant 0 : i32
      %dma_start3A_927 = arith.constant 0 : i32
      %dma_start3A_928 = tpu.memref_slice %arg6[%dma_start3A_925, %dma_start3A_926, %dma_start3A_927] : memref<8x128x64xf32, #tpu.memory_space<vmem>> -> memref<1x128x64xf32, #tpu.memory_space<vmem>>
      %dma_start3A_929 = tpu.memref_squeeze %dma_start3A_928 : memref<1x128x64xf32, #tpu.memory_space<vmem>> -> memref<128x64xf32, #tpu.memory_space<vmem>>
      %dma_start3A_930 = arith.constant 0 : i32
      %dma_start3A_931 = tpu.memref_slice %arg5[%sub3A_924, %dma_start3A_930] : memref<200x128xi32, #tpu.memory_space<vmem>> -> memref<1x128xi32, #tpu.memory_space<vmem>>
      %dma_start3A_932 = tpu.memref_squeeze %dma_start3A_931 : memref<1x128xi32, #tpu.memory_space<vmem>> -> memref<128xi32, #tpu.memory_space<vmem>>
      %dma_start3A_933 = arith.constant 0 : i32
      %dma_start3A_934 = arith.constant 0 : i32
      %dma_start3A_935 = tpu.memref_slice %arg3[%dma_start3A_933, %dma_start3A_934] : memref<1015808x64xf32, #tpu.memory_space<hbm>> -> memref<1015808x64xf32, #tpu.memory_space<hbm>>
      tpu.enqueue_indirect_dma source(%dma_start3A_935 : memref<1015808x64xf32, #tpu.memory_space<hbm>>) target(%dma_start3A_929 : memref<128x64xf32, #tpu.memory_space<vmem>>) offsets(%dma_start3A_932 : memref<128xi32, #tpu.memory_space<vmem>>) semaphore(%arg14 : memref<!tpu.dma_semaphore, #tpu.memory_space<semaphore_mem>>)
      %add3A_936 = arith.constant 1 : i32
      %add3A_937 = arith.addi %mul3A_874, %add3A_936 : i32
      %dma_wait3A_938 = arith.constant 1 : i32
      %dma_wait3A_939 = arith.constant 0 : i32
      %dma_wait3A_940 = arith.constant 0 : i32
      %dma_wait3A_941 = tpu.memref_slice %arg6[%dma_wait3A_938, %dma_wait3A_939, %dma_wait3A_940] : memref<8x128x64xf32, #tpu.memory_space<vmem>> -> memref<1x128x64xf32, #tpu.memory_space<vmem>>
      %dma_wait3A_942 = tpu.memref_squeeze %dma_wait3A_941 : memref<1x128x64xf32, #tpu.memory_space<vmem>> -> memref<128x64xf32, #tpu.memory_space<vmem>>
      %dma_wait3A_943 = arith.constant 0 : i32
      %dma_wait3A_944 = tpu.memref_slice %arg5[%add3A_937, %dma_wait3A_943] : memref<200x128xi32, #tpu.memory_space<vmem>> -> memref<1x128xi32, #tpu.memory_space<vmem>>
      %dma_wait3A_945 = tpu.memref_squeeze %dma_wait3A_944 : memref<1x128xi32, #tpu.memory_space<vmem>> -> memref<128xi32, #tpu.memory_space<vmem>>
      %dma_wait3A_946 = arith.constant 0 : i32
      %dma_wait3A_947 = arith.constant 0 : i32
      %dma_wait3A_948 = tpu.memref_slice %arg3[%dma_wait3A_946, %dma_wait3A_947] : memref<1015808x64xf32, #tpu.memory_space<hbm>> -> memref<1015808x64xf32, #tpu.memory_space<hbm>>
      tpu.wait_indirect_dma semaphore(%arg8 : memref<!tpu.dma_semaphore, #tpu.memory_space<semaphore_mem>>) src(%dma_wait3A_948 : memref<1015808x64xf32, #tpu.memory_space<hbm>>) dst(%dma_wait3A_942 : memref<128x64xf32, #tpu.memory_space<vmem>>)
      %mul3A_949 = arith.constant 128 : i32
      %mul3A_950 = arith.muli %add3A_937, %mul3A_949 : i32
      %add3A_951 = arith.addi %mul3A_2, %mul3A_950 : i32
      %dma_start3A_952 = arith.constant 1 : i32
      %dma_start3A_953 = arith.constant 0 : i32
      %dma_start3A_954 = arith.constant 0 : i32
      %dma_start3A_955 = tpu.memref_slice %arg6[%dma_start3A_952, %dma_start3A_953, %dma_start3A_954] : memref<8x128x64xf32, #tpu.memory_space<vmem>> -> memref<1x128x64xf32, #tpu.memory_space<vmem>>
      %dma_start3A_956 = tpu.memref_squeeze %dma_start3A_955 : memref<1x128x64xf32, #tpu.memory_space<vmem>> -> memref<128x64xf32, #tpu.memory_space<vmem>>
      %dma_start3A_957 = arith.constant 0 : i32
      %dma_start3A_958 = tpu.memref_slice %arg4[%add3A_951, %dma_start3A_957] : memref<819200x128xf32, #tpu.memory_space<hbm>> -> memref<128x64xf32, #tpu.memory_space<hbm>>
      %dma_start3A_959 = arith.constant 0 : i32
      %dma_start3A_960 = tpu.memref_slice %arg4[%add3A_951, %dma_start3A_959] : memref<819200x128xf32, #tpu.memory_space<hbm>> -> memref<128x64xf32, #tpu.memory_space<hbm>>
      %dma_start3A_961 = arith.constant 0 : i32
      %dma_start3A_962 = arith.constant 0 : i32
      %dma_start3A_963 = tpu.memref_slice %arg6[%dma_start3A_952, %dma_start3A_961, %dma_start3A_962] : memref<8x128x64xf32, #tpu.memory_space<vmem>> -> memref<1x128x64xf32, #tpu.memory_space<vmem>>
      %dma_start3A_964 = tpu.memref_squeeze %dma_start3A_963 : memref<1x128x64xf32, #tpu.memory_space<vmem>> -> memref<128x64xf32, #tpu.memory_space<vmem>>
      tpu.enqueue_dma source(%dma_start3A_964 : memref<128x64xf32, #tpu.memory_space<vmem>>) target(%dma_start3A_960 : memref<128x64xf32, #tpu.memory_space<hbm>>) target_semaphore(%arg16 : memref<!tpu.dma_semaphore, #tpu.memory_space<semaphore_mem>>)
      %sub3A_965 = arith.constant 1 : i32
      %sub3A_966 = arith.subi %add3A_937, %sub3A_965 : i32
      %mul3A_967 = arith.constant 128 : i32
      %mul3A_968 = arith.muli %sub3A_966, %mul3A_967 : i32
      %add3A_969 = arith.addi %mul3A_2, %mul3A_968 : i32
      %dma_wait3A_970 = arith.constant 0 : i32
      %dma_wait3A_971 = arith.constant 0 : i32
      %dma_wait3A_972 = arith.constant 0 : i32
      %dma_wait3A_973 = tpu.memref_slice %arg6[%dma_wait3A_970, %dma_wait3A_971, %dma_wait3A_972] : memref<8x128x64xf32, #tpu.memory_space<vmem>> -> memref<1x128x64xf32, #tpu.memory_space<vmem>>
      %dma_wait3A_974 = tpu.memref_squeeze %dma_wait3A_973 : memref<1x128x64xf32, #tpu.memory_space<vmem>> -> memref<128x64xf32, #tpu.memory_space<vmem>>
      %dma_wait3A_975 = arith.constant 0 : i32
      %dma_wait3A_976 = tpu.memref_slice %arg4[%add3A_969, %dma_wait3A_975] : memref<819200x128xf32, #tpu.memory_space<hbm>> -> memref<128x64xf32, #tpu.memory_space<hbm>>
      %dma_wait3A_977 = arith.constant 0 : i32
      %dma_wait3A_978 = tpu.memref_slice %arg4[%add3A_969, %dma_wait3A_977] : memref<819200x128xf32, #tpu.memory_space<hbm>> -> memref<128x64xf32, #tpu.memory_space<hbm>>
      %dma_wait3A_979 = arith.constant 0 : i32
      %dma_wait3A_980 = arith.constant 0 : i32
      %dma_wait3A_981 = tpu.memref_slice %arg6[%dma_wait3A_970, %dma_wait3A_979, %dma_wait3A_980] : memref<8x128x64xf32, #tpu.memory_space<vmem>> -> memref<1x128x64xf32, #tpu.memory_space<vmem>>
      %dma_wait3A_982 = tpu.memref_squeeze %dma_wait3A_981 : memref<1x128x64xf32, #tpu.memory_space<vmem>> -> memref<128x64xf32, #tpu.memory_space<vmem>>
      tpu.wait_dma2 semaphore(%arg15 : memref<!tpu.dma_semaphore, #tpu.memory_space<semaphore_mem>>) src(%dma_wait3A_982 : memref<128x64xf32, #tpu.memory_space<vmem>>) dst(%dma_wait3A_978 : memref<128x64xf32, #tpu.memory_space<hbm>>)
      %add3A_983 = arith.constant 8 : i32
      %add3A_984 = arith.addi %add3A_937, %add3A_983 : i32
      %sub3A_985 = arith.constant 1 : i32
      %sub3A_986 = arith.subi %add3A_984, %sub3A_985 : i32
      %dma_start3A_987 = arith.constant 0 : i32
      %dma_start3A_988 = arith.constant 0 : i32
      %dma_start3A_989 = arith.constant 0 : i32
      %dma_start3A_990 = tpu.memref_slice %arg6[%dma_start3A_987, %dma_start3A_988, %dma_start3A_989] : memref<8x128x64xf32, #tpu.memory_space<vmem>> -> memref<1x128x64xf32, #tpu.memory_space<vmem>>
      %dma_start3A_991 = tpu.memref_squeeze %dma_start3A_990 : memref<1x128x64xf32, #tpu.memory_space<vmem>> -> memref<128x64xf32, #tpu.memory_space<vmem>>
      %dma_start3A_992 = arith.constant 0 : i32
      %dma_start3A_993 = tpu.memref_slice %arg5[%sub3A_986, %dma_start3A_992] : memref<200x128xi32, #tpu.memory_space<vmem>> -> memref<1x128xi32, #tpu.memory_space<vmem>>
      %dma_start3A_994 = tpu.memref_squeeze %dma_start3A_993 : memref<1x128xi32, #tpu.memory_space<vmem>> -> memref<128xi32, #tpu.memory_space<vmem>>
      %dma_start3A_995 = arith.constant 0 : i32
      %dma_start3A_996 = arith.constant 0 : i32
      %dma_start3A_997 = tpu.memref_slice %arg3[%dma_start3A_995, %dma_start3A_996] : memref<1015808x64xf32, #tpu.memory_space<hbm>> -> memref<1015808x64xf32, #tpu.memory_space<hbm>>
      tpu.enqueue_indirect_dma source(%dma_start3A_997 : memref<1015808x64xf32, #tpu.memory_space<hbm>>) target(%dma_start3A_991 : memref<128x64xf32, #tpu.memory_space<vmem>>) offsets(%dma_start3A_994 : memref<128xi32, #tpu.memory_space<vmem>>) semaphore(%arg7 : memref<!tpu.dma_semaphore, #tpu.memory_space<semaphore_mem>>)
      %add3A_998 = arith.constant 2 : i32
      %add3A_999 = arith.addi %mul3A_874, %add3A_998 : i32
      %dma_wait3A_1000 = arith.constant 2 : i32
      %dma_wait3A_1001 = arith.constant 0 : i32
      %dma_wait3A_1002 = arith.constant 0 : i32
      %dma_wait3A_1003 = tpu.memref_slice %arg6[%dma_wait3A_1000, %dma_wait3A_1001, %dma_wait3A_1002] : memref<8x128x64xf32, #tpu.memory_space<vmem>> -> memref<1x128x64xf32, #tpu.memory_space<vmem>>
      %dma_wait3A_1004 = tpu.memref_squeeze %dma_wait3A_1003 : memref<1x128x64xf32, #tpu.memory_space<vmem>> -> memref<128x64xf32, #tpu.memory_space<vmem>>
      %dma_wait3A_1005 = arith.constant 0 : i32
      %dma_wait3A_1006 = tpu.memref_slice %arg5[%add3A_999, %dma_wait3A_1005] : memref<200x128xi32, #tpu.memory_space<vmem>> -> memref<1x128xi32, #tpu.memory_space<vmem>>
      %dma_wait3A_1007 = tpu.memref_squeeze %dma_wait3A_1006 : memref<1x128xi32, #tpu.memory_space<vmem>> -> memref<128xi32, #tpu.memory_space<vmem>>
      %dma_wait3A_1008 = arith.constant 0 : i32
      %dma_wait3A_1009 = arith.constant 0 : i32
      %dma_wait3A_1010 = tpu.memref_slice %arg3[%dma_wait3A_1008, %dma_wait3A_1009] : memref<1015808x64xf32, #tpu.memory_space<hbm>> -> memref<1015808x64xf32, #tpu.memory_space<hbm>>
      tpu.wait_indirect_dma semaphore(%arg9 : memref<!tpu.dma_semaphore, #tpu.memory_space<semaphore_mem>>) src(%dma_wait3A_1010 : memref<1015808x64xf32, #tpu.memory_space<hbm>>) dst(%dma_wait3A_1004 : memref<128x64xf32, #tpu.memory_space<vmem>>)
      %mul3A_1011 = arith.constant 128 : i32
      %mul3A_1012 = arith.muli %add3A_999, %mul3A_1011 : i32
      %add3A_1013 = arith.addi %mul3A_2, %mul3A_1012 : i32
      %dma_start3A_1014 = arith.constant 2 : i32
      %dma_start3A_1015 = arith.constant 0 : i32
      %dma_start3A_1016 = arith.constant 0 : i32
      %dma_start3A_1017 = tpu.memref_slice %arg6[%dma_start3A_1014, %dma_start3A_1015, %dma_start3A_1016] : memref<8x128x64xf32, #tpu.memory_space<vmem>> -> memref<1x128x64xf32, #tpu.memory_space<vmem>>
      %dma_start3A_1018 = tpu.memref_squeeze %dma_start3A_1017 : memref<1x128x64xf32, #tpu.memory_space<vmem>> -> memref<128x64xf32, #tpu.memory_space<vmem>>
      %dma_start3A_1019 = arith.constant 0 : i32
      %dma_start3A_1020 = tpu.memref_slice %arg4[%add3A_1013, %dma_start3A_1019] : memref<819200x128xf32, #tpu.memory_space<hbm>> -> memref<128x64xf32, #tpu.memory_space<hbm>>
      %dma_start3A_1021 = arith.constant 0 : i32
      %dma_start3A_1022 = tpu.memref_slice %arg4[%add3A_1013, %dma_start3A_1021] : memref<819200x128xf32, #tpu.memory_space<hbm>> -> memref<128x64xf32, #tpu.memory_space<hbm>>
      %dma_start3A_1023 = arith.constant 0 : i32
      %dma_start3A_1024 = arith.constant 0 : i32
      %dma_start3A_1025 = tpu.memref_slice %arg6[%dma_start3A_1014, %dma_start3A_1023, %dma_start3A_1024] : memref<8x128x64xf32, #tpu.memory_space<vmem>> -> memref<1x128x64xf32, #tpu.memory_space<vmem>>
      %dma_start3A_1026 = tpu.memref_squeeze %dma_start3A_1025 : memref<1x128x64xf32, #tpu.memory_space<vmem>> -> memref<128x64xf32, #tpu.memory_space<vmem>>
      tpu.enqueue_dma source(%dma_start3A_1026 : memref<128x64xf32, #tpu.memory_space<vmem>>) target(%dma_start3A_1022 : memref<128x64xf32, #tpu.memory_space<hbm>>) target_semaphore(%arg17 : memref<!tpu.dma_semaphore, #tpu.memory_space<semaphore_mem>>)
      %sub3A_1027 = arith.constant 1 : i32
      %sub3A_1028 = arith.subi %add3A_999, %sub3A_1027 : i32
      %mul3A_1029 = arith.constant 128 : i32
      %mul3A_1030 = arith.muli %sub3A_1028, %mul3A_1029 : i32
      %add3A_1031 = arith.addi %mul3A_2, %mul3A_1030 : i32
      %dma_wait3A_1032 = arith.constant 1 : i32
      %dma_wait3A_1033 = arith.constant 0 : i32
      %dma_wait3A_1034 = arith.constant 0 : i32
      %dma_wait3A_1035 = tpu.memref_slice %arg6[%dma_wait3A_1032, %dma_wait3A_1033, %dma_wait3A_1034] : memref<8x128x64xf32, #tpu.memory_space<vmem>> -> memref<1x128x64xf32, #tpu.memory_space<vmem>>
      %dma_wait3A_1036 = tpu.memref_squeeze %dma_wait3A_1035 : memref<1x128x64xf32, #tpu.memory_space<vmem>> -> memref<128x64xf32, #tpu.memory_space<vmem>>
      %dma_wait3A_1037 = arith.constant 0 : i32
      %dma_wait3A_1038 = tpu.memref_slice %arg4[%add3A_1031, %dma_wait3A_1037] : memref<819200x128xf32, #tpu.memory_space<hbm>> -> memref<128x64xf32, #tpu.memory_space<hbm>>
      %dma_wait3A_1039 = arith.constant 0 : i32
      %dma_wait3A_1040 = tpu.memref_slice %arg4[%add3A_1031, %dma_wait3A_1039] : memref<819200x128xf32, #tpu.memory_space<hbm>> -> memref<128x64xf32, #tpu.memory_space<hbm>>
      %dma_wait3A_1041 = arith.constant 0 : i32
      %dma_wait3A_1042 = arith.constant 0 : i32
      %dma_wait3A_1043 = tpu.memref_slice %arg6[%dma_wait3A_1032, %dma_wait3A_1041, %dma_wait3A_1042] : memref<8x128x64xf32, #tpu.memory_space<vmem>> -> memref<1x128x64xf32, #tpu.memory_space<vmem>>
      %dma_wait3A_1044 = tpu.memref_squeeze %dma_wait3A_1043 : memref<1x128x64xf32, #tpu.memory_space<vmem>> -> memref<128x64xf32, #tpu.memory_space<vmem>>
      tpu.wait_dma2 semaphore(%arg16 : memref<!tpu.dma_semaphore, #tpu.memory_space<semaphore_mem>>) src(%dma_wait3A_1044 : memref<128x64xf32, #tpu.memory_space<vmem>>) dst(%dma_wait3A_1040 : memref<128x64xf32, #tpu.memory_space<hbm>>)
      %add3A_1045 = arith.constant 8 : i32
      %add3A_1046 = arith.addi %add3A_999, %add3A_1045 : i32
      %sub3A_1047 = arith.constant 1 : i32
      %sub3A_1048 = arith.subi %add3A_1046, %sub3A_1047 : i32
      %dma_start3A_1049 = arith.constant 1 : i32
      %dma_start3A_1050 = arith.constant 0 : i32
      %dma_start3A_1051 = arith.constant 0 : i32
      %dma_start3A_1052 = tpu.memref_slice %arg6[%dma_start3A_1049, %dma_start3A_1050, %dma_start3A_1051] : memref<8x128x64xf32, #tpu.memory_space<vmem>> -> memref<1x128x64xf32, #tpu.memory_space<vmem>>
      %dma_start3A_1053 = tpu.memref_squeeze %dma_start3A_1052 : memref<1x128x64xf32, #tpu.memory_space<vmem>> -> memref<128x64xf32, #tpu.memory_space<vmem>>
      %dma_start3A_1054 = arith.constant 0 : i32
      %dma_start3A_1055 = tpu.memref_slice %arg5[%sub3A_1048, %dma_start3A_1054] : memref<200x128xi32, #tpu.memory_space<vmem>> -> memref<1x128xi32, #tpu.memory_space<vmem>>
      %dma_start3A_1056 = tpu.memref_squeeze %dma_start3A_1055 : memref<1x128xi32, #tpu.memory_space<vmem>> -> memref<128xi32, #tpu.memory_space<vmem>>
      %dma_start3A_1057 = arith.constant 0 : i32
      %dma_start3A_1058 = arith.constant 0 : i32
      %dma_start3A_1059 = tpu.memref_slice %arg3[%dma_start3A_1057, %dma_start3A_1058] : memref<1015808x64xf32, #tpu.memory_space<hbm>> -> memref<1015808x64xf32, #tpu.memory_space<hbm>>
      tpu.enqueue_indirect_dma source(%dma_start3A_1059 : memref<1015808x64xf32, #tpu.memory_space<hbm>>) target(%dma_start3A_1053 : memref<128x64xf32, #tpu.memory_space<vmem>>) offsets(%dma_start3A_1056 : memref<128xi32, #tpu.memory_space<vmem>>) semaphore(%arg8 : memref<!tpu.dma_semaphore, #tpu.memory_space<semaphore_mem>>)
      %add3A_1060 = arith.constant 3 : i32
      %add3A_1061 = arith.addi %mul3A_874, %add3A_1060 : i32
      %dma_wait3A_1062 = arith.constant 3 : i32
      %dma_wait3A_1063 = arith.constant 0 : i32
      %dma_wait3A_1064 = arith.constant 0 : i32
      %dma_wait3A_1065 = tpu.memref_slice %arg6[%dma_wait3A_1062, %dma_wait3A_1063, %dma_wait3A_1064] : memref<8x128x64xf32, #tpu.memory_space<vmem>> -> memref<1x128x64xf32, #tpu.memory_space<vmem>>
      %dma_wait3A_1066 = tpu.memref_squeeze %dma_wait3A_1065 : memref<1x128x64xf32, #tpu.memory_space<vmem>> -> memref<128x64xf32, #tpu.memory_space<vmem>>
      %dma_wait3A_1067 = arith.constant 0 : i32
      %dma_wait3A_1068 = tpu.memref_slice %arg5[%add3A_1061, %dma_wait3A_1067] : memref<200x128xi32, #tpu.memory_space<vmem>> -> memref<1x128xi32, #tpu.memory_space<vmem>>
      %dma_wait3A_1069 = tpu.memref_squeeze %dma_wait3A_1068 : memref<1x128xi32, #tpu.memory_space<vmem>> -> memref<128xi32, #tpu.memory_space<vmem>>
      %dma_wait3A_1070 = arith.constant 0 : i32
      %dma_wait3A_1071 = arith.constant 0 : i32
      %dma_wait3A_1072 = tpu.memref_slice %arg3[%dma_wait3A_1070, %dma_wait3A_1071] : memref<1015808x64xf32, #tpu.memory_space<hbm>> -> memref<1015808x64xf32, #tpu.memory_space<hbm>>
      tpu.wait_indirect_dma semaphore(%arg10 : memref<!tpu.dma_semaphore, #tpu.memory_space<semaphore_mem>>) src(%dma_wait3A_1072 : memref<1015808x64xf32, #tpu.memory_space<hbm>>) dst(%dma_wait3A_1066 : memref<128x64xf32, #tpu.memory_space<vmem>>)
      %mul3A_1073 = arith.constant 128 : i32
      %mul3A_1074 = arith.muli %add3A_1061, %mul3A_1073 : i32
      %add3A_1075 = arith.addi %mul3A_2, %mul3A_1074 : i32
      %dma_start3A_1076 = arith.constant 3 : i32
      %dma_start3A_1077 = arith.constant 0 : i32
      %dma_start3A_1078 = arith.constant 0 : i32
      %dma_start3A_1079 = tpu.memref_slice %arg6[%dma_start3A_1076, %dma_start3A_1077, %dma_start3A_1078] : memref<8x128x64xf32, #tpu.memory_space<vmem>> -> memref<1x128x64xf32, #tpu.memory_space<vmem>>
      %dma_start3A_1080 = tpu.memref_squeeze %dma_start3A_1079 : memref<1x128x64xf32, #tpu.memory_space<vmem>> -> memref<128x64xf32, #tpu.memory_space<vmem>>
      %dma_start3A_1081 = arith.constant 0 : i32
      %dma_start3A_1082 = tpu.memref_slice %arg4[%add3A_1075, %dma_start3A_1081] : memref<819200x128xf32, #tpu.memory_space<hbm>> -> memref<128x64xf32, #tpu.memory_space<hbm>>
      %dma_start3A_1083 = arith.constant 0 : i32
      %dma_start3A_1084 = tpu.memref_slice %arg4[%add3A_1075, %dma_start3A_1083] : memref<819200x128xf32, #tpu.memory_space<hbm>> -> memref<128x64xf32, #tpu.memory_space<hbm>>
      %dma_start3A_1085 = arith.constant 0 : i32
      %dma_start3A_1086 = arith.constant 0 : i32
      %dma_start3A_1087 = tpu.memref_slice %arg6[%dma_start3A_1076, %dma_start3A_1085, %dma_start3A_1086] : memref<8x128x64xf32, #tpu.memory_space<vmem>> -> memref<1x128x64xf32, #tpu.memory_space<vmem>>
      %dma_start3A_1088 = tpu.memref_squeeze %dma_start3A_1087 : memref<1x128x64xf32, #tpu.memory_space<vmem>> -> memref<128x64xf32, #tpu.memory_space<vmem>>
      tpu.enqueue_dma source(%dma_start3A_1088 : memref<128x64xf32, #tpu.memory_space<vmem>>) target(%dma_start3A_1084 : memref<128x64xf32, #tpu.memory_space<hbm>>) target_semaphore(%arg18 : memref<!tpu.dma_semaphore, #tpu.memory_space<semaphore_mem>>)
      %sub3A_1089 = arith.constant 1 : i32
      %sub3A_1090 = arith.subi %add3A_1061, %sub3A_1089 : i32
      %mul3A_1091 = arith.constant 128 : i32
      %mul3A_1092 = arith.muli %sub3A_1090, %mul3A_1091 : i32
      %add3A_1093 = arith.addi %mul3A_2, %mul3A_1092 : i32
      %dma_wait3A_1094 = arith.constant 2 : i32
      %dma_wait3A_1095 = arith.constant 0 : i32
      %dma_wait3A_1096 = arith.constant 0 : i32
      %dma_wait3A_1097 = tpu.memref_slice %arg6[%dma_wait3A_1094, %dma_wait3A_1095, %dma_wait3A_1096] : memref<8x128x64xf32, #tpu.memory_space<vmem>> -> memref<1x128x64xf32, #tpu.memory_space<vmem>>
      %dma_wait3A_1098 = tpu.memref_squeeze %dma_wait3A_1097 : memref<1x128x64xf32, #tpu.memory_space<vmem>> -> memref<128x64xf32, #tpu.memory_space<vmem>>
      %dma_wait3A_1099 = arith.constant 0 : i32
      %dma_wait3A_1100 = tpu.memref_slice %arg4[%add3A_1093, %dma_wait3A_1099] : memref<819200x128xf32, #tpu.memory_space<hbm>> -> memref<128x64xf32, #tpu.memory_space<hbm>>
      %dma_wait3A_1101 = arith.constant 0 : i32
      %dma_wait3A_1102 = tpu.memref_slice %arg4[%add3A_1093, %dma_wait3A_1101] : memref<819200x128xf32, #tpu.memory_space<hbm>> -> memref<128x64xf32, #tpu.memory_space<hbm>>
      %dma_wait3A_1103 = arith.constant 0 : i32
      %dma_wait3A_1104 = arith.constant 0 : i32
      %dma_wait3A_1105 = tpu.memref_slice %arg6[%dma_wait3A_1094, %dma_wait3A_1103, %dma_wait3A_1104] : memref<8x128x64xf32, #tpu.memory_space<vmem>> -> memref<1x128x64xf32, #tpu.memory_space<vmem>>
      %dma_wait3A_1106 = tpu.memref_squeeze %dma_wait3A_1105 : memref<1x128x64xf32, #tpu.memory_space<vmem>> -> memref<128x64xf32, #tpu.memory_space<vmem>>
      tpu.wait_dma2 semaphore(%arg17 : memref<!tpu.dma_semaphore, #tpu.memory_space<semaphore_mem>>) src(%dma_wait3A_1106 : memref<128x64xf32, #tpu.memory_space<vmem>>) dst(%dma_wait3A_1102 : memref<128x64xf32, #tpu.memory_space<hbm>>)
      %add3A_1107 = arith.constant 8 : i32
      %add3A_1108 = arith.addi %add3A_1061, %add3A_1107 : i32
      %sub3A_1109 = arith.constant 1 : i32
      %sub3A_1110 = arith.subi %add3A_1108, %sub3A_1109 : i32
      %dma_start3A_1111 = arith.constant 2 : i32
      %dma_start3A_1112 = arith.constant 0 : i32
      %dma_start3A_1113 = arith.constant 0 : i32
      %dma_start3A_1114 = tpu.memref_slice %arg6[%dma_start3A_1111, %dma_start3A_1112, %dma_start3A_1113] : memref<8x128x64xf32, #tpu.memory_space<vmem>> -> memref<1x128x64xf32, #tpu.memory_space<vmem>>
      %dma_start3A_1115 = tpu.memref_squeeze %dma_start3A_1114 : memref<1x128x64xf32, #tpu.memory_space<vmem>> -> memref<128x64xf32, #tpu.memory_space<vmem>>
      %dma_start3A_1116 = arith.constant 0 : i32
      %dma_start3A_1117 = tpu.memref_slice %arg5[%sub3A_1110, %dma_start3A_1116] : memref<200x128xi32, #tpu.memory_space<vmem>> -> memref<1x128xi32, #tpu.memory_space<vmem>>
      %dma_start3A_1118 = tpu.memref_squeeze %dma_start3A_1117 : memref<1x128xi32, #tpu.memory_space<vmem>> -> memref<128xi32, #tpu.memory_space<vmem>>
      %dma_start3A_1119 = arith.constant 0 : i32
      %dma_start3A_1120 = arith.constant 0 : i32
      %dma_start3A_1121 = tpu.memref_slice %arg3[%dma_start3A_1119, %dma_start3A_1120] : memref<1015808x64xf32, #tpu.memory_space<hbm>> -> memref<1015808x64xf32, #tpu.memory_space<hbm>>
      tpu.enqueue_indirect_dma source(%dma_start3A_1121 : memref<1015808x64xf32, #tpu.memory_space<hbm>>) target(%dma_start3A_1115 : memref<128x64xf32, #tpu.memory_space<vmem>>) offsets(%dma_start3A_1118 : memref<128xi32, #tpu.memory_space<vmem>>) semaphore(%arg9 : memref<!tpu.dma_semaphore, #tpu.memory_space<semaphore_mem>>)
      %add3A_1122 = arith.constant 4 : i32
      %add3A_1123 = arith.addi %mul3A_874, %add3A_1122 : i32
      %dma_wait3A_1124 = arith.constant 4 : i32
      %dma_wait3A_1125 = arith.constant 0 : i32
      %dma_wait3A_1126 = arith.constant 0 : i32
      %dma_wait3A_1127 = tpu.memref_slice %arg6[%dma_wait3A_1124, %dma_wait3A_1125, %dma_wait3A_1126] : memref<8x128x64xf32, #tpu.memory_space<vmem>> -> memref<1x128x64xf32, #tpu.memory_space<vmem>>
      %dma_wait3A_1128 = tpu.memref_squeeze %dma_wait3A_1127 : memref<1x128x64xf32, #tpu.memory_space<vmem>> -> memref<128x64xf32, #tpu.memory_space<vmem>>
      %dma_wait3A_1129 = arith.constant 0 : i32
      %dma_wait3A_1130 = tpu.memref_slice %arg5[%add3A_1123, %dma_wait3A_1129] : memref<200x128xi32, #tpu.memory_space<vmem>> -> memref<1x128xi32, #tpu.memory_space<vmem>>
      %dma_wait3A_1131 = tpu.memref_squeeze %dma_wait3A_1130 : memref<1x128xi32, #tpu.memory_space<vmem>> -> memref<128xi32, #tpu.memory_space<vmem>>
      %dma_wait3A_1132 = arith.constant 0 : i32
      %dma_wait3A_1133 = arith.constant 0 : i32
      %dma_wait3A_1134 = tpu.memref_slice %arg3[%dma_wait3A_1132, %dma_wait3A_1133] : memref<1015808x64xf32, #tpu.memory_space<hbm>> -> memref<1015808x64xf32, #tpu.memory_space<hbm>>
      tpu.wait_indirect_dma semaphore(%arg11 : memref<!tpu.dma_semaphore, #tpu.memory_space<semaphore_mem>>) src(%dma_wait3A_1134 : memref<1015808x64xf32, #tpu.memory_space<hbm>>) dst(%dma_wait3A_1128 : memref<128x64xf32, #tpu.memory_space<vmem>>)
      %mul3A_1135 = arith.constant 128 : i32
      %mul3A_1136 = arith.muli %add3A_1123, %mul3A_1135 : i32
      %add3A_1137 = arith.addi %mul3A_2, %mul3A_1136 : i32
      %dma_start3A_1138 = arith.constant 4 : i32
      %dma_start3A_1139 = arith.constant 0 : i32
      %dma_start3A_1140 = arith.constant 0 : i32
      %dma_start3A_1141 = tpu.memref_slice %arg6[%dma_start3A_1138, %dma_start3A_1139, %dma_start3A_1140] : memref<8x128x64xf32, #tpu.memory_space<vmem>> -> memref<1x128x64xf32, #tpu.memory_space<vmem>>
      %dma_start3A_1142 = tpu.memref_squeeze %dma_start3A_1141 : memref<1x128x64xf32, #tpu.memory_space<vmem>> -> memref<128x64xf32, #tpu.memory_space<vmem>>
      %dma_start3A_1143 = arith.constant 0 : i32
      %dma_start3A_1144 = tpu.memref_slice %arg4[%add3A_1137, %dma_start3A_1143] : memref<819200x128xf32, #tpu.memory_space<hbm>> -> memref<128x64xf32, #tpu.memory_space<hbm>>
      %dma_start3A_1145 = arith.constant 0 : i32
      %dma_start3A_1146 = tpu.memref_slice %arg4[%add3A_1137, %dma_start3A_1145] : memref<819200x128xf32, #tpu.memory_space<hbm>> -> memref<128x64xf32, #tpu.memory_space<hbm>>
      %dma_start3A_1147 = arith.constant 0 : i32
      %dma_start3A_1148 = arith.constant 0 : i32
      %dma_start3A_1149 = tpu.memref_slice %arg6[%dma_start3A_1138, %dma_start3A_1147, %dma_start3A_1148] : memref<8x128x64xf32, #tpu.memory_space<vmem>> -> memref<1x128x64xf32, #tpu.memory_space<vmem>>
      %dma_start3A_1150 = tpu.memref_squeeze %dma_start3A_1149 : memref<1x128x64xf32, #tpu.memory_space<vmem>> -> memref<128x64xf32, #tpu.memory_space<vmem>>
      tpu.enqueue_dma source(%dma_start3A_1150 : memref<128x64xf32, #tpu.memory_space<vmem>>) target(%dma_start3A_1146 : memref<128x64xf32, #tpu.memory_space<hbm>>) target_semaphore(%arg19 : memref<!tpu.dma_semaphore, #tpu.memory_space<semaphore_mem>>)
      %sub3A_1151 = arith.constant 1 : i32
      %sub3A_1152 = arith.subi %add3A_1123, %sub3A_1151 : i32
      %mul3A_1153 = arith.constant 128 : i32
      %mul3A_1154 = arith.muli %sub3A_1152, %mul3A_1153 : i32
      %add3A_1155 = arith.addi %mul3A_2, %mul3A_1154 : i32
      %dma_wait3A_1156 = arith.constant 3 : i32
      %dma_wait3A_1157 = arith.constant 0 : i32
      %dma_wait3A_1158 = arith.constant 0 : i32
      %dma_wait3A_1159 = tpu.memref_slice %arg6[%dma_wait3A_1156, %dma_wait3A_1157, %dma_wait3A_1158] : memref<8x128x64xf32, #tpu.memory_space<vmem>> -> memref<1x128x64xf32, #tpu.memory_space<vmem>>
      %dma_wait3A_1160 = tpu.memref_squeeze %dma_wait3A_1159 : memref<1x128x64xf32, #tpu.memory_space<vmem>> -> memref<128x64xf32, #tpu.memory_space<vmem>>
      %dma_wait3A_1161 = arith.constant 0 : i32
      %dma_wait3A_1162 = tpu.memref_slice %arg4[%add3A_1155, %dma_wait3A_1161] : memref<819200x128xf32, #tpu.memory_space<hbm>> -> memref<128x64xf32, #tpu.memory_space<hbm>>
      %dma_wait3A_1163 = arith.constant 0 : i32
      %dma_wait3A_1164 = tpu.memref_slice %arg4[%add3A_1155, %dma_wait3A_1163] : memref<819200x128xf32, #tpu.memory_space<hbm>> -> memref<128x64xf32, #tpu.memory_space<hbm>>
      %dma_wait3A_1165 = arith.constant 0 : i32
      %dma_wait3A_1166 = arith.constant 0 : i32
      %dma_wait3A_1167 = tpu.memref_slice %arg6[%dma_wait3A_1156, %dma_wait3A_1165, %dma_wait3A_1166] : memref<8x128x64xf32, #tpu.memory_space<vmem>> -> memref<1x128x64xf32, #tpu.memory_space<vmem>>
      %dma_wait3A_1168 = tpu.memref_squeeze %dma_wait3A_1167 : memref<1x128x64xf32, #tpu.memory_space<vmem>> -> memref<128x64xf32, #tpu.memory_space<vmem>>
      tpu.wait_dma2 semaphore(%arg18 : memref<!tpu.dma_semaphore, #tpu.memory_space<semaphore_mem>>) src(%dma_wait3A_1168 : memref<128x64xf32, #tpu.memory_space<vmem>>) dst(%dma_wait3A_1164 : memref<128x64xf32, #tpu.memory_space<hbm>>)
      %add3A_1169 = arith.constant 8 : i32
      %add3A_1170 = arith.addi %add3A_1123, %add3A_1169 : i32
      %sub3A_1171 = arith.constant 1 : i32
      %sub3A_1172 = arith.subi %add3A_1170, %sub3A_1171 : i32
      %dma_start3A_1173 = arith.constant 3 : i32
      %dma_start3A_1174 = arith.constant 0 : i32
      %dma_start3A_1175 = arith.constant 0 : i32
      %dma_start3A_1176 = tpu.memref_slice %arg6[%dma_start3A_1173, %dma_start3A_1174, %dma_start3A_1175] : memref<8x128x64xf32, #tpu.memory_space<vmem>> -> memref<1x128x64xf32, #tpu.memory_space<vmem>>
      %dma_start3A_1177 = tpu.memref_squeeze %dma_start3A_1176 : memref<1x128x64xf32, #tpu.memory_space<vmem>> -> memref<128x64xf32, #tpu.memory_space<vmem>>
      %dma_start3A_1178 = arith.constant 0 : i32
      %dma_start3A_1179 = tpu.memref_slice %arg5[%sub3A_1172, %dma_start3A_1178] : memref<200x128xi32, #tpu.memory_space<vmem>> -> memref<1x128xi32, #tpu.memory_space<vmem>>
      %dma_start3A_1180 = tpu.memref_squeeze %dma_start3A_1179 : memref<1x128xi32, #tpu.memory_space<vmem>> -> memref<128xi32, #tpu.memory_space<vmem>>
      %dma_start3A_1181 = arith.constant 0 : i32
      %dma_start3A_1182 = arith.constant 0 : i32
      %dma_start3A_1183 = tpu.memref_slice %arg3[%dma_start3A_1181, %dma_start3A_1182] : memref<1015808x64xf32, #tpu.memory_space<hbm>> -> memref<1015808x64xf32, #tpu.memory_space<hbm>>
      tpu.enqueue_indirect_dma source(%dma_start3A_1183 : memref<1015808x64xf32, #tpu.memory_space<hbm>>) target(%dma_start3A_1177 : memref<128x64xf32, #tpu.memory_space<vmem>>) offsets(%dma_start3A_1180 : memref<128xi32, #tpu.memory_space<vmem>>) semaphore(%arg10 : memref<!tpu.dma_semaphore, #tpu.memory_space<semaphore_mem>>)
      %add3A_1184 = arith.constant 5 : i32
      %add3A_1185 = arith.addi %mul3A_874, %add3A_1184 : i32
      %dma_wait3A_1186 = arith.constant 5 : i32
      %dma_wait3A_1187 = arith.constant 0 : i32
      %dma_wait3A_1188 = arith.constant 0 : i32
      %dma_wait3A_1189 = tpu.memref_slice %arg6[%dma_wait3A_1186, %dma_wait3A_1187, %dma_wait3A_1188] : memref<8x128x64xf32, #tpu.memory_space<vmem>> -> memref<1x128x64xf32, #tpu.memory_space<vmem>>
      %dma_wait3A_1190 = tpu.memref_squeeze %dma_wait3A_1189 : memref<1x128x64xf32, #tpu.memory_space<vmem>> -> memref<128x64xf32, #tpu.memory_space<vmem>>
      %dma_wait3A_1191 = arith.constant 0 : i32
      %dma_wait3A_1192 = tpu.memref_slice %arg5[%add3A_1185, %dma_wait3A_1191] : memref<200x128xi32, #tpu.memory_space<vmem>> -> memref<1x128xi32, #tpu.memory_space<vmem>>
      %dma_wait3A_1193 = tpu.memref_squeeze %dma_wait3A_1192 : memref<1x128xi32, #tpu.memory_space<vmem>> -> memref<128xi32, #tpu.memory_space<vmem>>
      %dma_wait3A_1194 = arith.constant 0 : i32
      %dma_wait3A_1195 = arith.constant 0 : i32
      %dma_wait3A_1196 = tpu.memref_slice %arg3[%dma_wait3A_1194, %dma_wait3A_1195] : memref<1015808x64xf32, #tpu.memory_space<hbm>> -> memref<1015808x64xf32, #tpu.memory_space<hbm>>
      tpu.wait_indirect_dma semaphore(%arg12 : memref<!tpu.dma_semaphore, #tpu.memory_space<semaphore_mem>>) src(%dma_wait3A_1196 : memref<1015808x64xf32, #tpu.memory_space<hbm>>) dst(%dma_wait3A_1190 : memref<128x64xf32, #tpu.memory_space<vmem>>)
      %mul3A_1197 = arith.constant 128 : i32
      %mul3A_1198 = arith.muli %add3A_1185, %mul3A_1197 : i32
      %add3A_1199 = arith.addi %mul3A_2, %mul3A_1198 : i32
      %dma_start3A_1200 = arith.constant 5 : i32
      %dma_start3A_1201 = arith.constant 0 : i32
      %dma_start3A_1202 = arith.constant 0 : i32
      %dma_start3A_1203 = tpu.memref_slice %arg6[%dma_start3A_1200, %dma_start3A_1201, %dma_start3A_1202] : memref<8x128x64xf32, #tpu.memory_space<vmem>> -> memref<1x128x64xf32, #tpu.memory_space<vmem>>
      %dma_start3A_1204 = tpu.memref_squeeze %dma_start3A_1203 : memref<1x128x64xf32, #tpu.memory_space<vmem>> -> memref<128x64xf32, #tpu.memory_space<vmem>>
      %dma_start3A_1205 = arith.constant 0 : i32
      %dma_start3A_1206 = tpu.memref_slice %arg4[%add3A_1199, %dma_start3A_1205] : memref<819200x128xf32, #tpu.memory_space<hbm>> -> memref<128x64xf32, #tpu.memory_space<hbm>>
      %dma_start3A_1207 = arith.constant 0 : i32
      %dma_start3A_1208 = tpu.memref_slice %arg4[%add3A_1199, %dma_start3A_1207] : memref<819200x128xf32, #tpu.memory_space<hbm>> -> memref<128x64xf32, #tpu.memory_space<hbm>>
      %dma_start3A_1209 = arith.constant 0 : i32
      %dma_start3A_1210 = arith.constant 0 : i32
      %dma_start3A_1211 = tpu.memref_slice %arg6[%dma_start3A_1200, %dma_start3A_1209, %dma_start3A_1210] : memref<8x128x64xf32, #tpu.memory_space<vmem>> -> memref<1x128x64xf32, #tpu.memory_space<vmem>>
      %dma_start3A_1212 = tpu.memref_squeeze %dma_start3A_1211 : memref<1x128x64xf32, #tpu.memory_space<vmem>> -> memref<128x64xf32, #tpu.memory_space<vmem>>
      tpu.enqueue_dma source(%dma_start3A_1212 : memref<128x64xf32, #tpu.memory_space<vmem>>) target(%dma_start3A_1208 : memref<128x64xf32, #tpu.memory_space<hbm>>) target_semaphore(%arg20 : memref<!tpu.dma_semaphore, #tpu.memory_space<semaphore_mem>>)
      %sub3A_1213 = arith.constant 1 : i32
      %sub3A_1214 = arith.subi %add3A_1185, %sub3A_1213 : i32
      %mul3A_1215 = arith.constant 128 : i32
      %mul3A_1216 = arith.muli %sub3A_1214, %mul3A_1215 : i32
      %add3A_1217 = arith.addi %mul3A_2, %mul3A_1216 : i32
      %dma_wait3A_1218 = arith.constant 4 : i32
      %dma_wait3A_1219 = arith.constant 0 : i32
      %dma_wait3A_1220 = arith.constant 0 : i32
      %dma_wait3A_1221 = tpu.memref_slice %arg6[%dma_wait3A_1218, %dma_wait3A_1219, %dma_wait3A_1220] : memref<8x128x64xf32, #tpu.memory_space<vmem>> -> memref<1x128x64xf32, #tpu.memory_space<vmem>>
      %dma_wait3A_1222 = tpu.memref_squeeze %dma_wait3A_1221 : memref<1x128x64xf32, #tpu.memory_space<vmem>> -> memref<128x64xf32, #tpu.memory_space<vmem>>
      %dma_wait3A_1223 = arith.constant 0 : i32
      %dma_wait3A_1224 = tpu.memref_slice %arg4[%add3A_1217, %dma_wait3A_1223] : memref<819200x128xf32, #tpu.memory_space<hbm>> -> memref<128x64xf32, #tpu.memory_space<hbm>>
      %dma_wait3A_1225 = arith.constant 0 : i32
      %dma_wait3A_1226 = tpu.memref_slice %arg4[%add3A_1217, %dma_wait3A_1225] : memref<819200x128xf32, #tpu.memory_space<hbm>> -> memref<128x64xf32, #tpu.memory_space<hbm>>
      %dma_wait3A_1227 = arith.constant 0 : i32
      %dma_wait3A_1228 = arith.constant 0 : i32
      %dma_wait3A_1229 = tpu.memref_slice %arg6[%dma_wait3A_1218, %dma_wait3A_1227, %dma_wait3A_1228] : memref<8x128x64xf32, #tpu.memory_space<vmem>> -> memref<1x128x64xf32, #tpu.memory_space<vmem>>
      %dma_wait3A_1230 = tpu.memref_squeeze %dma_wait3A_1229 : memref<1x128x64xf32, #tpu.memory_space<vmem>> -> memref<128x64xf32, #tpu.memory_space<vmem>>
      tpu.wait_dma2 semaphore(%arg19 : memref<!tpu.dma_semaphore, #tpu.memory_space<semaphore_mem>>) src(%dma_wait3A_1230 : memref<128x64xf32, #tpu.memory_space<vmem>>) dst(%dma_wait3A_1226 : memref<128x64xf32, #tpu.memory_space<hbm>>)
      %add3A_1231 = arith.constant 8 : i32
      %add3A_1232 = arith.addi %add3A_1185, %add3A_1231 : i32
      %sub3A_1233 = arith.constant 1 : i32
      %sub3A_1234 = arith.subi %add3A_1232, %sub3A_1233 : i32
      %dma_start3A_1235 = arith.constant 4 : i32
      %dma_start3A_1236 = arith.constant 0 : i32
      %dma_start3A_1237 = arith.constant 0 : i32
      %dma_start3A_1238 = tpu.memref_slice %arg6[%dma_start3A_1235, %dma_start3A_1236, %dma_start3A_1237] : memref<8x128x64xf32, #tpu.memory_space<vmem>> -> memref<1x128x64xf32, #tpu.memory_space<vmem>>
      %dma_start3A_1239 = tpu.memref_squeeze %dma_start3A_1238 : memref<1x128x64xf32, #tpu.memory_space<vmem>> -> memref<128x64xf32, #tpu.memory_space<vmem>>
      %dma_start3A_1240 = arith.constant 0 : i32
      %dma_start3A_1241 = tpu.memref_slice %arg5[%sub3A_1234, %dma_start3A_1240] : memref<200x128xi32, #tpu.memory_space<vmem>> -> memref<1x128xi32, #tpu.memory_space<vmem>>
      %dma_start3A_1242 = tpu.memref_squeeze %dma_start3A_1241 : memref<1x128xi32, #tpu.memory_space<vmem>> -> memref<128xi32, #tpu.memory_space<vmem>>
      %dma_start3A_1243 = arith.constant 0 : i32
      %dma_start3A_1244 = arith.constant 0 : i32
      %dma_start3A_1245 = tpu.memref_slice %arg3[%dma_start3A_1243, %dma_start3A_1244] : memref<1015808x64xf32, #tpu.memory_space<hbm>> -> memref<1015808x64xf32, #tpu.memory_space<hbm>>
      tpu.enqueue_indirect_dma source(%dma_start3A_1245 : memref<1015808x64xf32, #tpu.memory_space<hbm>>) target(%dma_start3A_1239 : memref<128x64xf32, #tpu.memory_space<vmem>>) offsets(%dma_start3A_1242 : memref<128xi32, #tpu.memory_space<vmem>>) semaphore(%arg11 : memref<!tpu.dma_semaphore, #tpu.memory_space<semaphore_mem>>)
      %add3A_1246 = arith.constant 6 : i32
      %add3A_1247 = arith.addi %mul3A_874, %add3A_1246 : i32
      %dma_wait3A_1248 = arith.constant 6 : i32
      %dma_wait3A_1249 = arith.constant 0 : i32
      %dma_wait3A_1250 = arith.constant 0 : i32
      %dma_wait3A_1251 = tpu.memref_slice %arg6[%dma_wait3A_1248, %dma_wait3A_1249, %dma_wait3A_1250] : memref<8x128x64xf32, #tpu.memory_space<vmem>> -> memref<1x128x64xf32, #tpu.memory_space<vmem>>
      %dma_wait3A_1252 = tpu.memref_squeeze %dma_wait3A_1251 : memref<1x128x64xf32, #tpu.memory_space<vmem>> -> memref<128x64xf32, #tpu.memory_space<vmem>>
      %dma_wait3A_1253 = arith.constant 0 : i32
      %dma_wait3A_1254 = tpu.memref_slice %arg5[%add3A_1247, %dma_wait3A_1253] : memref<200x128xi32, #tpu.memory_space<vmem>> -> memref<1x128xi32, #tpu.memory_space<vmem>>
      %dma_wait3A_1255 = tpu.memref_squeeze %dma_wait3A_1254 : memref<1x128xi32, #tpu.memory_space<vmem>> -> memref<128xi32, #tpu.memory_space<vmem>>
      %dma_wait3A_1256 = arith.constant 0 : i32
      %dma_wait3A_1257 = arith.constant 0 : i32
      %dma_wait3A_1258 = tpu.memref_slice %arg3[%dma_wait3A_1256, %dma_wait3A_1257] : memref<1015808x64xf32, #tpu.memory_space<hbm>> -> memref<1015808x64xf32, #tpu.memory_space<hbm>>
      tpu.wait_indirect_dma semaphore(%arg13 : memref<!tpu.dma_semaphore, #tpu.memory_space<semaphore_mem>>) src(%dma_wait3A_1258 : memref<1015808x64xf32, #tpu.memory_space<hbm>>) dst(%dma_wait3A_1252 : memref<128x64xf32, #tpu.memory_space<vmem>>)
      %mul3A_1259 = arith.constant 128 : i32
      %mul3A_1260 = arith.muli %add3A_1247, %mul3A_1259 : i32
      %add3A_1261 = arith.addi %mul3A_2, %mul3A_1260 : i32
      %dma_start3A_1262 = arith.constant 6 : i32
      %dma_start3A_1263 = arith.constant 0 : i32
      %dma_start3A_1264 = arith.constant 0 : i32
      %dma_start3A_1265 = tpu.memref_slice %arg6[%dma_start3A_1262, %dma_start3A_1263, %dma_start3A_1264] : memref<8x128x64xf32, #tpu.memory_space<vmem>> -> memref<1x128x64xf32, #tpu.memory_space<vmem>>
      %dma_start3A_1266 = tpu.memref_squeeze %dma_start3A_1265 : memref<1x128x64xf32, #tpu.memory_space<vmem>> -> memref<128x64xf32, #tpu.memory_space<vmem>>
      %dma_start3A_1267 = arith.constant 0 : i32
      %dma_start3A_1268 = tpu.memref_slice %arg4[%add3A_1261, %dma_start3A_1267] : memref<819200x128xf32, #tpu.memory_space<hbm>> -> memref<128x64xf32, #tpu.memory_space<hbm>>
      %dma_start3A_1269 = arith.constant 0 : i32
      %dma_start3A_1270 = tpu.memref_slice %arg4[%add3A_1261, %dma_start3A_1269] : memref<819200x128xf32, #tpu.memory_space<hbm>> -> memref<128x64xf32, #tpu.memory_space<hbm>>
      %dma_start3A_1271 = arith.constant 0 : i32
      %dma_start3A_1272 = arith.constant 0 : i32
      %dma_start3A_1273 = tpu.memref_slice %arg6[%dma_start3A_1262, %dma_start3A_1271, %dma_start3A_1272] : memref<8x128x64xf32, #tpu.memory_space<vmem>> -> memref<1x128x64xf32, #tpu.memory_space<vmem>>
      %dma_start3A_1274 = tpu.memref_squeeze %dma_start3A_1273 : memref<1x128x64xf32, #tpu.memory_space<vmem>> -> memref<128x64xf32, #tpu.memory_space<vmem>>
      tpu.enqueue_dma source(%dma_start3A_1274 : memref<128x64xf32, #tpu.memory_space<vmem>>) target(%dma_start3A_1270 : memref<128x64xf32, #tpu.memory_space<hbm>>) target_semaphore(%arg21 : memref<!tpu.dma_semaphore, #tpu.memory_space<semaphore_mem>>)
      %sub3A_1275 = arith.constant 1 : i32
      %sub3A_1276 = arith.subi %add3A_1247, %sub3A_1275 : i32
      %mul3A_1277 = arith.constant 128 : i32
      %mul3A_1278 = arith.muli %sub3A_1276, %mul3A_1277 : i32
      %add3A_1279 = arith.addi %mul3A_2, %mul3A_1278 : i32
      %dma_wait3A_1280 = arith.constant 5 : i32
      %dma_wait3A_1281 = arith.constant 0 : i32
      %dma_wait3A_1282 = arith.constant 0 : i32
      %dma_wait3A_1283 = tpu.memref_slice %arg6[%dma_wait3A_1280, %dma_wait3A_1281, %dma_wait3A_1282] : memref<8x128x64xf32, #tpu.memory_space<vmem>> -> memref<1x128x64xf32, #tpu.memory_space<vmem>>
      %dma_wait3A_1284 = tpu.memref_squeeze %dma_wait3A_1283 : memref<1x128x64xf32, #tpu.memory_space<vmem>> -> memref<128x64xf32, #tpu.memory_space<vmem>>
      %dma_wait3A_1285 = arith.constant 0 : i32
      %dma_wait3A_1286 = tpu.memref_slice %arg4[%add3A_1279, %dma_wait3A_1285] : memref<819200x128xf32, #tpu.memory_space<hbm>> -> memref<128x64xf32, #tpu.memory_space<hbm>>
      %dma_wait3A_1287 = arith.constant 0 : i32
      %dma_wait3A_1288 = tpu.memref_slice %arg4[%add3A_1279, %dma_wait3A_1287] : memref<819200x128xf32, #tpu.memory_space<hbm>> -> memref<128x64xf32, #tpu.memory_space<hbm>>
      %dma_wait3A_1289 = arith.constant 0 : i32
      %dma_wait3A_1290 = arith.constant 0 : i32
      %dma_wait3A_1291 = tpu.memref_slice %arg6[%dma_wait3A_1280, %dma_wait3A_1289, %dma_wait3A_1290] : memref<8x128x64xf32, #tpu.memory_space<vmem>> -> memref<1x128x64xf32, #tpu.memory_space<vmem>>
      %dma_wait3A_1292 = tpu.memref_squeeze %dma_wait3A_1291 : memref<1x128x64xf32, #tpu.memory_space<vmem>> -> memref<128x64xf32, #tpu.memory_space<vmem>>
      tpu.wait_dma2 semaphore(%arg20 : memref<!tpu.dma_semaphore, #tpu.memory_space<semaphore_mem>>) src(%dma_wait3A_1292 : memref<128x64xf32, #tpu.memory_space<vmem>>) dst(%dma_wait3A_1288 : memref<128x64xf32, #tpu.memory_space<hbm>>)
      %add3A_1293 = arith.constant 8 : i32
      %add3A_1294 = arith.addi %add3A_1247, %add3A_1293 : i32
      %sub3A_1295 = arith.constant 1 : i32
      %sub3A_1296 = arith.subi %add3A_1294, %sub3A_1295 : i32
      %dma_start3A_1297 = arith.constant 5 : i32
      %dma_start3A_1298 = arith.constant 0 : i32
      %dma_start3A_1299 = arith.constant 0 : i32
      %dma_start3A_1300 = tpu.memref_slice %arg6[%dma_start3A_1297, %dma_start3A_1298, %dma_start3A_1299] : memref<8x128x64xf32, #tpu.memory_space<vmem>> -> memref<1x128x64xf32, #tpu.memory_space<vmem>>
      %dma_start3A_1301 = tpu.memref_squeeze %dma_start3A_1300 : memref<1x128x64xf32, #tpu.memory_space<vmem>> -> memref<128x64xf32, #tpu.memory_space<vmem>>
      %dma_start3A_1302 = arith.constant 0 : i32
      %dma_start3A_1303 = tpu.memref_slice %arg5[%sub3A_1296, %dma_start3A_1302] : memref<200x128xi32, #tpu.memory_space<vmem>> -> memref<1x128xi32, #tpu.memory_space<vmem>>
      %dma_start3A_1304 = tpu.memref_squeeze %dma_start3A_1303 : memref<1x128xi32, #tpu.memory_space<vmem>> -> memref<128xi32, #tpu.memory_space<vmem>>
      %dma_start3A_1305 = arith.constant 0 : i32
      %dma_start3A_1306 = arith.constant 0 : i32
      %dma_start3A_1307 = tpu.memref_slice %arg3[%dma_start3A_1305, %dma_start3A_1306] : memref<1015808x64xf32, #tpu.memory_space<hbm>> -> memref<1015808x64xf32, #tpu.memory_space<hbm>>
      tpu.enqueue_indirect_dma source(%dma_start3A_1307 : memref<1015808x64xf32, #tpu.memory_space<hbm>>) target(%dma_start3A_1301 : memref<128x64xf32, #tpu.memory_space<vmem>>) offsets(%dma_start3A_1304 : memref<128xi32, #tpu.memory_space<vmem>>) semaphore(%arg12 : memref<!tpu.dma_semaphore, #tpu.memory_space<semaphore_mem>>)
      %add3A_1308 = arith.constant 7 : i32
      %add3A_1309 = arith.addi %mul3A_874, %add3A_1308 : i32
      %dma_wait3A_1310 = arith.constant 7 : i32
      %dma_wait3A_1311 = arith.constant 0 : i32
      %dma_wait3A_1312 = arith.constant 0 : i32
      %dma_wait3A_1313 = tpu.memref_slice %arg6[%dma_wait3A_1310, %dma_wait3A_1311, %dma_wait3A_1312] : memref<8x128x64xf32, #tpu.memory_space<vmem>> -> memref<1x128x64xf32, #tpu.memory_space<vmem>>
      %dma_wait3A_1314 = tpu.memref_squeeze %dma_wait3A_1313 : memref<1x128x64xf32, #tpu.memory_space<vmem>> -> memref<128x64xf32, #tpu.memory_space<vmem>>
      %dma_wait3A_1315 = arith.constant 0 : i32
      %dma_wait3A_1316 = tpu.memref_slice %arg5[%add3A_1309, %dma_wait3A_1315] : memref<200x128xi32, #tpu.memory_space<vmem>> -> memref<1x128xi32, #tpu.memory_space<vmem>>
      %dma_wait3A_1317 = tpu.memref_squeeze %dma_wait3A_1316 : memref<1x128xi32, #tpu.memory_space<vmem>> -> memref<128xi32, #tpu.memory_space<vmem>>
      %dma_wait3A_1318 = arith.constant 0 : i32
      %dma_wait3A_1319 = arith.constant 0 : i32
      %dma_wait3A_1320 = tpu.memref_slice %arg3[%dma_wait3A_1318, %dma_wait3A_1319] : memref<1015808x64xf32, #tpu.memory_space<hbm>> -> memref<1015808x64xf32, #tpu.memory_space<hbm>>
      tpu.wait_indirect_dma semaphore(%arg14 : memref<!tpu.dma_semaphore, #tpu.memory_space<semaphore_mem>>) src(%dma_wait3A_1320 : memref<1015808x64xf32, #tpu.memory_space<hbm>>) dst(%dma_wait3A_1314 : memref<128x64xf32, #tpu.memory_space<vmem>>)
      %mul3A_1321 = arith.constant 128 : i32
      %mul3A_1322 = arith.muli %add3A_1309, %mul3A_1321 : i32
      %add3A_1323 = arith.addi %mul3A_2, %mul3A_1322 : i32
      %dma_start3A_1324 = arith.constant 7 : i32
      %dma_start3A_1325 = arith.constant 0 : i32
      %dma_start3A_1326 = arith.constant 0 : i32
      %dma_start3A_1327 = tpu.memref_slice %arg6[%dma_start3A_1324, %dma_start3A_1325, %dma_start3A_1326] : memref<8x128x64xf32, #tpu.memory_space<vmem>> -> memref<1x128x64xf32, #tpu.memory_space<vmem>>
      %dma_start3A_1328 = tpu.memref_squeeze %dma_start3A_1327 : memref<1x128x64xf32, #tpu.memory_space<vmem>> -> memref<128x64xf32, #tpu.memory_space<vmem>>
      %dma_start3A_1329 = arith.constant 0 : i32
      %dma_start3A_1330 = tpu.memref_slice %arg4[%add3A_1323, %dma_start3A_1329] : memref<819200x128xf32, #tpu.memory_space<hbm>> -> memref<128x64xf32, #tpu.memory_space<hbm>>
      %dma_start3A_1331 = arith.constant 0 : i32
      %dma_start3A_1332 = tpu.memref_slice %arg4[%add3A_1323, %dma_start3A_1331] : memref<819200x128xf32, #tpu.memory_space<hbm>> -> memref<128x64xf32, #tpu.memory_space<hbm>>
      %dma_start3A_1333 = arith.constant 0 : i32
      %dma_start3A_1334 = arith.constant 0 : i32
      %dma_start3A_1335 = tpu.memref_slice %arg6[%dma_start3A_1324, %dma_start3A_1333, %dma_start3A_1334] : memref<8x128x64xf32, #tpu.memory_space<vmem>> -> memref<1x128x64xf32, #tpu.memory_space<vmem>>
      %dma_start3A_1336 = tpu.memref_squeeze %dma_start3A_1335 : memref<1x128x64xf32, #tpu.memory_space<vmem>> -> memref<128x64xf32, #tpu.memory_space<vmem>>
      tpu.enqueue_dma source(%dma_start3A_1336 : memref<128x64xf32, #tpu.memory_space<vmem>>) target(%dma_start3A_1332 : memref<128x64xf32, #tpu.memory_space<hbm>>) target_semaphore(%arg22 : memref<!tpu.dma_semaphore, #tpu.memory_space<semaphore_mem>>)
      %sub3A_1337 = arith.constant 1 : i32
      %sub3A_1338 = arith.subi %add3A_1309, %sub3A_1337 : i32
      %mul3A_1339 = arith.constant 128 : i32
      %mul3A_1340 = arith.muli %sub3A_1338, %mul3A_1339 : i32
      %add3A_1341 = arith.addi %mul3A_2, %mul3A_1340 : i32
      %dma_wait3A_1342 = arith.constant 6 : i32
      %dma_wait3A_1343 = arith.constant 0 : i32
      %dma_wait3A_1344 = arith.constant 0 : i32
      %dma_wait3A_1345 = tpu.memref_slice %arg6[%dma_wait3A_1342, %dma_wait3A_1343, %dma_wait3A_1344] : memref<8x128x64xf32, #tpu.memory_space<vmem>> -> memref<1x128x64xf32, #tpu.memory_space<vmem>>
      %dma_wait3A_1346 = tpu.memref_squeeze %dma_wait3A_1345 : memref<1x128x64xf32, #tpu.memory_space<vmem>> -> memref<128x64xf32, #tpu.memory_space<vmem>>
      %dma_wait3A_1347 = arith.constant 0 : i32
      %dma_wait3A_1348 = tpu.memref_slice %arg4[%add3A_1341, %dma_wait3A_1347] : memref<819200x128xf32, #tpu.memory_space<hbm>> -> memref<128x64xf32, #tpu.memory_space<hbm>>
      %dma_wait3A_1349 = arith.constant 0 : i32
      %dma_wait3A_1350 = tpu.memref_slice %arg4[%add3A_1341, %dma_wait3A_1349] : memref<819200x128xf32, #tpu.memory_space<hbm>> -> memref<128x64xf32, #tpu.memory_space<hbm>>
      %dma_wait3A_1351 = arith.constant 0 : i32
      %dma_wait3A_1352 = arith.constant 0 : i32
      %dma_wait3A_1353 = tpu.memref_slice %arg6[%dma_wait3A_1342, %dma_wait3A_1351, %dma_wait3A_1352] : memref<8x128x64xf32, #tpu.memory_space<vmem>> -> memref<1x128x64xf32, #tpu.memory_space<vmem>>
      %dma_wait3A_1354 = tpu.memref_squeeze %dma_wait3A_1353 : memref<1x128x64xf32, #tpu.memory_space<vmem>> -> memref<128x64xf32, #tpu.memory_space<vmem>>
      tpu.wait_dma2 semaphore(%arg21 : memref<!tpu.dma_semaphore, #tpu.memory_space<semaphore_mem>>) src(%dma_wait3A_1354 : memref<128x64xf32, #tpu.memory_space<vmem>>) dst(%dma_wait3A_1350 : memref<128x64xf32, #tpu.memory_space<hbm>>)
      %add3A_1355 = arith.constant 8 : i32
      %add3A_1356 = arith.addi %add3A_1309, %add3A_1355 : i32
      %sub3A_1357 = arith.constant 1 : i32
      %sub3A_1358 = arith.subi %add3A_1356, %sub3A_1357 : i32
      %dma_start3A_1359 = arith.constant 6 : i32
      %dma_start3A_1360 = arith.constant 0 : i32
      %dma_start3A_1361 = arith.constant 0 : i32
      %dma_start3A_1362 = tpu.memref_slice %arg6[%dma_start3A_1359, %dma_start3A_1360, %dma_start3A_1361] : memref<8x128x64xf32, #tpu.memory_space<vmem>> -> memref<1x128x64xf32, #tpu.memory_space<vmem>>
      %dma_start3A_1363 = tpu.memref_squeeze %dma_start3A_1362 : memref<1x128x64xf32, #tpu.memory_space<vmem>> -> memref<128x64xf32, #tpu.memory_space<vmem>>
      %dma_start3A_1364 = arith.constant 0 : i32
      %dma_start3A_1365 = tpu.memref_slice %arg5[%sub3A_1358, %dma_start3A_1364] : memref<200x128xi32, #tpu.memory_space<vmem>> -> memref<1x128xi32, #tpu.memory_space<vmem>>
      %dma_start3A_1366 = tpu.memref_squeeze %dma_start3A_1365 : memref<1x128xi32, #tpu.memory_space<vmem>> -> memref<128xi32, #tpu.memory_space<vmem>>
      %dma_start3A_1367 = arith.constant 0 : i32
      %dma_start3A_1368 = arith.constant 0 : i32
      %dma_start3A_1369 = tpu.memref_slice %arg3[%dma_start3A_1367, %dma_start3A_1368] : memref<1015808x64xf32, #tpu.memory_space<hbm>> -> memref<1015808x64xf32, #tpu.memory_space<hbm>>
      tpu.enqueue_indirect_dma source(%dma_start3A_1369 : memref<1015808x64xf32, #tpu.memory_space<hbm>>) target(%dma_start3A_1363 : memref<128x64xf32, #tpu.memory_space<vmem>>) offsets(%dma_start3A_1366 : memref<128xi32, #tpu.memory_space<vmem>>) semaphore(%arg13 : memref<!tpu.dma_semaphore, #tpu.memory_space<semaphore_mem>>)
      %scan3A_1370 = arith.constant 0 : i32
      scf.yield %scan3A_1370 : i32
    }
    %scan3A_507 = arith.constant 23 : i32
    %dma_wait3A_508 = arith.constant 192 : i32
    %dma_wait3A_509 = arith.constant 0 : i32
    %dma_wait3A_510 = arith.constant 0 : i32
    %dma_wait3A_511 = arith.constant 0 : i32
    %dma_wait3A_512 = tpu.memref_slice %arg6[%dma_wait3A_509, %dma_wait3A_510, %dma_wait3A_511] : memref<8x128x64xf32, #tpu.memory_space<vmem>> -> memref<1x128x64xf32, #tpu.memory_space<vmem>>
    %dma_wait3A_513 = tpu.memref_squeeze %dma_wait3A_512 : memref<1x128x64xf32, #tpu.memory_space<vmem>> -> memref<128x64xf32, #tpu.memory_space<vmem>>
    %dma_wait3A_514 = arith.constant 0 : i32
    %dma_wait3A_515 = tpu.memref_slice %arg5[%dma_wait3A_508, %dma_wait3A_514] : memref<200x128xi32, #tpu.memory_space<vmem>> -> memref<1x128xi32, #tpu.memory_space<vmem>>
    %dma_wait3A_516 = tpu.memref_squeeze %dma_wait3A_515 : memref<1x128xi32, #tpu.memory_space<vmem>> -> memref<128xi32, #tpu.memory_space<vmem>>
    %dma_wait3A_517 = arith.constant 0 : i32
    %dma_wait3A_518 = arith.constant 0 : i32
    %dma_wait3A_519 = tpu.memref_slice %arg3[%dma_wait3A_517, %dma_wait3A_518] : memref<1015808x64xf32, #tpu.memory_space<hbm>> -> memref<1015808x64xf32, #tpu.memory_space<hbm>>
    tpu.wait_indirect_dma semaphore(%arg7 : memref<!tpu.dma_semaphore, #tpu.memory_space<semaphore_mem>>) src(%dma_wait3A_519 : memref<1015808x64xf32, #tpu.memory_space<hbm>>) dst(%dma_wait3A_513 : memref<128x64xf32, #tpu.memory_space<vmem>>)
    %add3A_520 = arith.constant 24576 : i32
    %add3A_521 = arith.addi %mul3A_2, %add3A_520 : i32
    %dma_start3A_522 = arith.constant 0 : i32
    %dma_start3A_523 = arith.constant 0 : i32
    %dma_start3A_524 = arith.constant 0 : i32
    %dma_start3A_525 = tpu.memref_slice %arg6[%dma_start3A_522, %dma_start3A_523, %dma_start3A_524] : memref<8x128x64xf32, #tpu.memory_space<vmem>> -> memref<1x128x64xf32, #tpu.memory_space<vmem>>
    %dma_start3A_526 = tpu.memref_squeeze %dma_start3A_525 : memref<1x128x64xf32, #tpu.memory_space<vmem>> -> memref<128x64xf32, #tpu.memory_space<vmem>>
    %dma_start3A_527 = arith.constant 0 : i32
    %dma_start3A_528 = tpu.memref_slice %arg4[%add3A_521, %dma_start3A_527] : memref<819200x128xf32, #tpu.memory_space<hbm>> -> memref<128x64xf32, #tpu.memory_space<hbm>>
    %dma_start3A_529 = arith.constant 0 : i32
    %dma_start3A_530 = tpu.memref_slice %arg4[%add3A_521, %dma_start3A_529] : memref<819200x128xf32, #tpu.memory_space<hbm>> -> memref<128x64xf32, #tpu.memory_space<hbm>>
    %dma_start3A_531 = arith.constant 0 : i32
    %dma_start3A_532 = arith.constant 0 : i32
    %dma_start3A_533 = tpu.memref_slice %arg6[%dma_start3A_522, %dma_start3A_531, %dma_start3A_532] : memref<8x128x64xf32, #tpu.memory_space<vmem>> -> memref<1x128x64xf32, #tpu.memory_space<vmem>>
    %dma_start3A_534 = tpu.memref_squeeze %dma_start3A_533 : memref<1x128x64xf32, #tpu.memory_space<vmem>> -> memref<128x64xf32, #tpu.memory_space<vmem>>
    tpu.enqueue_dma source(%dma_start3A_534 : memref<128x64xf32, #tpu.memory_space<vmem>>) target(%dma_start3A_530 : memref<128x64xf32, #tpu.memory_space<hbm>>) target_semaphore(%arg15 : memref<!tpu.dma_semaphore, #tpu.memory_space<semaphore_mem>>)
    %add3A_535 = arith.constant 24448 : i32
    %add3A_536 = arith.addi %mul3A_2, %add3A_535 : i32
    %dma_wait3A_537 = arith.constant 7 : i32
    %dma_wait3A_538 = arith.constant 0 : i32
    %dma_wait3A_539 = arith.constant 0 : i32
    %dma_wait3A_540 = tpu.memref_slice %arg6[%dma_wait3A_537, %dma_wait3A_538, %dma_wait3A_539] : memref<8x128x64xf32, #tpu.memory_space<vmem>> -> memref<1x128x64xf32, #tpu.memory_space<vmem>>
    %dma_wait3A_541 = tpu.memref_squeeze %dma_wait3A_540 : memref<1x128x64xf32, #tpu.memory_space<vmem>> -> memref<128x64xf32, #tpu.memory_space<vmem>>
    %dma_wait3A_542 = arith.constant 0 : i32
    %dma_wait3A_543 = tpu.memref_slice %arg4[%add3A_536, %dma_wait3A_542] : memref<819200x128xf32, #tpu.memory_space<hbm>> -> memref<128x64xf32, #tpu.memory_space<hbm>>
    %dma_wait3A_544 = arith.constant 0 : i32
    %dma_wait3A_545 = tpu.memref_slice %arg4[%add3A_536, %dma_wait3A_544] : memref<819200x128xf32, #tpu.memory_space<hbm>> -> memref<128x64xf32, #tpu.memory_space<hbm>>
    %dma_wait3A_546 = arith.constant 0 : i32
    %dma_wait3A_547 = arith.constant 0 : i32
    %dma_wait3A_548 = tpu.memref_slice %arg6[%dma_wait3A_537, %dma_wait3A_546, %dma_wait3A_547] : memref<8x128x64xf32, #tpu.memory_space<vmem>> -> memref<1x128x64xf32, #tpu.memory_space<vmem>>
    %dma_wait3A_549 = tpu.memref_squeeze %dma_wait3A_548 : memref<1x128x64xf32, #tpu.memory_space<vmem>> -> memref<128x64xf32, #tpu.memory_space<vmem>>
    tpu.wait_dma2 semaphore(%arg22 : memref<!tpu.dma_semaphore, #tpu.memory_space<semaphore_mem>>) src(%dma_wait3A_549 : memref<128x64xf32, #tpu.memory_space<vmem>>) dst(%dma_wait3A_545 : memref<128x64xf32, #tpu.memory_space<hbm>>)
    %dma_start3A_550 = arith.constant 199 : i32
    %dma_start3A_551 = arith.constant 7 : i32
    %dma_start3A_552 = arith.constant 0 : i32
    %dma_start3A_553 = arith.constant 0 : i32
    %dma_start3A_554 = tpu.memref_slice %arg6[%dma_start3A_551, %dma_start3A_552, %dma_start3A_553] : memref<8x128x64xf32, #tpu.memory_space<vmem>> -> memref<1x128x64xf32, #tpu.memory_space<vmem>>
    %dma_start3A_555 = tpu.memref_squeeze %dma_start3A_554 : memref<1x128x64xf32, #tpu.memory_space<vmem>> -> memref<128x64xf32, #tpu.memory_space<vmem>>
    %dma_start3A_556 = arith.constant 0 : i32
    %dma_start3A_557 = tpu.memref_slice %arg5[%dma_start3A_550, %dma_start3A_556] : memref<200x128xi32, #tpu.memory_space<vmem>> -> memref<1x128xi32, #tpu.memory_space<vmem>>
    %dma_start3A_558 = tpu.memref_squeeze %dma_start3A_557 : memref<1x128xi32, #tpu.memory_space<vmem>> -> memref<128xi32, #tpu.memory_space<vmem>>
    %dma_start3A_559 = arith.constant 0 : i32
    %dma_start3A_560 = arith.constant 0 : i32
    %dma_start3A_561 = tpu.memref_slice %arg3[%dma_start3A_559, %dma_start3A_560] : memref<1015808x64xf32, #tpu.memory_space<hbm>> -> memref<1015808x64xf32, #tpu.memory_space<hbm>>
    tpu.enqueue_indirect_dma source(%dma_start3A_561 : memref<1015808x64xf32, #tpu.memory_space<hbm>>) target(%dma_start3A_555 : memref<128x64xf32, #tpu.memory_space<vmem>>) offsets(%dma_start3A_558 : memref<128xi32, #tpu.memory_space<vmem>>) semaphore(%arg14 : memref<!tpu.dma_semaphore, #tpu.memory_space<semaphore_mem>>)
    %dma_wait3A_562 = arith.constant 193 : i32
    %dma_wait3A_563 = arith.constant 1 : i32
    %dma_wait3A_564 = arith.constant 0 : i32
    %dma_wait3A_565 = arith.constant 0 : i32
    %dma_wait3A_566 = tpu.memref_slice %arg6[%dma_wait3A_563, %dma_wait3A_564, %dma_wait3A_565] : memref<8x128x64xf32, #tpu.memory_space<vmem>> -> memref<1x128x64xf32, #tpu.memory_space<vmem>>
    %dma_wait3A_567 = tpu.memref_squeeze %dma_wait3A_566 : memref<1x128x64xf32, #tpu.memory_space<vmem>> -> memref<128x64xf32, #tpu.memory_space<vmem>>
    %dma_wait3A_568 = arith.constant 0 : i32
    %dma_wait3A_569 = tpu.memref_slice %arg5[%dma_wait3A_562, %dma_wait3A_568] : memref<200x128xi32, #tpu.memory_space<vmem>> -> memref<1x128xi32, #tpu.memory_space<vmem>>
    %dma_wait3A_570 = tpu.memref_squeeze %dma_wait3A_569 : memref<1x128xi32, #tpu.memory_space<vmem>> -> memref<128xi32, #tpu.memory_space<vmem>>
    %dma_wait3A_571 = arith.constant 0 : i32
    %dma_wait3A_572 = arith.constant 0 : i32
    %dma_wait3A_573 = tpu.memref_slice %arg3[%dma_wait3A_571, %dma_wait3A_572] : memref<1015808x64xf32, #tpu.memory_space<hbm>> -> memref<1015808x64xf32, #tpu.memory_space<hbm>>
    tpu.wait_indirect_dma semaphore(%arg8 : memref<!tpu.dma_semaphore, #tpu.memory_space<semaphore_mem>>) src(%dma_wait3A_573 : memref<1015808x64xf32, #tpu.memory_space<hbm>>) dst(%dma_wait3A_567 : memref<128x64xf32, #tpu.memory_space<vmem>>)
    %add3A_574 = arith.constant 24704 : i32
    %add3A_575 = arith.addi %mul3A_2, %add3A_574 : i32
    %dma_start3A_576 = arith.constant 1 : i32
    %dma_start3A_577 = arith.constant 0 : i32
    %dma_start3A_578 = arith.constant 0 : i32
    %dma_start3A_579 = tpu.memref_slice %arg6[%dma_start3A_576, %dma_start3A_577, %dma_start3A_578] : memref<8x128x64xf32, #tpu.memory_space<vmem>> -> memref<1x128x64xf32, #tpu.memory_space<vmem>>
    %dma_start3A_580 = tpu.memref_squeeze %dma_start3A_579 : memref<1x128x64xf32, #tpu.memory_space<vmem>> -> memref<128x64xf32, #tpu.memory_space<vmem>>
    %dma_start3A_581 = arith.constant 0 : i32
    %dma_start3A_582 = tpu.memref_slice %arg4[%add3A_575, %dma_start3A_581] : memref<819200x128xf32, #tpu.memory_space<hbm>> -> memref<128x64xf32, #tpu.memory_space<hbm>>
    %dma_start3A_583 = arith.constant 0 : i32
    %dma_start3A_584 = tpu.memref_slice %arg4[%add3A_575, %dma_start3A_583] : memref<819200x128xf32, #tpu.memory_space<hbm>> -> memref<128x64xf32, #tpu.memory_space<hbm>>
    %dma_start3A_585 = arith.constant 0 : i32
    %dma_start3A_586 = arith.constant 0 : i32
    %dma_start3A_587 = tpu.memref_slice %arg6[%dma_start3A_576, %dma_start3A_585, %dma_start3A_586] : memref<8x128x64xf32, #tpu.memory_space<vmem>> -> memref<1x128x64xf32, #tpu.memory_space<vmem>>
    %dma_start3A_588 = tpu.memref_squeeze %dma_start3A_587 : memref<1x128x64xf32, #tpu.memory_space<vmem>> -> memref<128x64xf32, #tpu.memory_space<vmem>>
    tpu.enqueue_dma source(%dma_start3A_588 : memref<128x64xf32, #tpu.memory_space<vmem>>) target(%dma_start3A_584 : memref<128x64xf32, #tpu.memory_space<hbm>>) target_semaphore(%arg16 : memref<!tpu.dma_semaphore, #tpu.memory_space<semaphore_mem>>)
    %add3A_589 = arith.constant 24576 : i32
    %add3A_590 = arith.addi %mul3A_2, %add3A_589 : i32
    %dma_wait3A_591 = arith.constant 0 : i32
    %dma_wait3A_592 = arith.constant 0 : i32
    %dma_wait3A_593 = arith.constant 0 : i32
    %dma_wait3A_594 = tpu.memref_slice %arg6[%dma_wait3A_591, %dma_wait3A_592, %dma_wait3A_593] : memref<8x128x64xf32, #tpu.memory_space<vmem>> -> memref<1x128x64xf32, #tpu.memory_space<vmem>>
    %dma_wait3A_595 = tpu.memref_squeeze %dma_wait3A_594 : memref<1x128x64xf32, #tpu.memory_space<vmem>> -> memref<128x64xf32, #tpu.memory_space<vmem>>
    %dma_wait3A_596 = arith.constant 0 : i32
    %dma_wait3A_597 = tpu.memref_slice %arg4[%add3A_590, %dma_wait3A_596] : memref<819200x128xf32, #tpu.memory_space<hbm>> -> memref<128x64xf32, #tpu.memory_space<hbm>>
    %dma_wait3A_598 = arith.constant 0 : i32
    %dma_wait3A_599 = tpu.memref_slice %arg4[%add3A_590, %dma_wait3A_598] : memref<819200x128xf32, #tpu.memory_space<hbm>> -> memref<128x64xf32, #tpu.memory_space<hbm>>
    %dma_wait3A_600 = arith.constant 0 : i32
    %dma_wait3A_601 = arith.constant 0 : i32
    %dma_wait3A_602 = tpu.memref_slice %arg6[%dma_wait3A_591, %dma_wait3A_600, %dma_wait3A_601] : memref<8x128x64xf32, #tpu.memory_space<vmem>> -> memref<1x128x64xf32, #tpu.memory_space<vmem>>
    %dma_wait3A_603 = tpu.memref_squeeze %dma_wait3A_602 : memref<1x128x64xf32, #tpu.memory_space<vmem>> -> memref<128x64xf32, #tpu.memory_space<vmem>>
    tpu.wait_dma2 semaphore(%arg15 : memref<!tpu.dma_semaphore, #tpu.memory_space<semaphore_mem>>) src(%dma_wait3A_603 : memref<128x64xf32, #tpu.memory_space<vmem>>) dst(%dma_wait3A_599 : memref<128x64xf32, #tpu.memory_space<hbm>>)
    %dma_wait3A_604 = arith.constant 194 : i32
    %dma_wait3A_605 = arith.constant 2 : i32
    %dma_wait3A_606 = arith.constant 0 : i32
    %dma_wait3A_607 = arith.constant 0 : i32
    %dma_wait3A_608 = tpu.memref_slice %arg6[%dma_wait3A_605, %dma_wait3A_606, %dma_wait3A_607] : memref<8x128x64xf32, #tpu.memory_space<vmem>> -> memref<1x128x64xf32, #tpu.memory_space<vmem>>
    %dma_wait3A_609 = tpu.memref_squeeze %dma_wait3A_608 : memref<1x128x64xf32, #tpu.memory_space<vmem>> -> memref<128x64xf32, #tpu.memory_space<vmem>>
    %dma_wait3A_610 = arith.constant 0 : i32
    %dma_wait3A_611 = tpu.memref_slice %arg5[%dma_wait3A_604, %dma_wait3A_610] : memref<200x128xi32, #tpu.memory_space<vmem>> -> memref<1x128xi32, #tpu.memory_space<vmem>>
    %dma_wait3A_612 = tpu.memref_squeeze %dma_wait3A_611 : memref<1x128xi32, #tpu.memory_space<vmem>> -> memref<128xi32, #tpu.memory_space<vmem>>
    %dma_wait3A_613 = arith.constant 0 : i32
    %dma_wait3A_614 = arith.constant 0 : i32
    %dma_wait3A_615 = tpu.memref_slice %arg3[%dma_wait3A_613, %dma_wait3A_614] : memref<1015808x64xf32, #tpu.memory_space<hbm>> -> memref<1015808x64xf32, #tpu.memory_space<hbm>>
    tpu.wait_indirect_dma semaphore(%arg9 : memref<!tpu.dma_semaphore, #tpu.memory_space<semaphore_mem>>) src(%dma_wait3A_615 : memref<1015808x64xf32, #tpu.memory_space<hbm>>) dst(%dma_wait3A_609 : memref<128x64xf32, #tpu.memory_space<vmem>>)
    %add3A_616 = arith.constant 24832 : i32
    %add3A_617 = arith.addi %mul3A_2, %add3A_616 : i32
    %dma_start3A_618 = arith.constant 2 : i32
    %dma_start3A_619 = arith.constant 0 : i32
    %dma_start3A_620 = arith.constant 0 : i32
    %dma_start3A_621 = tpu.memref_slice %arg6[%dma_start3A_618, %dma_start3A_619, %dma_start3A_620] : memref<8x128x64xf32, #tpu.memory_space<vmem>> -> memref<1x128x64xf32, #tpu.memory_space<vmem>>
    %dma_start3A_622 = tpu.memref_squeeze %dma_start3A_621 : memref<1x128x64xf32, #tpu.memory_space<vmem>> -> memref<128x64xf32, #tpu.memory_space<vmem>>
    %dma_start3A_623 = arith.constant 0 : i32
    %dma_start3A_624 = tpu.memref_slice %arg4[%add3A_617, %dma_start3A_623] : memref<819200x128xf32, #tpu.memory_space<hbm>> -> memref<128x64xf32, #tpu.memory_space<hbm>>
    %dma_start3A_625 = arith.constant 0 : i32
    %dma_start3A_626 = tpu.memref_slice %arg4[%add3A_617, %dma_start3A_625] : memref<819200x128xf32, #tpu.memory_space<hbm>> -> memref<128x64xf32, #tpu.memory_space<hbm>>
    %dma_start3A_627 = arith.constant 0 : i32
    %dma_start3A_628 = arith.constant 0 : i32
    %dma_start3A_629 = tpu.memref_slice %arg6[%dma_start3A_618, %dma_start3A_627, %dma_start3A_628] : memref<8x128x64xf32, #tpu.memory_space<vmem>> -> memref<1x128x64xf32, #tpu.memory_space<vmem>>
    %dma_start3A_630 = tpu.memref_squeeze %dma_start3A_629 : memref<1x128x64xf32, #tpu.memory_space<vmem>> -> memref<128x64xf32, #tpu.memory_space<vmem>>
    tpu.enqueue_dma source(%dma_start3A_630 : memref<128x64xf32, #tpu.memory_space<vmem>>) target(%dma_start3A_626 : memref<128x64xf32, #tpu.memory_space<hbm>>) target_semaphore(%arg17 : memref<!tpu.dma_semaphore, #tpu.memory_space<semaphore_mem>>)
    %add3A_631 = arith.constant 24704 : i32
    %add3A_632 = arith.addi %mul3A_2, %add3A_631 : i32
    %dma_wait3A_633 = arith.constant 1 : i32
    %dma_wait3A_634 = arith.constant 0 : i32
    %dma_wait3A_635 = arith.constant 0 : i32
    %dma_wait3A_636 = tpu.memref_slice %arg6[%dma_wait3A_633, %dma_wait3A_634, %dma_wait3A_635] : memref<8x128x64xf32, #tpu.memory_space<vmem>> -> memref<1x128x64xf32, #tpu.memory_space<vmem>>
    %dma_wait3A_637 = tpu.memref_squeeze %dma_wait3A_636 : memref<1x128x64xf32, #tpu.memory_space<vmem>> -> memref<128x64xf32, #tpu.memory_space<vmem>>
    %dma_wait3A_638 = arith.constant 0 : i32
    %dma_wait3A_639 = tpu.memref_slice %arg4[%add3A_632, %dma_wait3A_638] : memref<819200x128xf32, #tpu.memory_space<hbm>> -> memref<128x64xf32, #tpu.memory_space<hbm>>
    %dma_wait3A_640 = arith.constant 0 : i32
    %dma_wait3A_641 = tpu.memref_slice %arg4[%add3A_632, %dma_wait3A_640] : memref<819200x128xf32, #tpu.memory_space<hbm>> -> memref<128x64xf32, #tpu.memory_space<hbm>>
    %dma_wait3A_642 = arith.constant 0 : i32
    %dma_wait3A_643 = arith.constant 0 : i32
    %dma_wait3A_644 = tpu.memref_slice %arg6[%dma_wait3A_633, %dma_wait3A_642, %dma_wait3A_643] : memref<8x128x64xf32, #tpu.memory_space<vmem>> -> memref<1x128x64xf32, #tpu.memory_space<vmem>>
    %dma_wait3A_645 = tpu.memref_squeeze %dma_wait3A_644 : memref<1x128x64xf32, #tpu.memory_space<vmem>> -> memref<128x64xf32, #tpu.memory_space<vmem>>
    tpu.wait_dma2 semaphore(%arg16 : memref<!tpu.dma_semaphore, #tpu.memory_space<semaphore_mem>>) src(%dma_wait3A_645 : memref<128x64xf32, #tpu.memory_space<vmem>>) dst(%dma_wait3A_641 : memref<128x64xf32, #tpu.memory_space<hbm>>)
    %dma_wait3A_646 = arith.constant 195 : i32
    %dma_wait3A_647 = arith.constant 3 : i32
    %dma_wait3A_648 = arith.constant 0 : i32
    %dma_wait3A_649 = arith.constant 0 : i32
    %dma_wait3A_650 = tpu.memref_slice %arg6[%dma_wait3A_647, %dma_wait3A_648, %dma_wait3A_649] : memref<8x128x64xf32, #tpu.memory_space<vmem>> -> memref<1x128x64xf32, #tpu.memory_space<vmem>>
    %dma_wait3A_651 = tpu.memref_squeeze %dma_wait3A_650 : memref<1x128x64xf32, #tpu.memory_space<vmem>> -> memref<128x64xf32, #tpu.memory_space<vmem>>
    %dma_wait3A_652 = arith.constant 0 : i32
    %dma_wait3A_653 = tpu.memref_slice %arg5[%dma_wait3A_646, %dma_wait3A_652] : memref<200x128xi32, #tpu.memory_space<vmem>> -> memref<1x128xi32, #tpu.memory_space<vmem>>
    %dma_wait3A_654 = tpu.memref_squeeze %dma_wait3A_653 : memref<1x128xi32, #tpu.memory_space<vmem>> -> memref<128xi32, #tpu.memory_space<vmem>>
    %dma_wait3A_655 = arith.constant 0 : i32
    %dma_wait3A_656 = arith.constant 0 : i32
    %dma_wait3A_657 = tpu.memref_slice %arg3[%dma_wait3A_655, %dma_wait3A_656] : memref<1015808x64xf32, #tpu.memory_space<hbm>> -> memref<1015808x64xf32, #tpu.memory_space<hbm>>
    tpu.wait_indirect_dma semaphore(%arg10 : memref<!tpu.dma_semaphore, #tpu.memory_space<semaphore_mem>>) src(%dma_wait3A_657 : memref<1015808x64xf32, #tpu.memory_space<hbm>>) dst(%dma_wait3A_651 : memref<128x64xf32, #tpu.memory_space<vmem>>)
    %add3A_658 = arith.constant 24960 : i32
    %add3A_659 = arith.addi %mul3A_2, %add3A_658 : i32
    %dma_start3A_660 = arith.constant 3 : i32
    %dma_start3A_661 = arith.constant 0 : i32
    %dma_start3A_662 = arith.constant 0 : i32
    %dma_start3A_663 = tpu.memref_slice %arg6[%dma_start3A_660, %dma_start3A_661, %dma_start3A_662] : memref<8x128x64xf32, #tpu.memory_space<vmem>> -> memref<1x128x64xf32, #tpu.memory_space<vmem>>
    %dma_start3A_664 = tpu.memref_squeeze %dma_start3A_663 : memref<1x128x64xf32, #tpu.memory_space<vmem>> -> memref<128x64xf32, #tpu.memory_space<vmem>>
    %dma_start3A_665 = arith.constant 0 : i32
    %dma_start3A_666 = tpu.memref_slice %arg4[%add3A_659, %dma_start3A_665] : memref<819200x128xf32, #tpu.memory_space<hbm>> -> memref<128x64xf32, #tpu.memory_space<hbm>>
    %dma_start3A_667 = arith.constant 0 : i32
    %dma_start3A_668 = tpu.memref_slice %arg4[%add3A_659, %dma_start3A_667] : memref<819200x128xf32, #tpu.memory_space<hbm>> -> memref<128x64xf32, #tpu.memory_space<hbm>>
    %dma_start3A_669 = arith.constant 0 : i32
    %dma_start3A_670 = arith.constant 0 : i32
    %dma_start3A_671 = tpu.memref_slice %arg6[%dma_start3A_660, %dma_start3A_669, %dma_start3A_670] : memref<8x128x64xf32, #tpu.memory_space<vmem>> -> memref<1x128x64xf32, #tpu.memory_space<vmem>>
    %dma_start3A_672 = tpu.memref_squeeze %dma_start3A_671 : memref<1x128x64xf32, #tpu.memory_space<vmem>> -> memref<128x64xf32, #tpu.memory_space<vmem>>
    tpu.enqueue_dma source(%dma_start3A_672 : memref<128x64xf32, #tpu.memory_space<vmem>>) target(%dma_start3A_668 : memref<128x64xf32, #tpu.memory_space<hbm>>) target_semaphore(%arg18 : memref<!tpu.dma_semaphore, #tpu.memory_space<semaphore_mem>>)
    %add3A_673 = arith.constant 24832 : i32
    %add3A_674 = arith.addi %mul3A_2, %add3A_673 : i32
    %dma_wait3A_675 = arith.constant 2 : i32
    %dma_wait3A_676 = arith.constant 0 : i32
    %dma_wait3A_677 = arith.constant 0 : i32
    %dma_wait3A_678 = tpu.memref_slice %arg6[%dma_wait3A_675, %dma_wait3A_676, %dma_wait3A_677] : memref<8x128x64xf32, #tpu.memory_space<vmem>> -> memref<1x128x64xf32, #tpu.memory_space<vmem>>
    %dma_wait3A_679 = tpu.memref_squeeze %dma_wait3A_678 : memref<1x128x64xf32, #tpu.memory_space<vmem>> -> memref<128x64xf32, #tpu.memory_space<vmem>>
    %dma_wait3A_680 = arith.constant 0 : i32
    %dma_wait3A_681 = tpu.memref_slice %arg4[%add3A_674, %dma_wait3A_680] : memref<819200x128xf32, #tpu.memory_space<hbm>> -> memref<128x64xf32, #tpu.memory_space<hbm>>
    %dma_wait3A_682 = arith.constant 0 : i32
    %dma_wait3A_683 = tpu.memref_slice %arg4[%add3A_674, %dma_wait3A_682] : memref<819200x128xf32, #tpu.memory_space<hbm>> -> memref<128x64xf32, #tpu.memory_space<hbm>>
    %dma_wait3A_684 = arith.constant 0 : i32
    %dma_wait3A_685 = arith.constant 0 : i32
    %dma_wait3A_686 = tpu.memref_slice %arg6[%dma_wait3A_675, %dma_wait3A_684, %dma_wait3A_685] : memref<8x128x64xf32, #tpu.memory_space<vmem>> -> memref<1x128x64xf32, #tpu.memory_space<vmem>>
    %dma_wait3A_687 = tpu.memref_squeeze %dma_wait3A_686 : memref<1x128x64xf32, #tpu.memory_space<vmem>> -> memref<128x64xf32, #tpu.memory_space<vmem>>
    tpu.wait_dma2 semaphore(%arg17 : memref<!tpu.dma_semaphore, #tpu.memory_space<semaphore_mem>>) src(%dma_wait3A_687 : memref<128x64xf32, #tpu.memory_space<vmem>>) dst(%dma_wait3A_683 : memref<128x64xf32, #tpu.memory_space<hbm>>)
    %dma_wait3A_688 = arith.constant 196 : i32
    %dma_wait3A_689 = arith.constant 4 : i32
    %dma_wait3A_690 = arith.constant 0 : i32
    %dma_wait3A_691 = arith.constant 0 : i32
    %dma_wait3A_692 = tpu.memref_slice %arg6[%dma_wait3A_689, %dma_wait3A_690, %dma_wait3A_691] : memref<8x128x64xf32, #tpu.memory_space<vmem>> -> memref<1x128x64xf32, #tpu.memory_space<vmem>>
    %dma_wait3A_693 = tpu.memref_squeeze %dma_wait3A_692 : memref<1x128x64xf32, #tpu.memory_space<vmem>> -> memref<128x64xf32, #tpu.memory_space<vmem>>
    %dma_wait3A_694 = arith.constant 0 : i32
    %dma_wait3A_695 = tpu.memref_slice %arg5[%dma_wait3A_688, %dma_wait3A_694] : memref<200x128xi32, #tpu.memory_space<vmem>> -> memref<1x128xi32, #tpu.memory_space<vmem>>
    %dma_wait3A_696 = tpu.memref_squeeze %dma_wait3A_695 : memref<1x128xi32, #tpu.memory_space<vmem>> -> memref<128xi32, #tpu.memory_space<vmem>>
    %dma_wait3A_697 = arith.constant 0 : i32
    %dma_wait3A_698 = arith.constant 0 : i32
    %dma_wait3A_699 = tpu.memref_slice %arg3[%dma_wait3A_697, %dma_wait3A_698] : memref<1015808x64xf32, #tpu.memory_space<hbm>> -> memref<1015808x64xf32, #tpu.memory_space<hbm>>
    tpu.wait_indirect_dma semaphore(%arg11 : memref<!tpu.dma_semaphore, #tpu.memory_space<semaphore_mem>>) src(%dma_wait3A_699 : memref<1015808x64xf32, #tpu.memory_space<hbm>>) dst(%dma_wait3A_693 : memref<128x64xf32, #tpu.memory_space<vmem>>)
    %add3A_700 = arith.constant 25088 : i32
    %add3A_701 = arith.addi %mul3A_2, %add3A_700 : i32
    %dma_start3A_702 = arith.constant 4 : i32
    %dma_start3A_703 = arith.constant 0 : i32
    %dma_start3A_704 = arith.constant 0 : i32
    %dma_start3A_705 = tpu.memref_slice %arg6[%dma_start3A_702, %dma_start3A_703, %dma_start3A_704] : memref<8x128x64xf32, #tpu.memory_space<vmem>> -> memref<1x128x64xf32, #tpu.memory_space<vmem>>
    %dma_start3A_706 = tpu.memref_squeeze %dma_start3A_705 : memref<1x128x64xf32, #tpu.memory_space<vmem>> -> memref<128x64xf32, #tpu.memory_space<vmem>>
    %dma_start3A_707 = arith.constant 0 : i32
    %dma_start3A_708 = tpu.memref_slice %arg4[%add3A_701, %dma_start3A_707] : memref<819200x128xf32, #tpu.memory_space<hbm>> -> memref<128x64xf32, #tpu.memory_space<hbm>>
    %dma_start3A_709 = arith.constant 0 : i32
    %dma_start3A_710 = tpu.memref_slice %arg4[%add3A_701, %dma_start3A_709] : memref<819200x128xf32, #tpu.memory_space<hbm>> -> memref<128x64xf32, #tpu.memory_space<hbm>>
    %dma_start3A_711 = arith.constant 0 : i32
    %dma_start3A_712 = arith.constant 0 : i32
    %dma_start3A_713 = tpu.memref_slice %arg6[%dma_start3A_702, %dma_start3A_711, %dma_start3A_712] : memref<8x128x64xf32, #tpu.memory_space<vmem>> -> memref<1x128x64xf32, #tpu.memory_space<vmem>>
    %dma_start3A_714 = tpu.memref_squeeze %dma_start3A_713 : memref<1x128x64xf32, #tpu.memory_space<vmem>> -> memref<128x64xf32, #tpu.memory_space<vmem>>
    tpu.enqueue_dma source(%dma_start3A_714 : memref<128x64xf32, #tpu.memory_space<vmem>>) target(%dma_start3A_710 : memref<128x64xf32, #tpu.memory_space<hbm>>) target_semaphore(%arg19 : memref<!tpu.dma_semaphore, #tpu.memory_space<semaphore_mem>>)
    %add3A_715 = arith.constant 24960 : i32
    %add3A_716 = arith.addi %mul3A_2, %add3A_715 : i32
    %dma_wait3A_717 = arith.constant 3 : i32
    %dma_wait3A_718 = arith.constant 0 : i32
    %dma_wait3A_719 = arith.constant 0 : i32
    %dma_wait3A_720 = tpu.memref_slice %arg6[%dma_wait3A_717, %dma_wait3A_718, %dma_wait3A_719] : memref<8x128x64xf32, #tpu.memory_space<vmem>> -> memref<1x128x64xf32, #tpu.memory_space<vmem>>
    %dma_wait3A_721 = tpu.memref_squeeze %dma_wait3A_720 : memref<1x128x64xf32, #tpu.memory_space<vmem>> -> memref<128x64xf32, #tpu.memory_space<vmem>>
    %dma_wait3A_722 = arith.constant 0 : i32
    %dma_wait3A_723 = tpu.memref_slice %arg4[%add3A_716, %dma_wait3A_722] : memref<819200x128xf32, #tpu.memory_space<hbm>> -> memref<128x64xf32, #tpu.memory_space<hbm>>
    %dma_wait3A_724 = arith.constant 0 : i32
    %dma_wait3A_725 = tpu.memref_slice %arg4[%add3A_716, %dma_wait3A_724] : memref<819200x128xf32, #tpu.memory_space<hbm>> -> memref<128x64xf32, #tpu.memory_space<hbm>>
    %dma_wait3A_726 = arith.constant 0 : i32
    %dma_wait3A_727 = arith.constant 0 : i32
    %dma_wait3A_728 = tpu.memref_slice %arg6[%dma_wait3A_717, %dma_wait3A_726, %dma_wait3A_727] : memref<8x128x64xf32, #tpu.memory_space<vmem>> -> memref<1x128x64xf32, #tpu.memory_space<vmem>>
    %dma_wait3A_729 = tpu.memref_squeeze %dma_wait3A_728 : memref<1x128x64xf32, #tpu.memory_space<vmem>> -> memref<128x64xf32, #tpu.memory_space<vmem>>
    tpu.wait_dma2 semaphore(%arg18 : memref<!tpu.dma_semaphore, #tpu.memory_space<semaphore_mem>>) src(%dma_wait3A_729 : memref<128x64xf32, #tpu.memory_space<vmem>>) dst(%dma_wait3A_725 : memref<128x64xf32, #tpu.memory_space<hbm>>)
    %dma_wait3A_730 = arith.constant 197 : i32
    %dma_wait3A_731 = arith.constant 5 : i32
    %dma_wait3A_732 = arith.constant 0 : i32
    %dma_wait3A_733 = arith.constant 0 : i32
    %dma_wait3A_734 = tpu.memref_slice %arg6[%dma_wait3A_731, %dma_wait3A_732, %dma_wait3A_733] : memref<8x128x64xf32, #tpu.memory_space<vmem>> -> memref<1x128x64xf32, #tpu.memory_space<vmem>>
    %dma_wait3A_735 = tpu.memref_squeeze %dma_wait3A_734 : memref<1x128x64xf32, #tpu.memory_space<vmem>> -> memref<128x64xf32, #tpu.memory_space<vmem>>
    %dma_wait3A_736 = arith.constant 0 : i32
    %dma_wait3A_737 = tpu.memref_slice %arg5[%dma_wait3A_730, %dma_wait3A_736] : memref<200x128xi32, #tpu.memory_space<vmem>> -> memref<1x128xi32, #tpu.memory_space<vmem>>
    %dma_wait3A_738 = tpu.memref_squeeze %dma_wait3A_737 : memref<1x128xi32, #tpu.memory_space<vmem>> -> memref<128xi32, #tpu.memory_space<vmem>>
    %dma_wait3A_739 = arith.constant 0 : i32
    %dma_wait3A_740 = arith.constant 0 : i32
    %dma_wait3A_741 = tpu.memref_slice %arg3[%dma_wait3A_739, %dma_wait3A_740] : memref<1015808x64xf32, #tpu.memory_space<hbm>> -> memref<1015808x64xf32, #tpu.memory_space<hbm>>
    tpu.wait_indirect_dma semaphore(%arg12 : memref<!tpu.dma_semaphore, #tpu.memory_space<semaphore_mem>>) src(%dma_wait3A_741 : memref<1015808x64xf32, #tpu.memory_space<hbm>>) dst(%dma_wait3A_735 : memref<128x64xf32, #tpu.memory_space<vmem>>)
    %add3A_742 = arith.constant 25216 : i32
    %add3A_743 = arith.addi %mul3A_2, %add3A_742 : i32
    %dma_start3A_744 = arith.constant 5 : i32
    %dma_start3A_745 = arith.constant 0 : i32
    %dma_start3A_746 = arith.constant 0 : i32
    %dma_start3A_747 = tpu.memref_slice %arg6[%dma_start3A_744, %dma_start3A_745, %dma_start3A_746] : memref<8x128x64xf32, #tpu.memory_space<vmem>> -> memref<1x128x64xf32, #tpu.memory_space<vmem>>
    %dma_start3A_748 = tpu.memref_squeeze %dma_start3A_747 : memref<1x128x64xf32, #tpu.memory_space<vmem>> -> memref<128x64xf32, #tpu.memory_space<vmem>>
    %dma_start3A_749 = arith.constant 0 : i32
    %dma_start3A_750 = tpu.memref_slice %arg4[%add3A_743, %dma_start3A_749] : memref<819200x128xf32, #tpu.memory_space<hbm>> -> memref<128x64xf32, #tpu.memory_space<hbm>>
    %dma_start3A_751 = arith.constant 0 : i32
    %dma_start3A_752 = tpu.memref_slice %arg4[%add3A_743, %dma_start3A_751] : memref<819200x128xf32, #tpu.memory_space<hbm>> -> memref<128x64xf32, #tpu.memory_space<hbm>>
    %dma_start3A_753 = arith.constant 0 : i32
    %dma_start3A_754 = arith.constant 0 : i32
    %dma_start3A_755 = tpu.memref_slice %arg6[%dma_start3A_744, %dma_start3A_753, %dma_start3A_754] : memref<8x128x64xf32, #tpu.memory_space<vmem>> -> memref<1x128x64xf32, #tpu.memory_space<vmem>>
    %dma_start3A_756 = tpu.memref_squeeze %dma_start3A_755 : memref<1x128x64xf32, #tpu.memory_space<vmem>> -> memref<128x64xf32, #tpu.memory_space<vmem>>
    tpu.enqueue_dma source(%dma_start3A_756 : memref<128x64xf32, #tpu.memory_space<vmem>>) target(%dma_start3A_752 : memref<128x64xf32, #tpu.memory_space<hbm>>) target_semaphore(%arg20 : memref<!tpu.dma_semaphore, #tpu.memory_space<semaphore_mem>>)
    %add3A_757 = arith.constant 25088 : i32
    %add3A_758 = arith.addi %mul3A_2, %add3A_757 : i32
    %dma_wait3A_759 = arith.constant 4 : i32
    %dma_wait3A_760 = arith.constant 0 : i32
    %dma_wait3A_761 = arith.constant 0 : i32
    %dma_wait3A_762 = tpu.memref_slice %arg6[%dma_wait3A_759, %dma_wait3A_760, %dma_wait3A_761] : memref<8x128x64xf32, #tpu.memory_space<vmem>> -> memref<1x128x64xf32, #tpu.memory_space<vmem>>
    %dma_wait3A_763 = tpu.memref_squeeze %dma_wait3A_762 : memref<1x128x64xf32, #tpu.memory_space<vmem>> -> memref<128x64xf32, #tpu.memory_space<vmem>>
    %dma_wait3A_764 = arith.constant 0 : i32
    %dma_wait3A_765 = tpu.memref_slice %arg4[%add3A_758, %dma_wait3A_764] : memref<819200x128xf32, #tpu.memory_space<hbm>> -> memref<128x64xf32, #tpu.memory_space<hbm>>
    %dma_wait3A_766 = arith.constant 0 : i32
    %dma_wait3A_767 = tpu.memref_slice %arg4[%add3A_758, %dma_wait3A_766] : memref<819200x128xf32, #tpu.memory_space<hbm>> -> memref<128x64xf32, #tpu.memory_space<hbm>>
    %dma_wait3A_768 = arith.constant 0 : i32
    %dma_wait3A_769 = arith.constant 0 : i32
    %dma_wait3A_770 = tpu.memref_slice %arg6[%dma_wait3A_759, %dma_wait3A_768, %dma_wait3A_769] : memref<8x128x64xf32, #tpu.memory_space<vmem>> -> memref<1x128x64xf32, #tpu.memory_space<vmem>>
    %dma_wait3A_771 = tpu.memref_squeeze %dma_wait3A_770 : memref<1x128x64xf32, #tpu.memory_space<vmem>> -> memref<128x64xf32, #tpu.memory_space<vmem>>
    tpu.wait_dma2 semaphore(%arg19 : memref<!tpu.dma_semaphore, #tpu.memory_space<semaphore_mem>>) src(%dma_wait3A_771 : memref<128x64xf32, #tpu.memory_space<vmem>>) dst(%dma_wait3A_767 : memref<128x64xf32, #tpu.memory_space<hbm>>)
    %dma_wait3A_772 = arith.constant 198 : i32
    %dma_wait3A_773 = arith.constant 6 : i32
    %dma_wait3A_774 = arith.constant 0 : i32
    %dma_wait3A_775 = arith.constant 0 : i32
    %dma_wait3A_776 = tpu.memref_slice %arg6[%dma_wait3A_773, %dma_wait3A_774, %dma_wait3A_775] : memref<8x128x64xf32, #tpu.memory_space<vmem>> -> memref<1x128x64xf32, #tpu.memory_space<vmem>>
    %dma_wait3A_777 = tpu.memref_squeeze %dma_wait3A_776 : memref<1x128x64xf32, #tpu.memory_space<vmem>> -> memref<128x64xf32, #tpu.memory_space<vmem>>
    %dma_wait3A_778 = arith.constant 0 : i32
    %dma_wait3A_779 = tpu.memref_slice %arg5[%dma_wait3A_772, %dma_wait3A_778] : memref<200x128xi32, #tpu.memory_space<vmem>> -> memref<1x128xi32, #tpu.memory_space<vmem>>
    %dma_wait3A_780 = tpu.memref_squeeze %dma_wait3A_779 : memref<1x128xi32, #tpu.memory_space<vmem>> -> memref<128xi32, #tpu.memory_space<vmem>>
    %dma_wait3A_781 = arith.constant 0 : i32
    %dma_wait3A_782 = arith.constant 0 : i32
    %dma_wait3A_783 = tpu.memref_slice %arg3[%dma_wait3A_781, %dma_wait3A_782] : memref<1015808x64xf32, #tpu.memory_space<hbm>> -> memref<1015808x64xf32, #tpu.memory_space<hbm>>
    tpu.wait_indirect_dma semaphore(%arg13 : memref<!tpu.dma_semaphore, #tpu.memory_space<semaphore_mem>>) src(%dma_wait3A_783 : memref<1015808x64xf32, #tpu.memory_space<hbm>>) dst(%dma_wait3A_777 : memref<128x64xf32, #tpu.memory_space<vmem>>)
    %add3A_784 = arith.constant 25344 : i32
    %add3A_785 = arith.addi %mul3A_2, %add3A_784 : i32
    %dma_start3A_786 = arith.constant 6 : i32
    %dma_start3A_787 = arith.constant 0 : i32
    %dma_start3A_788 = arith.constant 0 : i32
    %dma_start3A_789 = tpu.memref_slice %arg6[%dma_start3A_786, %dma_start3A_787, %dma_start3A_788] : memref<8x128x64xf32, #tpu.memory_space<vmem>> -> memref<1x128x64xf32, #tpu.memory_space<vmem>>
    %dma_start3A_790 = tpu.memref_squeeze %dma_start3A_789 : memref<1x128x64xf32, #tpu.memory_space<vmem>> -> memref<128x64xf32, #tpu.memory_space<vmem>>
    %dma_start3A_791 = arith.constant 0 : i32
    %dma_start3A_792 = tpu.memref_slice %arg4[%add3A_785, %dma_start3A_791] : memref<819200x128xf32, #tpu.memory_space<hbm>> -> memref<128x64xf32, #tpu.memory_space<hbm>>
    %dma_start3A_793 = arith.constant 0 : i32
    %dma_start3A_794 = tpu.memref_slice %arg4[%add3A_785, %dma_start3A_793] : memref<819200x128xf32, #tpu.memory_space<hbm>> -> memref<128x64xf32, #tpu.memory_space<hbm>>
    %dma_start3A_795 = arith.constant 0 : i32
    %dma_start3A_796 = arith.constant 0 : i32
    %dma_start3A_797 = tpu.memref_slice %arg6[%dma_start3A_786, %dma_start3A_795, %dma_start3A_796] : memref<8x128x64xf32, #tpu.memory_space<vmem>> -> memref<1x128x64xf32, #tpu.memory_space<vmem>>
    %dma_start3A_798 = tpu.memref_squeeze %dma_start3A_797 : memref<1x128x64xf32, #tpu.memory_space<vmem>> -> memref<128x64xf32, #tpu.memory_space<vmem>>
    tpu.enqueue_dma source(%dma_start3A_798 : memref<128x64xf32, #tpu.memory_space<vmem>>) target(%dma_start3A_794 : memref<128x64xf32, #tpu.memory_space<hbm>>) target_semaphore(%arg21 : memref<!tpu.dma_semaphore, #tpu.memory_space<semaphore_mem>>)
    %add3A_799 = arith.constant 25216 : i32
    %add3A_800 = arith.addi %mul3A_2, %add3A_799 : i32
    %dma_wait3A_801 = arith.constant 5 : i32
    %dma_wait3A_802 = arith.constant 0 : i32
    %dma_wait3A_803 = arith.constant 0 : i32
    %dma_wait3A_804 = tpu.memref_slice %arg6[%dma_wait3A_801, %dma_wait3A_802, %dma_wait3A_803] : memref<8x128x64xf32, #tpu.memory_space<vmem>> -> memref<1x128x64xf32, #tpu.memory_space<vmem>>
    %dma_wait3A_805 = tpu.memref_squeeze %dma_wait3A_804 : memref<1x128x64xf32, #tpu.memory_space<vmem>> -> memref<128x64xf32, #tpu.memory_space<vmem>>
    %dma_wait3A_806 = arith.constant 0 : i32
    %dma_wait3A_807 = tpu.memref_slice %arg4[%add3A_800, %dma_wait3A_806] : memref<819200x128xf32, #tpu.memory_space<hbm>> -> memref<128x64xf32, #tpu.memory_space<hbm>>
    %dma_wait3A_808 = arith.constant 0 : i32
    %dma_wait3A_809 = tpu.memref_slice %arg4[%add3A_800, %dma_wait3A_808] : memref<819200x128xf32, #tpu.memory_space<hbm>> -> memref<128x64xf32, #tpu.memory_space<hbm>>
    %dma_wait3A_810 = arith.constant 0 : i32
    %dma_wait3A_811 = arith.constant 0 : i32
    %dma_wait3A_812 = tpu.memref_slice %arg6[%dma_wait3A_801, %dma_wait3A_810, %dma_wait3A_811] : memref<8x128x64xf32, #tpu.memory_space<vmem>> -> memref<1x128x64xf32, #tpu.memory_space<vmem>>
    %dma_wait3A_813 = tpu.memref_squeeze %dma_wait3A_812 : memref<1x128x64xf32, #tpu.memory_space<vmem>> -> memref<128x64xf32, #tpu.memory_space<vmem>>
    tpu.wait_dma2 semaphore(%arg20 : memref<!tpu.dma_semaphore, #tpu.memory_space<semaphore_mem>>) src(%dma_wait3A_813 : memref<128x64xf32, #tpu.memory_space<vmem>>) dst(%dma_wait3A_809 : memref<128x64xf32, #tpu.memory_space<hbm>>)
    %dma_wait3A_814 = arith.constant 199 : i32
    %dma_wait3A_815 = arith.constant 7 : i32
    %dma_wait3A_816 = arith.constant 0 : i32
    %dma_wait3A_817 = arith.constant 0 : i32
    %dma_wait3A_818 = tpu.memref_slice %arg6[%dma_wait3A_815, %dma_wait3A_816, %dma_wait3A_817] : memref<8x128x64xf32, #tpu.memory_space<vmem>> -> memref<1x128x64xf32, #tpu.memory_space<vmem>>
    %dma_wait3A_819 = tpu.memref_squeeze %dma_wait3A_818 : memref<1x128x64xf32, #tpu.memory_space<vmem>> -> memref<128x64xf32, #tpu.memory_space<vmem>>
    %dma_wait3A_820 = arith.constant 0 : i32
    %dma_wait3A_821 = tpu.memref_slice %arg5[%dma_wait3A_814, %dma_wait3A_820] : memref<200x128xi32, #tpu.memory_space<vmem>> -> memref<1x128xi32, #tpu.memory_space<vmem>>
    %dma_wait3A_822 = tpu.memref_squeeze %dma_wait3A_821 : memref<1x128xi32, #tpu.memory_space<vmem>> -> memref<128xi32, #tpu.memory_space<vmem>>
    %dma_wait3A_823 = arith.constant 0 : i32
    %dma_wait3A_824 = arith.constant 0 : i32
    %dma_wait3A_825 = tpu.memref_slice %arg3[%dma_wait3A_823, %dma_wait3A_824] : memref<1015808x64xf32, #tpu.memory_space<hbm>> -> memref<1015808x64xf32, #tpu.memory_space<hbm>>
    tpu.wait_indirect_dma semaphore(%arg14 : memref<!tpu.dma_semaphore, #tpu.memory_space<semaphore_mem>>) src(%dma_wait3A_825 : memref<1015808x64xf32, #tpu.memory_space<hbm>>) dst(%dma_wait3A_819 : memref<128x64xf32, #tpu.memory_space<vmem>>)
    %add3A_826 = arith.constant 25472 : i32
    %add3A_827 = arith.addi %mul3A_2, %add3A_826 : i32
    %dma_start3A_828 = arith.constant 7 : i32
    %dma_start3A_829 = arith.constant 0 : i32
    %dma_start3A_830 = arith.constant 0 : i32
    %dma_start3A_831 = tpu.memref_slice %arg6[%dma_start3A_828, %dma_start3A_829, %dma_start3A_830] : memref<8x128x64xf32, #tpu.memory_space<vmem>> -> memref<1x128x64xf32, #tpu.memory_space<vmem>>
    %dma_start3A_832 = tpu.memref_squeeze %dma_start3A_831 : memref<1x128x64xf32, #tpu.memory_space<vmem>> -> memref<128x64xf32, #tpu.memory_space<vmem>>
    %dma_start3A_833 = arith.constant 0 : i32
    %dma_start3A_834 = tpu.memref_slice %arg4[%add3A_827, %dma_start3A_833] : memref<819200x128xf32, #tpu.memory_space<hbm>> -> memref<128x64xf32, #tpu.memory_space<hbm>>
    %dma_start3A_835 = arith.constant 0 : i32
    %dma_start3A_836 = tpu.memref_slice %arg4[%add3A_827, %dma_start3A_835] : memref<819200x128xf32, #tpu.memory_space<hbm>> -> memref<128x64xf32, #tpu.memory_space<hbm>>
    %dma_start3A_837 = arith.constant 0 : i32
    %dma_start3A_838 = arith.constant 0 : i32
    %dma_start3A_839 = tpu.memref_slice %arg6[%dma_start3A_828, %dma_start3A_837, %dma_start3A_838] : memref<8x128x64xf32, #tpu.memory_space<vmem>> -> memref<1x128x64xf32, #tpu.memory_space<vmem>>
    %dma_start3A_840 = tpu.memref_squeeze %dma_start3A_839 : memref<1x128x64xf32, #tpu.memory_space<vmem>> -> memref<128x64xf32, #tpu.memory_space<vmem>>
    tpu.enqueue_dma source(%dma_start3A_840 : memref<128x64xf32, #tpu.memory_space<vmem>>) target(%dma_start3A_836 : memref<128x64xf32, #tpu.memory_space<hbm>>) target_semaphore(%arg22 : memref<!tpu.dma_semaphore, #tpu.memory_space<semaphore_mem>>)
    %add3A_841 = arith.constant 25344 : i32
    %add3A_842 = arith.addi %mul3A_2, %add3A_841 : i32
    %dma_wait3A_843 = arith.constant 6 : i32
    %dma_wait3A_844 = arith.constant 0 : i32
    %dma_wait3A_845 = arith.constant 0 : i32
    %dma_wait3A_846 = tpu.memref_slice %arg6[%dma_wait3A_843, %dma_wait3A_844, %dma_wait3A_845] : memref<8x128x64xf32, #tpu.memory_space<vmem>> -> memref<1x128x64xf32, #tpu.memory_space<vmem>>
    %dma_wait3A_847 = tpu.memref_squeeze %dma_wait3A_846 : memref<1x128x64xf32, #tpu.memory_space<vmem>> -> memref<128x64xf32, #tpu.memory_space<vmem>>
    %dma_wait3A_848 = arith.constant 0 : i32
    %dma_wait3A_849 = tpu.memref_slice %arg4[%add3A_842, %dma_wait3A_848] : memref<819200x128xf32, #tpu.memory_space<hbm>> -> memref<128x64xf32, #tpu.memory_space<hbm>>
    %dma_wait3A_850 = arith.constant 0 : i32
    %dma_wait3A_851 = tpu.memref_slice %arg4[%add3A_842, %dma_wait3A_850] : memref<819200x128xf32, #tpu.memory_space<hbm>> -> memref<128x64xf32, #tpu.memory_space<hbm>>
    %dma_wait3A_852 = arith.constant 0 : i32
    %dma_wait3A_853 = arith.constant 0 : i32
    %dma_wait3A_854 = tpu.memref_slice %arg6[%dma_wait3A_843, %dma_wait3A_852, %dma_wait3A_853] : memref<8x128x64xf32, #tpu.memory_space<vmem>> -> memref<1x128x64xf32, #tpu.memory_space<vmem>>
    %dma_wait3A_855 = tpu.memref_squeeze %dma_wait3A_854 : memref<1x128x64xf32, #tpu.memory_space<vmem>> -> memref<128x64xf32, #tpu.memory_space<vmem>>
    tpu.wait_dma2 semaphore(%arg21 : memref<!tpu.dma_semaphore, #tpu.memory_space<semaphore_mem>>) src(%dma_wait3A_855 : memref<128x64xf32, #tpu.memory_space<vmem>>) dst(%dma_wait3A_851 : memref<128x64xf32, #tpu.memory_space<hbm>>)
    %add3A_856 = arith.constant 25472 : i32
    %add3A_857 = arith.addi %mul3A_2, %add3A_856 : i32
    %dma_wait3A_858 = arith.constant 7 : i32
    %dma_wait3A_859 = arith.constant 0 : i32
    %dma_wait3A_860 = arith.constant 0 : i32
    %dma_wait3A_861 = tpu.memref_slice %arg6[%dma_wait3A_858, %dma_wait3A_859, %dma_wait3A_860] : memref<8x128x64xf32, #tpu.memory_space<vmem>> -> memref<1x128x64xf32, #tpu.memory_space<vmem>>
    %dma_wait3A_862 = tpu.memref_squeeze %dma_wait3A_861 : memref<1x128x64xf32, #tpu.memory_space<vmem>> -> memref<128x64xf32, #tpu.memory_space<vmem>>
    %dma_wait3A_863 = arith.constant 0 : i32
    %dma_wait3A_864 = tpu.memref_slice %arg4[%add3A_857, %dma_wait3A_863] : memref<819200x128xf32, #tpu.memory_space<hbm>> -> memref<128x64xf32, #tpu.memory_space<hbm>>
    %dma_wait3A_865 = arith.constant 0 : i32
    %dma_wait3A_866 = tpu.memref_slice %arg4[%add3A_857, %dma_wait3A_865] : memref<819200x128xf32, #tpu.memory_space<hbm>> -> memref<128x64xf32, #tpu.memory_space<hbm>>
    %dma_wait3A_867 = arith.constant 0 : i32
    %dma_wait3A_868 = arith.constant 0 : i32
    %dma_wait3A_869 = tpu.memref_slice %arg6[%dma_wait3A_858, %dma_wait3A_867, %dma_wait3A_868] : memref<8x128x64xf32, #tpu.memory_space<vmem>> -> memref<1x128x64xf32, #tpu.memory_space<vmem>>
    %dma_wait3A_870 = tpu.memref_squeeze %dma_wait3A_869 : memref<1x128x64xf32, #tpu.memory_space<vmem>> -> memref<128x64xf32, #tpu.memory_space<vmem>>
    tpu.wait_dma2 semaphore(%arg22 : memref<!tpu.dma_semaphore, #tpu.memory_space<semaphore_mem>>) src(%dma_wait3A_870 : memref<128x64xf32, #tpu.memory_space<vmem>>) dst(%dma_wait3A_866 : memref<128x64xf32, #tpu.memory_space<hbm>>)
    return
  }
}

module attributes {stable_mosaic.version = 14 : i64} {
  func.func @_transpose_body(%arg0: i32, %arg1: memref<64x32768xf32, #tpu.memory_space<vmem>>, %arg2: memref<16384x128xf32, #tpu.memory_space<vmem>>) attributes {dimension_semantics = [#tpu.dimension_semantics<arbitrary>], iteration_bounds = array<i64: 31>, scalar_prefetch = 0 : i64, scratch_operands = 0 : i64, tpu.core_type = #tpu.core_type<tc>, window_params = [{transform_indices = @transform_0, window_bounds = array<i64: 64, 32768>}, {transform_indices = @transform_1, window_bounds = array<i64: 16384, 128>}]} {
    %get3A = arith.constant 0 : index
    %get3A_0 = arith.constant 0 : index
    %get3A_1 = vector.load %arg1[%get3A, %get3A_0] : memref<64x32768xf32, #tpu.memory_space<vmem>>, vector<64x2048xf32>
    %transpose3A = tpu.transpose %get3A_1, [1, 0] : vector<64x2048xf32> -> vector<2048x64xf32>
    %get3A_2 = arith.constant 0 : index
    %get3A_3 = arith.constant 16384 : index
    %get3A_4 = vector.load %arg1[%get3A_2, %get3A_3] : memref<64x32768xf32, #tpu.memory_space<vmem>>, vector<64x2048xf32>
    %transpose3A_5 = tpu.transpose %get3A_4, [1, 0] : vector<64x2048xf32> -> vector<2048x64xf32>
    %concatenate3A = tpu.concatenate %transpose3A, %transpose3A_5 in 1 : vector<2048x64xf32>, vector<2048x64xf32> -> vector<2048x128xf32>
    %swap3A = arith.constant 0 : index
    %swap3A_6 = arith.constant 0 : index
    %swap3A_7 = vector.load %arg2[%swap3A, %swap3A_6] : memref<16384x128xf32, #tpu.memory_space<vmem>>, vector<2048x128xf32>
    tpu.vector_store %arg2[%swap3A, %swap3A_6], %concatenate3A {strides = array<i32>} : memref<16384x128xf32, #tpu.memory_space<vmem>>, vector<2048x128xf32>,
    %get3A_8 = arith.constant 0 : index
    %get3A_9 = arith.constant 2048 : index
    %get3A_10 = vector.load %arg1[%get3A_8, %get3A_9] : memref<64x32768xf32, #tpu.memory_space<vmem>>, vector<64x2048xf32>
    %transpose3A_11 = tpu.transpose %get3A_10, [1, 0] : vector<64x2048xf32> -> vector<2048x64xf32>
    %get3A_12 = arith.constant 0 : index
    %get3A_13 = arith.constant 18432 : index
    %get3A_14 = vector.load %arg1[%get3A_12, %get3A_13] : memref<64x32768xf32, #tpu.memory_space<vmem>>, vector<64x2048xf32>
    %transpose3A_15 = tpu.transpose %get3A_14, [1, 0] : vector<64x2048xf32> -> vector<2048x64xf32>
    %concatenate3A_16 = tpu.concatenate %transpose3A_11, %transpose3A_15 in 1 : vector<2048x64xf32>, vector<2048x64xf32> -> vector<2048x128xf32>
    %swap3A_17 = arith.constant 2048 : index
    %swap3A_18 = arith.constant 0 : index
    %swap3A_19 = vector.load %arg2[%swap3A_17, %swap3A_18] : memref<16384x128xf32, #tpu.memory_space<vmem>>, vector<2048x128xf32>
    tpu.vector_store %arg2[%swap3A_17, %swap3A_18], %concatenate3A_16 {strides = array<i32>} : memref<16384x128xf32, #tpu.memory_space<vmem>>, vector<2048x128xf32>,
    %get3A_20 = arith.constant 0 : index
    %get3A_21 = arith.constant 4096 : index
    %get3A_22 = vector.load %arg1[%get3A_20, %get3A_21] : memref<64x32768xf32, #tpu.memory_space<vmem>>, vector<64x2048xf32>
    %transpose3A_23 = tpu.transpose %get3A_22, [1, 0] : vector<64x2048xf32> -> vector<2048x64xf32>
    %get3A_24 = arith.constant 0 : index
    %get3A_25 = arith.constant 20480 : index
    %get3A_26 = vector.load %arg1[%get3A_24, %get3A_25] : memref<64x32768xf32, #tpu.memory_space<vmem>>, vector<64x2048xf32>
    %transpose3A_27 = tpu.transpose %get3A_26, [1, 0] : vector<64x2048xf32> -> vector<2048x64xf32>
    %concatenate3A_28 = tpu.concatenate %transpose3A_23, %transpose3A_27 in 1 : vector<2048x64xf32>, vector<2048x64xf32> -> vector<2048x128xf32>
    %swap3A_29 = arith.constant 4096 : index
    %swap3A_30 = arith.constant 0 : index
    %swap3A_31 = vector.load %arg2[%swap3A_29, %swap3A_30] : memref<16384x128xf32, #tpu.memory_space<vmem>>, vector<2048x128xf32>
    tpu.vector_store %arg2[%swap3A_29, %swap3A_30], %concatenate3A_28 {strides = array<i32>} : memref<16384x128xf32, #tpu.memory_space<vmem>>, vector<2048x128xf32>,
    %get3A_32 = arith.constant 0 : index
    %get3A_33 = arith.constant 6144 : index
    %get3A_34 = vector.load %arg1[%get3A_32, %get3A_33] : memref<64x32768xf32, #tpu.memory_space<vmem>>, vector<64x2048xf32>
    %transpose3A_35 = tpu.transpose %get3A_34, [1, 0] : vector<64x2048xf32> -> vector<2048x64xf32>
    %get3A_36 = arith.constant 0 : index
    %get3A_37 = arith.constant 22528 : index
    %get3A_38 = vector.load %arg1[%get3A_36, %get3A_37] : memref<64x32768xf32, #tpu.memory_space<vmem>>, vector<64x2048xf32>
    %transpose3A_39 = tpu.transpose %get3A_38, [1, 0] : vector<64x2048xf32> -> vector<2048x64xf32>
    %concatenate3A_40 = tpu.concatenate %transpose3A_35, %transpose3A_39 in 1 : vector<2048x64xf32>, vector<2048x64xf32> -> vector<2048x128xf32>
    %swap3A_41 = arith.constant 6144 : index
    %swap3A_42 = arith.constant 0 : index
    %swap3A_43 = vector.load %arg2[%swap3A_41, %swap3A_42] : memref<16384x128xf32, #tpu.memory_space<vmem>>, vector<2048x128xf32>
    tpu.vector_store %arg2[%swap3A_41, %swap3A_42], %concatenate3A_40 {strides = array<i32>} : memref<16384x128xf32, #tpu.memory_space<vmem>>, vector<2048x128xf32>,
    %get3A_44 = arith.constant 0 : index
    %get3A_45 = arith.constant 8192 : index
    %get3A_46 = vector.load %arg1[%get3A_44, %get3A_45] : memref<64x32768xf32, #tpu.memory_space<vmem>>, vector<64x2048xf32>
    %transpose3A_47 = tpu.transpose %get3A_46, [1, 0] : vector<64x2048xf32> -> vector<2048x64xf32>
    %get3A_48 = arith.constant 0 : index
    %get3A_49 = arith.constant 24576 : index
    %get3A_50 = vector.load %arg1[%get3A_48, %get3A_49] : memref<64x32768xf32, #tpu.memory_space<vmem>>, vector<64x2048xf32>
    %transpose3A_51 = tpu.transpose %get3A_50, [1, 0] : vector<64x2048xf32> -> vector<2048x64xf32>
    %concatenate3A_52 = tpu.concatenate %transpose3A_47, %transpose3A_51 in 1 : vector<2048x64xf32>, vector<2048x64xf32> -> vector<2048x128xf32>
    %swap3A_53 = arith.constant 8192 : index
    %swap3A_54 = arith.constant 0 : index
    %swap3A_55 = vector.load %arg2[%swap3A_53, %swap3A_54] : memref<16384x128xf32, #tpu.memory_space<vmem>>, vector<2048x128xf32>
    tpu.vector_store %arg2[%swap3A_53, %swap3A_54], %concatenate3A_52 {strides = array<i32>} : memref<16384x128xf32, #tpu.memory_space<vmem>>, vector<2048x128xf32>,
    %get3A_56 = arith.constant 0 : index
    %get3A_57 = arith.constant 10240 : index
    %get3A_58 = vector.load %arg1[%get3A_56, %get3A_57] : memref<64x32768xf32, #tpu.memory_space<vmem>>, vector<64x2048xf32>
    %transpose3A_59 = tpu.transpose %get3A_58, [1, 0] : vector<64x2048xf32> -> vector<2048x64xf32>
    %get3A_60 = arith.constant 0 : index
    %get3A_61 = arith.constant 26624 : index
    %get3A_62 = vector.load %arg1[%get3A_60, %get3A_61] : memref<64x32768xf32, #tpu.memory_space<vmem>>, vector<64x2048xf32>
    %transpose3A_63 = tpu.transpose %get3A_62, [1, 0] : vector<64x2048xf32> -> vector<2048x64xf32>
    %concatenate3A_64 = tpu.concatenate %transpose3A_59, %transpose3A_63 in 1 : vector<2048x64xf32>, vector<2048x64xf32> -> vector<2048x128xf32>
    %swap3A_65 = arith.constant 10240 : index
    %swap3A_66 = arith.constant 0 : index
    %swap3A_67 = vector.load %arg2[%swap3A_65, %swap3A_66] : memref<16384x128xf32, #tpu.memory_space<vmem>>, vector<2048x128xf32>
    tpu.vector_store %arg2[%swap3A_65, %swap3A_66], %concatenate3A_64 {strides = array<i32>} : memref<16384x128xf32, #tpu.memory_space<vmem>>, vector<2048x128xf32>,
    %get3A_68 = arith.constant 0 : index
    %get3A_69 = arith.constant 12288 : index
    %get3A_70 = vector.load %arg1[%get3A_68, %get3A_69] : memref<64x32768xf32, #tpu.memory_space<vmem>>, vector<64x2048xf32>
    %transpose3A_71 = tpu.transpose %get3A_70, [1, 0] : vector<64x2048xf32> -> vector<2048x64xf32>
    %get3A_72 = arith.constant 0 : index
    %get3A_73 = arith.constant 28672 : index
    %get3A_74 = vector.load %arg1[%get3A_72, %get3A_73] : memref<64x32768xf32, #tpu.memory_space<vmem>>, vector<64x2048xf32>
    %transpose3A_75 = tpu.transpose %get3A_74, [1, 0] : vector<64x2048xf32> -> vector<2048x64xf32>
    %concatenate3A_76 = tpu.concatenate %transpose3A_71, %transpose3A_75 in 1 : vector<2048x64xf32>, vector<2048x64xf32> -> vector<2048x128xf32>
    %swap3A_77 = arith.constant 12288 : index
    %swap3A_78 = arith.constant 0 : index
    %swap3A_79 = vector.load %arg2[%swap3A_77, %swap3A_78] : memref<16384x128xf32, #tpu.memory_space<vmem>>, vector<2048x128xf32>
    tpu.vector_store %arg2[%swap3A_77, %swap3A_78], %concatenate3A_76 {strides = array<i32>} : memref<16384x128xf32, #tpu.memory_space<vmem>>, vector<2048x128xf32>,
    %get3A_80 = arith.constant 0 : index
    %get3A_81 = arith.constant 14336 : index
    %get3A_82 = vector.load %arg1[%get3A_80, %get3A_81] : memref<64x32768xf32, #tpu.memory_space<vmem>>, vector<64x2048xf32>
    %transpose3A_83 = tpu.transpose %get3A_82, [1, 0] : vector<64x2048xf32> -> vector<2048x64xf32>
    %get3A_84 = arith.constant 0 : index
    %get3A_85 = arith.constant 30720 : index
    %get3A_86 = vector.load %arg1[%get3A_84, %get3A_85] : memref<64x32768xf32, #tpu.memory_space<vmem>>, vector<64x2048xf32>
    %transpose3A_87 = tpu.transpose %get3A_86, [1, 0] : vector<64x2048xf32> -> vector<2048x64xf32>
    %concatenate3A_88 = tpu.concatenate %transpose3A_83, %transpose3A_87 in 1 : vector<2048x64xf32>, vector<2048x64xf32> -> vector<2048x128xf32>
    %swap3A_89 = arith.constant 14336 : index
    %swap3A_90 = arith.constant 0 : index
    %swap3A_91 = vector.load %arg2[%swap3A_89, %swap3A_90] : memref<16384x128xf32, #tpu.memory_space<vmem>>, vector<2048x128xf32>
    tpu.vector_store %arg2[%swap3A_89, %swap3A_90], %concatenate3A_88 {strides = array<i32>} : memref<16384x128xf32, #tpu.memory_space<vmem>>, vector<2048x128xf32>,
    return
  }
  func.func @transform_0(%arg0: i32) -> (i32, i32) {
    %c0_i32 = arith.constant 0 : i32
    %c0_i32_0 = arith.constant 0 : i32
    return %c0_i32, %arg0 : i32, i32
  }
  func.func @transform_1(%arg0: i32) -> (i32, i32) {
    %c0_i32 = arith.constant 0 : i32
    %c0_i32_0 = arith.constant 0 : i32
    return %arg0, %c0_i32 : i32, i32
  }
}

</mosaic_0001>

<sc_bundles>
// kernel: kernel.4.cloned.1.call-start
scs
__scs_entry_jumppad:
0x0: {  	(pc) =	sbr.rel $0x88, $3  }
0x1: {  	(tag) =	ssettag $0x0;
	lr =	simm.s32 $0x1  }
0x2: {  	[smem:$0x3F9F] =	sst lr;
	_ =	strace $0xD0000000  }
0x3: {  	_ = 	snop  }
0x4: {  	_ = 	snop  }
0x5: {  	_ = 	snop  }
0x6: {  	_ = 	snop  }
0x7: {  	_ = 	snop  }
__scs_overlays_trampoline_lowered:
0x8: {  	[smem:$0x3FAE] =	sst s0  }
0x9: {  	[smem:$0x3FAF] =	sst s1  }
0xa: {  	[smem:$0x3FB0] =	sst s2  }
0xb: {  	[smem:$0x3FB1] =	sst s3  }
0xc: {  	[smem:$0x3FB2] =	sst s4  }
0xd: {  	[smem:$0x3FB3] =	sst s5  }
0xe: {  	[smem:$0x3FB4] =	sst s6  }
0xf: {  	[smem:$0x3FB5] =	sst s7  }
0x10: {  	[smem:$0x3FB6] =	sst s8  }
0x11: {  	[smem:$0x3FB7] =	sst s9;
	s0 =	simm.s32 @!p0 $0x0  }
0x12: {  	s1 =	sld [smem:$0x3F9D];
	s0 =	simm.s32 @p0 $0x1  }
0x13: {  	[smem:$0x3FB8] =	sst s0;
	s0 =	simm.s32 @!p1 $0x0  }
0x14: {  	s2 =	sld [smem:$0x3F9C];
	s0 =	simm.s32 @p1 $0x1  }
0x15: {  	[smem:$0x3FB9] =	sst s0;
	s0 =	simm.s32 @!p2 $0x0  }
0x16: {  	s3 =	sld [smem:$0x3FDB];
	s0 =	simm.s32 @p2 $0x1  }
0x17: {  	s4 =	simm.s32 $0x1BF5;
	[smem:$0x3FBB] =	sst s0  }
0x18: {  	s0 =	sld [smem:$0x3F9E];
	_ =	swait.ge [sflag:s4], $0x0  }
0x19: {  	s7 =	sld [smem:$0x3F9F]  }
0x1a: {  	s8 =	sadd.s32 $0xFFFFE003, lr  }
0x1b: {  	s9 =	sadd.s32 $0xFFFFFEF7, lr;
	s5 =	simm.s32 $0xFFFFFFFF;
	p2 =	slt.u32 s8, $0xFFFFF086  }
0x1c: {  	p1 =	slt.u32 s9, $0xF7A;
	s5 =	simm.s32 @!p2 $0x0  }
0x1d: {  	s5 =	simm.s32 @p1 $0x1;
	p0 =	seq.s32 s7, s2  }
0x1e: {  	s7 =	smul.u32 @!p0 $0xF7A, s2;
	p2 =	seq.s32 @!p0 s5, $0x0  }
0x1f: {  	s9 =	smul.u32 $0xF7A, s1;
	s8 =	simm.s32 @!p0 $0x1BF5;
	p2 =	por !p2, p0  }
0x20: {  	[sflag:s8] =	ssyncset.s32 @!p0 $0xFFFFF086;
	s6 =	sadd.s32 @!p0 s3, s7;
	s7 =	simm.s32 @!p0 $0x108  }
0x21: {  	s3 =	sadd.s32 s3, s9;
	s6 =	sadd.s32 @!p0 $0x88, s6;
	s7 =	simm.s32 @p2 $0x1082  }
0x22: {  	[simem:s7], [sflag:s8] =	dma.local @!p0 [hbm:s6], $0xF7A  }
0x23: {  	s9 =	sor.u32 $0xD0000000, s2;
	s6 =	simm.s32 $0x108;
	_ =	swait.ge @!p0 [sflag:s8], $0x0  }
0x24: {  	s3 =	sadd.s32 $0x88, s3;
	s6 =	simm.s32 @!p1 $0x1082;
	[sflag:s4] =	ssyncset.s32 $0xFFFFF086  }
0x25: {  	[simem:s6], [sflag:s4] =	dma.local [hbm:s3], $0xF7A  }
0x26: {  	[smem:$0x3F9F] =	sst s1;
	(tag) =	ssettag s2;
	_ =	strace s9  }
0x27: {  	s1 =	sld [smem:$0x3FAF]  }
0x28: {  	s2 =	sld [smem:$0x3FB0]  }
0x29: {  	s4 =	sld [smem:$0x3FB2]  }
0x2a: {  	p0 =	seq.s32 s5, $0x0;
	s5 =	sld [smem:$0x3FB3]  }
0x2b: {  	s6 =	sld [smem:$0x3FB4]  }
0x2c: {  	s7 =	sld [smem:$0x3FB5]  }
0x2d: {  	s3 =	simm.s32 $0x108;
	s8 =	sld [smem:$0x3FB6]  }
0x2e: {  	s3 =	simm.s32 @!p0 $0x1082;
	s9 =	sld [smem:$0x3FB7]  }
0x2f: {  	lr =	sadd.s32 s0, s3;
	s0 =	sld [smem:$0x3FAE]  }
0x30: {  	s3 =	sld [smem:$0x3FB1]  }
0x31: {  	[smem:$0x3FBA] =	sst s10  }
0x32: {  	s10 =	sld [smem:$0x3FB8];
	_ =	sdelay $0x3  }
0x33: {  	p0 =	seq.s32 s10, $0x1;
	s10 =	sld [smem:$0x3FBA];
	_ =	sdelay $0x3  }
0x34: {  	[smem:$0x3FBA] =	sst s10  }
0x35: {  	s10 =	sld [smem:$0x3FB9];
	_ =	sdelay $0x3  }
0x36: {  	p1 =	seq.s32 s10, $0x1;
	s10 =	sld [smem:$0x3FBA];
	_ =	sdelay $0x3  }
0x37: {  	[smem:$0x3FBA] =	sst s10  }
0x38: {  	s10 =	sld [smem:$0x3FBB]  }
0x39: {  	_ = 	snop;
	(pc) =	sbr.ind lr, $3  }
0x3a: {  	_ = 	snop  }
0x3b: {  	_ = 	snop  }
0x3c: {  	p2 =	seq.s32 s10, $0x1;
	s10 =	sld [smem:$0x3FBA]  }
0x3d: {  	_ =	shalt  }
0x3e: {  	_ =	shalt  }
0x3f: {  	_ =	shalt  }
0x40: {  	_ =	shalt  }
0x41: {  	_ =	shalt  }
0x42: {  	_ =	shalt  }
0x43: {  	_ =	shalt  }
0x44: {  	_ =	shalt  }
0x45: {  	_ =	shalt  }
0x46: {  	_ =	shalt  }
0x47: {  	_ =	shalt  }
0x48: {  	_ =	shalt  }
0x49: {  	_ =	shalt  }
0x4a: {  	_ =	shalt  }
0x4b: {  	_ =	shalt  }
0x4c: {  	_ =	shalt  }
0x4d: {  	_ =	shalt  }
0x4e: {  	_ =	shalt  }
0x4f: {  	_ =	shalt  }
0x50: {  	_ =	shalt  }
0x51: {  	_ =	shalt  }
0x52: {  	_ =	shalt  }
0x53: {  	_ =	shalt  }
0x54: {  	_ =	shalt  }
0x55: {  	_ =	shalt  }
0x56: {  	_ =	shalt  }
0x57: {  	_ =	shalt  }
0x58: {  	_ =	shalt  }
0x59: {  	_ =	shalt  }
0x5a: {  	_ =	shalt  }
0x5b: {  	_ =	shalt  }
0x5c: {  	_ =	shalt  }
0x5d: {  	_ =	shalt  }
0x5e: {  	_ =	shalt  }
0x5f: {  	_ =	shalt  }
0x60: {  	_ =	shalt  }
0x61: {  	_ =	shalt  }
0x62: {  	_ =	shalt  }
0x63: {  	_ =	shalt  }
0x64: {  	_ =	shalt  }
0x65: {  	_ =	shalt  }
0x66: {  	_ =	shalt  }
0x67: {  	_ =	shalt  }
0x68: {  	_ =	shalt  }
0x69: {  	_ =	shalt  }
0x6a: {  	_ =	shalt  }
0x6b: {  	_ =	shalt  }
0x6c: {  	_ =	shalt  }
0x6d: {  	_ =	shalt  }
0x6e: {  	_ =	shalt  }
0x6f: {  	_ =	shalt  }
0x70: {  	_ =	shalt  }
0x71: {  	_ =	shalt  }
0x72: {  	_ =	shalt  }
0x73: {  	_ =	shalt  }
0x74: {  	_ =	shalt  }
0x75: {  	_ =	shalt  }
0x76: {  	_ =	shalt  }
0x77: {  	_ =	shalt  }
0x78: {  	_ =	shalt  }
0x79: {  	_ =	shalt  }
0x7a: {  	_ =	shalt  }
0x7b: {  	_ =	shalt  }
0x7c: {  	_ =	shalt  }
0x7d: {  	_ =	shalt  }
0x7e: {  	_ =	shalt  }
0x7f: {  	_ =	shalt  }
0x80: {  	_ =	shalt  }
0x81: {  	_ =	shalt  }
0x82: {  	_ =	shalt  }
0x83: {  	_ =	shalt  }
0x84: {  	_ =	shalt  }
0x85: {  	_ =	shalt  }
0x86: {  	_ =	shalt  }
0x87: {  	_ =	shalt  }
.Lfunc_end0:
.L_simem_size_0:
called_computation.1_lowered:
.L_overlay_start_0:
0x88: {  	s2 =	sld [smem:$0x3FD9]  }
0x89: {  	s3 =	sld [smem:$0x3FFE];
	_ =	sdelay $0x1  }
0x8a: {  	s1 =	srdreg.scid  }
0x8b: {  	s0 =	sand.u32 $0x1, s1  }
0x8c: {  	s17 =	sshll.u32 s0, $0xA;
	s2 =	sadd.s32 s3, s2  }
0x8d: {  	s2 =	sadd.s32 s2, s17  }
0x8e: {  	[smem:$0x3FC6] =	sst s2  }
0x8f: {  	_ = 	snop  }
0x90: {  	s2 =	sld [smem:$0x3FD0];
	(tm) =	ssettm $0x1  }
0x91: {  	s18 =	sld [smem:$0x3FFB];
	_ =	sdelay $0x3  }
0x92: {  	_ =	strace s18  }
0x93: {  	s3 =	sld [smem:$0x3FFC];
	_ =	sdelay $0x3  }
0x94: {  	_ =	strace s3  }
0x95: {  	s3 =	sld [smem:$0x3FFD];
	_ =	sdelay $0x3  }
0x96: {  	_ =	strace s3  }
0x97: {  	_ =	strace $0x8FFFFFFF  }
0x98: {  	s19 =	sld [smem:$0x3FDB];
	_ =	sdelay $0x1  }
0x99: {  	s4 =	simm.s32 $_scs_section_size  }
0x9a: {  	s5 =	simm.s32 $_size__tile_overlayer_lowered;
	s6 =	simm.s32 $_tile_overlayer_lowered  }
0x9b: {  	s22 =	simm.s32 $0x1BFF;
	s21 =	sshll.u32 s6, $0x1;
	s3 =	sadd.s32 s4, s19  }
0x9c: {  	s7 =	simm.s32 $0x0;
	s20 =	sshll.u32 s5, $0x1;
	s5 =	sadd.s32 s21, s3  }
0x9d: {  	[timem:s7], [sflag:s22] =	dma.local [hbm:s5], s20  }
0x9e: {  	_ =	swait.ge [sflag:s22], s20  }
0x9f: {  	s4 =	ssub.s32 $0x0, s20;
	[sflag:s22] =	ssyncset.done $0x0  }
0xa0: {  	[sflag:s22] =	ssyncadd.s32 s4;
	_ =	sdelay $0x1  }
0xa1: {  	s23 =	simm.s32 $0x1B8B  }
0xa2: {  	_ =	swait.ge [sflag:s23], $0x1  }
0xa3: {  	[sflag:s23] =	ssyncset.done $0x0  }
0xa4: {  	s25 =	simm.s32 $0x1B8E;
	s24 =	sld [smem:$0x3FFE];
	[sflag:s23] =	ssyncadd.s32 $0xFFFFFFFF  }
0xa5: {  	s26 =	simm.s32 $execute0_lowered;
	[smem:$0x3FD2] =	sst s25  }
0xa6: {  	s5 =	sshll.u32 s26, $0x1;
	_ =	strace $0x80000046;
	[dreg:$0x1] =	wrdreg $0xFFFFFFFF  }
0xa7: {  	s28 =	simm.s32 $_size_execute0_lowered;
	s3 =	sadd.s32 s3, s5;
	[dreg:$0x0] =	wrdreg $0x0  }
0xa8: {  	s5 =	sshll.u32 s28, $0x1;
	[dreg:$0x2] =	wrdreg s3  }
0xa9: {  	[dreg:$0x3] =	wrdreg s5  }
0xaa: {  	[dreg:$0x4] =	wrdreg $0xC0  }
0xab: {  	_ =	task [dreg:s7], $0x5FFFF  }
0xac: {  	[dreg:$0x1] =	wrdreg $0xFFFFFFFF  }
0xad: {  	[dreg:$0x0] =	wrdreg $0x60  }
0xae: {  	[dreg:$0x2] =	wrdreg s2  }
0xaf: {  	[dreg:$0x3] =	wrdreg s24  }
0xb0: {  	[dreg:$0x4] =	wrdreg $0x9  }
0xb1: {  	_ =	task.clear_ibuf [dreg:s7], $0x5FFFF;
	_ =	strace $0x90000046  }
0xb2: {  	s29 =	simm.s32 $0x9;
	_ =	strace $0x80000048  }
0xb3: {  	_ =	swait.ge [sflag:s29], $0x1  }
0xb4: {  	[sflag:s29] =	ssyncadd.s32 $0xFFFFFFFF  }
0xb5: {  	_ =	strace $0x90000048  }
0xb6: {  	_ =	sfence  }
0xb7: {  	s30 =	sld [smem:$0x0];
	_ =	sdelay $0x2  }
0xb8: {  	s31 =	sshll.u32 s1, $0xD;
	s1 =	sshrl.u32 s1, $0x2  }
0xb9: {  	s3 =	sand.u32 $0x4000, s31;
	s1 =	sadd.s32 s1, s30  }
0xba: {  	s0 =	sor.u32 s3, s0;
	s1 =	sshll.u32 s1, $0x11  }
0xbb: {  	s0 =	sor.u32 s1, s0  }
0xbc: {  	s0 =	sadd.s32 $0x8F2B, s0  }
0xbd: {  	[sflag:s0] =	ssyncadd.remote.s32 $0x1  }
0xbe: {  	_ =	sfence.sel $0xFFFF  }
0xbf: {  	[dreg:$0x0] =	wrdreg $0xFFFFFFFF;
	(pc) =	sbr.abs _section_cstart, $3  }
0xc0: {  	[dreg:$0x1] =	wrdreg $0xFFFFFFFF  }
0xc1: {  	_ =	task.clear_ibuf [dreg:s7], $0x2FFFF;
	_ =	strace $0x9FFFFFFF  }
0xc2: {  	(tm) =	ssettm $0x7FFFFFFF  }
0xc3: {  	_ =	shalt  }
tec
execute0_lowered:
.L_overlay_start_1:
0x0: {  	(tag) =	ssettag $0x1  }
0x1: {  	s0 =	rddreg [dreg:$0x0]  }
0x2: {  	s1 =	srdreg.scid;
	s8 =	stileid.u32  }
0x3: {  	s2 =	rddreg [dreg:$0x1];
	s5 =	simm.s32 $0x0;
	s1 =	sand.u32 $0x1, s1  }
0x4: {  	s3 =	sshll.u32 s8, $0x1;
	[smem:$0x7FF] =	sst s5;
	s21 =	smul.u32 $0x640000, s8  }
0x5: {  	s23 =	sadd.s32 $0x7C0800, s2;
	s4 =	sor.u32 s1, s3;
	s13 =	smul.u32 $0x6400, s1  }
0x6: {  	_ =	strace $0x80000047;
	s6 =	ssub.s32 $0x2, s1;
	s7 =	smul.u32 $0x64000, s4  }
0x7: {  	s3 =	sadd.s32 $0x800, s2;
	s1 =	smul.u32 $0x320000, s1;
	s30 =	sshrl.u32 s6, $0x1  }
0x8: {  	s29 =	smul.u32 $0x6400, s4;
	s2 =	ssub.s32 s6, s30;
	s31 =	sadd.s32 s23, s7  }
0x9: {  	s1 =	sadd.s32 s1, s21;
	s2 =	smax.u32 s2, $0x1;
	[dreg:$0xa] =	wrdreg s31  }
0xa: {  	s5 =	sshrl.u32 s29, $0x3;
	s1 =	sadd.s32 $0x20000, s1;
	[dreg:$0x1b] =	wrdreg s2  }
0xb: {  	s0 =	sadd.s32 s0, s5;
	[dreg:$0x1c] =	wrdreg s1  }
0xc: {  	s5 =	sadd.s32 $0x800, s31;
	[dreg:$0xb] =	wrdreg s0  }
0xd: {  	s9 =	sadd.s32 $0x1000, s31;
	[dreg:$0xc] =	wrdreg s5  }
0xe: {  	s11 =	smul.u32 $0xC800, s8;
	s10 =	sadd.s32 $0x1800, s31;
	[dreg:$0xd] =	wrdreg s9  }
0xf: {  	s7 =	smul.u32 $0x320000, s4;
	s12 =	sadd.s32 $0x2000, s31;
	[dreg:$0xe] =	wrdreg s10  }
0x10: {  	s4 =	sadd.s32 s13, s11;
	s14 =	sadd.s32 $0x3000, s31;
	[dreg:$0xf] =	wrdreg s12  }
0x11: {  	s6 =	sadd.s32 $0x3800, s31;
	s4 =	sshll.u32 s4, $0x4;
	[dreg:$0x11] =	wrdreg s14  }
0x12: {  	s0 =	sshrl.u32 s7, $0x3;
	s7 =	sadd.s32 $0x2800, s31;
	[dreg:$0x12] =	wrdreg s6  }
0x13: {  	s20 =	sadd.s32 $0x7000, s4;
	[dreg:$0x10] =	wrdreg s7  }
0x14: {  	s22 =	sadd.s32 $0x6800, s4;
	[dreg:$0x3] =	wrdreg s20  }
0x15: {  	s24 =	sadd.s32 $0x6000, s4;
	[dreg:$0x4] =	wrdreg s22  }
0x16: {  	s26 =	sadd.s32 $0x5800, s4;
	[dreg:$0x5] =	wrdreg s24  }
0x17: {  	s28 =	sadd.s32 $0x5000, s4;
	[dreg:$0x6] =	wrdreg s26  }
0x18: {  	s30 =	sadd.s32 $0x4800, s4;
	[dreg:$0x7] =	wrdreg s28  }
0x19: {  	s31 =	sadd.s32 $0x7800, s4;
	s0 =	sadd.s32 s23, s0;
	[dreg:$0x8] =	wrdreg s30  }
0x1a: {  	s21 =	simm.s32 $0xF;
	[dreg:$0x9] =	wrdreg s31;
	s15 =	sadd.s32 $0x60000, s0  }
0x1b: {  	s11 =	simm.s32 $0xA;
	s16 =	sadd.s32 $0x60800, s0;
	[dreg:$0x13] =	wrdreg s15  }
0x1c: {  	s13 =	simm.s32 $0xB;
	s17 =	sadd.s32 $0x61000, s0;
	[dreg:$0x14] =	wrdreg s16  }
0x1d: {  	s6 =	simm.s32 $0x40;
	s18 =	sadd.s32 $0x61800, s0;
	[dreg:$0x15] =	wrdreg s17  }
0x1e: {  	s10 =	simm.s32 $0x3;
	s19 =	sadd.s32 $0x62000, s0;
	[dreg:$0x16] =	wrdreg s18  }
0x1f: {  	s12 =	simm.s32 $0x4;
	s25 =	sadd.s32 $0x62800, s0;
	[dreg:$0x17] =	wrdreg s19  }
0x20: {  	s14 =	simm.s32 $0x5;
	s29 =	sadd.s32 $0x63000, s0;
	[dreg:$0x18] =	wrdreg s25  }
0x21: {  	s20 =	simm.s32 $0x8;
	s0 =	sadd.s32 $0x63800, s0;
	[dreg:$0x19] =	wrdreg s29  }
0x22: {  	s22 =	simm.s32 $0x10;
	[dreg:$0x1a] =	wrdreg s0;
	s25 =	simm.s32 $0x80  }
0x23: {  	s15 =	simm.s32 $0xC;
	s16 =	simm.s32 $0x6;
	s17 =	simm.s32 $0xD  }
0x24: {  	s18 =	simm.s32 $0x7;
	s19 =	simm.s32 $0xE;
	s0 =	simm.s32 $0x0  }
.LBB2_1:
0x25: {  	[dreg:$0x1d] =	wrdreg s0  }
0x26: {  	s4 =	simm.s32 $0x0;
	s5 =	rddreg [dreg:$0xb];
	s31 =	simm.s32 $0x11  }
0x27: {  	[tilespmem:s4], [sflag:$0x11] =	stream.linear.gather [hbm4b:s5+s4], $0x6400, $0x38;
	[tilespmem:$0x16400] =	vst v63  }
0x28: {  	_ =	swait.ge [sflag:s31], $0x6400  }
0x29: {  	[sflag:s31] =	ssyncset.done $0x0  }
0x2a: {  	s24 =	simm.s32 $0x6400;
	[sflag:s31] =	ssyncadd.s32 $0xFFFF9C00  }
0x2b: {  	[tilespmem:s24], [sflag:$0x1] =	stream.indirect.gather [hbm4b:s3+s25], $0x40, s4, s25, $0xb8;
	[tilespmem:$0x16400] =	vst v63  }
0x2c: {  	s1 =	simm.s32 $0x8400  }
0x2d: {  	[tilespmem:s1], [sflag:$0x2] =	stream.indirect.gather [hbm4b:s3+s25], $0x40, s25, s25, $0xb8;
	[tilespmem:$0x16400] =	vst v63  }
0x2e: {  	s0 =	simm.s32 $0x100;
	s26 =	simm.s32 $0xA400  }
0x2f: {  	[tilespmem:s26], [sflag:$0x3] =	stream.indirect.gather [hbm4b:s3+s25], $0x40, s0, s25, $0xb8;
	[tilespmem:$0x16400] =	vst v63  }
0x30: {  	s2 =	simm.s32 $0x180;
	s28 =	simm.s32 $0xC400  }
0x31: {  	[tilespmem:s28], [sflag:$0x4] =	stream.indirect.gather [hbm4b:s3+s25], $0x40, s2, s25, $0xb8;
	[tilespmem:$0x16400] =	vst v63  }
0x32: {  	s29 =	simm.s32 $0xE400;
	s4 =	simm.s32 $0x200  }
0x33: {  	[tilespmem:s29], [sflag:$0x5] =	stream.indirect.gather [hbm4b:s3+s25], $0x40, s4, s25, $0xb8;
	[tilespmem:$0x16400] =	vst v63  }
0x34: {  	s7 =	simm.s32 $0x10400;
	s5 =	simm.s32 $0x280  }
0x35: {  	[tilespmem:s7], [sflag:$0x6] =	stream.indirect.gather [hbm4b:s3+s25], $0x40, s5, s25, $0xb8;
	[tilespmem:$0x16400] =	vst v63  }
0x36: {  	s8 =	simm.s32 $0x300;
	s0 =	simm.s32 $0x1;
	s2 =	simm.s32 $0x12400  }
0x37: {  	[tilespmem:s2], [sflag:$0x7] =	stream.indirect.gather [hbm4b:s3+s25], $0x40, s8, s25, $0xb8;
	[tilespmem:$0x16400] =	vst v63  }
0x38: {  	_ =	swait.ge [sflag:s0], $0x2000  }
0x39: {  	[sflag:s0] =	ssyncset.done $0x0  }
0x3a: {  	s9 =	rddreg [dreg:$0xa];
	[sflag:s0] =	ssyncadd.s32 $0xFFFFE000  }
0x3b: {  	[hbm4b:s9+s6] =	stream.strided.scatter [tilespmem:s24], [sflag:$0x9], $0x2000, s25, s6, $0x38;
	[tilespmem:$0x16400] =	vst v63  }
0x3c: {  	s30 =	simm.s32 $0x380;
	s8 =	simm.s32 $0x14400;
	s9 =	simm.s32 $0x2  }
0x3d: {  	[tilespmem:s8], [sflag:$0x8] =	stream.indirect.gather [hbm4b:s3+s25], $0x40, s30, s25, $0xb8;
	[tilespmem:$0x16400] =	vst v63  }
0x3e: {  	_ =	swait.ge [sflag:s9], $0x2000  }
0x3f: {  	[sflag:s9] =	ssyncset.done $0x0  }
0x40: {  	s30 =	simm.s32 $0x9;
	s31 =	rddreg [dreg:$0xc];
	[sflag:s9] =	ssyncadd.s32 $0xFFFFE000  }
0x41: {  	[hbm4b:s31+s6] =	stream.strided.scatter [tilespmem:s1], [sflag:$0xA], $0x2000, s25, s6, $0x38;
	[tilespmem:$0x16400] =	vst v63  }
0x42: {  	_ =	swait.ge [sflag:s30], $0x2000  }
0x43: {  	[sflag:s30] =	ssyncset.done $0x0  }
0x44: {  	s5 =	simm.s32 $0x400;
	[sflag:s30] =	ssyncadd.s32 $0xFFFFE000  }
0x45: {  	[tilespmem:s24], [sflag:$0x1] =	stream.indirect.gather [hbm4b:s3+s25], $0x40, s5, s25, $0xb8;
	[tilespmem:$0x16400] =	vst v63  }
0x46: {  	_ =	swait.ge [sflag:s10], $0x2000  }
0x47: {  	[sflag:s10] =	ssyncset.done $0x0  }
0x48: {  	s31 =	rddreg [dreg:$0xd];
	[sflag:s10] =	ssyncadd.s32 $0xFFFFE000  }
0x49: {  	[hbm4b:s31+s6] =	stream.strided.scatter [tilespmem:s26], [sflag:$0xB], $0x2000, s25, s6, $0x38;
	[tilespmem:$0x16400] =	vst v63  }
0x4a: {  	_ =	swait.ge [sflag:s11], $0x2000  }
0x4b: {  	[sflag:s11] =	ssyncset.done $0x0  }
0x4c: {  	s5 =	simm.s32 $0x480;
	[sflag:s11] =	ssyncadd.s32 $0xFFFFE000  }
0x4d: {  	[tilespmem:s1], [sflag:$0x2] =	stream.indirect.gather [hbm4b:s3+s25], $0x40, s5, s25, $0xb8;
	[tilespmem:$0x16400] =	vst v63  }
0x4e: {  	_ =	swait.ge [sflag:s12], $0x2000  }
0x4f: {  	[sflag:s12] =	ssyncset.done $0x0  }
0x50: {  	s31 =	rddreg [dreg:$0xe];
	[sflag:s12] =	ssyncadd.s32 $0xFFFFE000  }
0x51: {  	[hbm4b:s31+s6] =	stream.strided.scatter [tilespmem:s28], [sflag:$0xC], $0x2000, s25, s6, $0x38;
	[tilespmem:$0x16400] =	vst v63  }
0x52: {  	_ =	swait.ge [sflag:s13], $0x2000  }
0x53: {  	[sflag:s13] =	ssyncset.done $0x0  }
0x54: {  	s5 =	simm.s32 $0x500;
	[sflag:s13] =	ssyncadd.s32 $0xFFFFE000  }
0x55: {  	[tilespmem:s26], [sflag:$0x3] =	stream.indirect.gather [hbm4b:s3+s25], $0x40, s5, s25, $0xb8;
	[tilespmem:$0x16400] =	vst v63  }
0x56: {  	_ =	swait.ge [sflag:s14], $0x2000  }
0x57: {  	[sflag:s14] =	ssyncset.done $0x0  }
0x58: {  	s31 =	rddreg [dreg:$0xf];
	[sflag:s14] =	ssyncadd.s32 $0xFFFFE000  }
0x59: {  	[hbm4b:s31+s6] =	stream.strided.scatter [tilespmem:s29], [sflag:$0xD], $0x2000, s25, s6, $0x38;
	[tilespmem:$0x16400] =	vst v63  }
0x5a: {  	_ =	swait.ge [sflag:s15], $0x2000  }
0x5b: {  	[sflag:s15] =	ssyncset.done $0x0  }
0x5c: {  	s5 =	simm.s32 $0x580;
	[sflag:s15] =	ssyncadd.s32 $0xFFFFE000  }
0x5d: {  	[tilespmem:s28], [sflag:$0x4] =	stream.indirect.gather [hbm4b:s3+s25], $0x40, s5, s25, $0xb8;
	[tilespmem:$0x16400] =	vst v63  }
0x5e: {  	_ =	swait.ge [sflag:s16], $0x2000  }
0x5f: {  	[sflag:s16] =	ssyncset.done $0x0  }
0x60: {  	s31 =	rddreg [dreg:$0x10];
	[sflag:s16] =	ssyncadd.s32 $0xFFFFE000  }
0x61: {  	[hbm4b:s31+s6] =	stream.strided.scatter [tilespmem:s7], [sflag:$0xE], $0x2000, s25, s6, $0x38;
	[tilespmem:$0x16400] =	vst v63  }
0x62: {  	_ =	swait.ge [sflag:s17], $0x2000  }
0x63: {  	[sflag:s17] =	ssyncset.done $0x0  }
0x64: {  	s5 =	simm.s32 $0x600;
	[sflag:s17] =	ssyncadd.s32 $0xFFFFE000  }
0x65: {  	[tilespmem:s29], [sflag:$0x5] =	stream.indirect.gather [hbm4b:s3+s25], $0x40, s5, s25, $0xb8;
	[tilespmem:$0x16400] =	vst v63  }
0x66: {  	_ =	swait.ge [sflag:s18], $0x2000  }
0x67: {  	[sflag:s18] =	ssyncset.done $0x0  }
0x68: {  	s31 =	rddreg [dreg:$0x11];
	[sflag:s18] =	ssyncadd.s32 $0xFFFFE000  }
0x69: {  	[hbm4b:s31+s6] =	stream.strided.scatter [tilespmem:s2], [sflag:$0xF], $0x2000, s25, s6, $0x38;
	[tilespmem:$0x16400] =	vst v63  }
0x6a: {  	_ =	swait.ge [sflag:s19], $0x2000  }
0x6b: {  	[sflag:s19] =	ssyncset.done $0x0  }
0x6c: {  	s5 =	simm.s32 $0x680;
	[sflag:s19] =	ssyncadd.s32 $0xFFFFE000  }
0x6d: {  	[tilespmem:s7], [sflag:$0x6] =	stream.indirect.gather [hbm4b:s3+s25], $0x40, s5, s25, $0xb8;
	[tilespmem:$0x16400] =	vst v63  }
0x6e: {  	_ =	swait.ge [sflag:s20], $0x2000  }
0x6f: {  	[sflag:s20] =	ssyncset.done $0x0  }
0x70: {  	s31 =	rddreg [dreg:$0x12];
	[sflag:s20] =	ssyncadd.s32 $0xFFFFE000  }
0x71: {  	[hbm4b:s31+s6] =	stream.strided.scatter [tilespmem:s8], [sflag:$0x10], $0x2000, s25, s6, $0x38;
	[tilespmem:$0x16400] =	vst v63  }
0x72: {  	_ =	swait.ge [sflag:s21], $0x2000  }
0x73: {  	[sflag:s21] =	ssyncset.done $0x0  }
0x74: {  	s5 =	simm.s32 $0x700;
	[sflag:s21] =	ssyncadd.s32 $0xFFFFE000  }
0x75: {  	[tilespmem:s2], [sflag:$0x7] =	stream.indirect.gather [hbm4b:s3+s25], $0x40, s5, s25, $0xb8;
	[tilespmem:$0x16400] =	vst v63  }
0x76: {  	_ =	swait.ge [sflag:s0], $0x2000  }
0x77: {  	s5 =	rddreg [dreg:$0x1c]  }
0x78: {  	[sflag:s0] =	ssyncset.done $0x0;
	s31 =	sshrl.u32 s5, $0x3  }
0x79: {  	[sflag:s0] =	ssyncadd.s32 $0xFFFFE000;
	s4 =	sadd.s32 s23, s31  }
0x7a: {  	[hbm4b:s4+s6] =	stream.strided.scatter [tilespmem:s24], [sflag:$0x9], $0x2000, s25, s6, $0x38;
	[tilespmem:$0x16400] =	vst v63  }
0x7b: {  	_ =	swait.ge [sflag:s22], $0x2000  }
0x7c: {  	[sflag:s22] =	ssyncset.done $0x0  }
0x7d: {  	s31 =	simm.s32 $0x780;
	[sflag:s22] =	ssyncadd.s32 $0xFFFFE000  }
0x7e: {  	[tilespmem:s8], [sflag:$0x8] =	stream.indirect.gather [hbm4b:s3+s25], $0x40, s31, s25, $0xb8;
	[tilespmem:$0x16400] =	vst v63  }
0x7f: {  	_ =	swait.ge [sflag:s9], $0x2000  }
0x80: {  	s0 =	rddreg [dreg:$0x8];
	[sflag:s9] =	ssyncset.done $0x0  }
0x81: {  	[sflag:s9] =	ssyncadd.s32 $0xFFFFE000;
	s4 =	sadd.s32 s23, s0  }
0x82: {  	[hbm4b:s4+s6] =	stream.strided.scatter [tilespmem:s1], [sflag:$0xA], $0x2000, s25, s6, $0x38;
	[tilespmem:$0x16400] =	vst v63  }
0x83: {  	_ =	swait.ge [sflag:s30], $0x2000  }
0x84: {  	[sflag:s30] =	ssyncset.done $0x0  }
0x85: {  	s9 =	simm.s32 $0x800;
	[sflag:s30] =	ssyncadd.s32 $0xFFFFE000  }
0x86: {  	[tilespmem:s24], [sflag:$0x1] =	stream.indirect.gather [hbm4b:s3+s25], $0x40, s9, s25, $0xb8;
	[tilespmem:$0x16400] =	vst v63  }
0x87: {  	_ =	swait.ge [sflag:s10], $0x2000  }
0x88: {  	s24 =	rddreg [dreg:$0x7];
	[sflag:s10] =	ssyncset.done $0x0  }
0x89: {  	[sflag:s10] =	ssyncadd.s32 $0xFFFFE000;
	s4 =	sadd.s32 s23, s24  }
0x8a: {  	[hbm4b:s4+s6] =	stream.strided.scatter [tilespmem:s26], [sflag:$0xB], $0x2000, s25, s6, $0x38;
	[tilespmem:$0x16400] =	vst v63  }
0x8b: {  	_ =	swait.ge [sflag:s11], $0x2000  }
0x8c: {  	[sflag:s11] =	ssyncset.done $0x0  }
0x8d: {  	s30 =	simm.s32 $0x880;
	[sflag:s11] =	ssyncadd.s32 $0xFFFFE000  }
0x8e: {  	[tilespmem:s1], [sflag:$0x2] =	stream.indirect.gather [hbm4b:s3+s25], $0x40, s30, s25, $0xb8;
	[tilespmem:$0x16400] =	vst v63  }
0x8f: {  	_ =	swait.ge [sflag:s12], $0x2000  }
0x90: {  	s31 =	rddreg [dreg:$0x6];
	[sflag:s12] =	ssyncset.done $0x0  }
0x91: {  	[sflag:s12] =	ssyncadd.s32 $0xFFFFE000;
	s4 =	sadd.s32 s23, s31  }
0x92: {  	[hbm4b:s4+s6] =	stream.strided.scatter [tilespmem:s28], [sflag:$0xC], $0x2000, s25, s6, $0x38;
	[tilespmem:$0x16400] =	vst v63  }
0x93: {  	_ =	swait.ge [sflag:s13], $0x2000  }
0x94: {  	[sflag:s13] =	ssyncset.done $0x0  }
0x95: {  	s0 =	simm.s32 $0x900;
	[sflag:s13] =	ssyncadd.s32 $0xFFFFE000  }
0x96: {  	[tilespmem:s26], [sflag:$0x3] =	stream.indirect.gather [hbm4b:s3+s25], $0x40, s0, s25, $0xb8;
	[tilespmem:$0x16400] =	vst v63  }
0x97: {  	_ =	swait.ge [sflag:s14], $0x2000  }
0x98: {  	s1 =	rddreg [dreg:$0x5];
	[sflag:s14] =	ssyncset.done $0x0  }
0x99: {  	[sflag:s14] =	ssyncadd.s32 $0xFFFFE000;
	s4 =	sadd.s32 s23, s1  }
0x9a: {  	[hbm4b:s4+s6] =	stream.strided.scatter [tilespmem:s29], [sflag:$0xD], $0x2000, s25, s6, $0x38;
	[tilespmem:$0x16400] =	vst v63  }
0x9b: {  	_ =	swait.ge [sflag:s15], $0x2000  }
0x9c: {  	[sflag:s15] =	ssyncset.done $0x0  }
0x9d: {  	s9 =	simm.s32 $0x980;
	[sflag:s15] =	ssyncadd.s32 $0xFFFFE000  }
0x9e: {  	[tilespmem:s28], [sflag:$0x4] =	stream.indirect.gather [hbm4b:s3+s25], $0x40, s9, s25, $0xb8;
	[tilespmem:$0x16400] =	vst v63  }
0x9f: {  	_ =	swait.ge [sflag:s16], $0x2000  }
0xa0: {  	s24 =	rddreg [dreg:$0x4];
	[sflag:s16] =	ssyncset.done $0x0  }
0xa1: {  	[sflag:s16] =	ssyncadd.s32 $0xFFFFE000;
	s4 =	sadd.s32 s23, s24  }
0xa2: {  	[hbm4b:s4+s6] =	stream.strided.scatter [tilespmem:s7], [sflag:$0xE], $0x2000, s25, s6, $0x38;
	[tilespmem:$0x16400] =	vst v63  }
0xa3: {  	_ =	swait.ge [sflag:s17], $0x2000  }
0xa4: {  	[sflag:s17] =	ssyncset.done $0x0  }
0xa5: {  	s26 =	simm.s32 $0xA00;
	[sflag:s17] =	ssyncadd.s32 $0xFFFFE000  }
0xa6: {  	[tilespmem:s29], [sflag:$0x5] =	stream.indirect.gather [hbm4b:s3+s25], $0x40, s26, s25, $0xb8;
	[tilespmem:$0x16400] =	vst v63  }
0xa7: {  	_ =	swait.ge [sflag:s18], $0x2000  }
0xa8: {  	s29 =	rddreg [dreg:$0x3];
	[sflag:s18] =	ssyncset.done $0x0  }
0xa9: {  	[sflag:s18] =	ssyncadd.s32 $0xFFFFE000;
	s4 =	sadd.s32 s23, s29  }
0xaa: {  	[hbm4b:s4+s6] =	stream.strided.scatter [tilespmem:s2], [sflag:$0xF], $0x2000, s25, s6, $0x38;
	[tilespmem:$0x16400] =	vst v63  }
0xab: {  	_ =	swait.ge [sflag:s19], $0x2000  }
0xac: {  	[sflag:s19] =	ssyncset.done $0x0  }
0xad: {  	s30 =	simm.s32 $0xA80;
	[sflag:s19] =	ssyncadd.s32 $0xFFFFE000  }
0xae: {  	[tilespmem:s7], [sflag:$0x6] =	stream.indirect.gather [hbm4b:s3+s25], $0x40, s30, s25, $0xb8;
	[tilespmem:$0x16400] =	vst v63  }
0xaf: {  	_ =	swait.ge [sflag:s20], $0x2000  }
0xb0: {  	s31 =	rddreg [dreg:$0x9];
	[sflag:s20] =	ssyncset.done $0x0  }
0xb1: {  	[sflag:s20] =	ssyncadd.s32 $0xFFFFE000;
	s4 =	sadd.s32 s23, s31  }
0xb2: {  	[hbm4b:s4+s6] =	stream.strided.scatter [tilespmem:s8], [sflag:$0x10], $0x2000, s25, s6, $0x38;
	[tilespmem:$0x16400] =	vst v63  }
0xb3: {  	s5 =	sadd.s32 $0x20000, s5;
	_ =	swait.ge [sflag:s21], $0x2000  }
0xb4: {  	s28 =	smov.u32 s23;
	s24 =	simm.s32 $0x1000;
	[sflag:s21] =	ssyncset.done $0x0  }
0xb5: {  	s23 =	sadd.s32 $0x4000, s23;
	s4 =	simm.s32 $0xB00;
	[sflag:s21] =	ssyncadd.s32 $0xFFFFE000  }
.LBB2_2:
0xb6: {  	s8 =	simm.s32 $0x12400;
	s0 =	simm.s32 $0x1  }
0xb7: {  	[tilespmem:s8], [sflag:$0x7] =	stream.indirect.gather [hbm4b:s3+s25], $0x40, s4, s25, $0xb8;
	[tilespmem:$0x16400] =	vst v63  }
0xb8: {  	_ =	swait.ge [sflag:s0], $0x2000  }
0xb9: {  	s26 =	sshrl.u32 s5, $0x3;
	[sflag:s0] =	ssyncset.done $0x0  }
0xba: {  	s1 =	simm.s32 $0x6400;
	s26 =	sadd.s32 s28, s26;
	[sflag:s0] =	ssyncadd.s32 $0xFFFFE000  }
0xbb: {  	[hbm4b:s26+s6] =	stream.strided.scatter [tilespmem:s1], [sflag:$0x9], $0x2000, s25, s6, $0x38;
	[tilespmem:$0x16400] =	vst v63  }
0xbc: {  	s9 =	smov.u32 s24;
	_ =	swait.ge [sflag:s22], $0x2000  }
0xbd: {  	s2 =	simm.s32 $0x2;
	s4 =	sshra.s32 s9, $0x2;
	[sflag:s22] =	ssyncset.done $0x0  }
0xbe: {  	s9 =	simm.s32 $0x14400;
	s0 =	sadd.s32 $0x780, s4;
	[sflag:s22] =	ssyncadd.s32 $0xFFFFE000  }
0xbf: {  	[tilespmem:s9], [sflag:$0x8] =	stream.indirect.gather [hbm4b:s3+s25], $0x40, s0, s25, $0xb8;
	[tilespmem:$0x16400] =	vst v63  }
0xc0: {  	_ =	swait.ge [sflag:s2], $0x2000  }
0xc1: {  	s7 =	rddreg [dreg:$0x8];
	[sflag:s2] =	ssyncset.done $0x0  }
0xc2: {  	s29 =	simm.s32 $0x8400;
	[sflag:s2] =	ssyncadd.s32 $0xFFFFE000;
	s26 =	sadd.s32 s23, s7  }
0xc3: {  	[hbm4b:s26+s6] =	stream.strided.scatter [tilespmem:s29], [sflag:$0xA], $0x2000, s25, s6, $0x38;
	[tilespmem:$0x16400] =	vst v63  }
0xc4: {  	s26 =	simm.s32 $0x9  }
0xc5: {  	_ =	swait.ge [sflag:s26], $0x2000  }
0xc6: {  	[sflag:s26] =	ssyncset.done $0x0  }
0xc7: {  	s0 =	sadd.s32 $0x800, s4;
	[sflag:s26] =	ssyncadd.s32 $0xFFFFE000  }
0xc8: {  	[tilespmem:s1], [sflag:$0x1] =	stream.indirect.gather [hbm4b:s3+s25], $0x40, s0, s25, $0xb8;
	[tilespmem:$0x16400] =	vst v63  }
0xc9: {  	_ =	swait.ge [sflag:s10], $0x2000  }
0xca: {  	s2 =	rddreg [dreg:$0x7];
	[sflag:s10] =	ssyncset.done $0x0  }
0xcb: {  	s0 =	simm.s32 $0xA400;
	[sflag:s10] =	ssyncadd.s32 $0xFFFFE000;
	s26 =	sadd.s32 s23, s2  }
0xcc: {  	[hbm4b:s26+s6] =	stream.strided.scatter [tilespmem:s0], [sflag:$0xB], $0x2000, s25, s6, $0x38;
	[tilespmem:$0x16400] =	vst v63  }
0xcd: {  	_ =	swait.ge [sflag:s11], $0x2000  }
0xce: {  	[sflag:s11] =	ssyncset.done $0x0  }
0xcf: {  	s7 =	sadd.s32 $0x880, s4;
	[sflag:s11] =	ssyncadd.s32 $0xFFFFE000  }
0xd0: {  	[tilespmem:s29], [sflag:$0x2] =	stream.indirect.gather [hbm4b:s3+s25], $0x40, s7, s25, $0xb8;
	[tilespmem:$0x16400] =	vst v63  }
0xd1: {  	_ =	swait.ge [sflag:s12], $0x2000  }
0xd2: {  	s2 =	rddreg [dreg:$0x6];
	[sflag:s12] =	ssyncset.done $0x0  }
0xd3: {  	s31 =	simm.s32 $0xC400;
	[sflag:s12] =	ssyncadd.s32 $0xFFFFE000;
	s26 =	sadd.s32 s23, s2  }
0xd4: {  	[hbm4b:s26+s6] =	stream.strided.scatter [tilespmem:s31], [sflag:$0xC], $0x2000, s25, s6, $0x38;
	[tilespmem:$0x16400] =	vst v63  }
0xd5: {  	_ =	swait.ge [sflag:s13], $0x2000  }
0xd6: {  	[sflag:s13] =	ssyncset.done $0x0  }
0xd7: {  	s7 =	sadd.s32 $0x900, s4;
	[sflag:s13] =	ssyncadd.s32 $0xFFFFE000  }
0xd8: {  	[tilespmem:s0], [sflag:$0x3] =	stream.indirect.gather [hbm4b:s3+s25], $0x40, s7, s25, $0xb8;
	[tilespmem:$0x16400] =	vst v63  }
0xd9: {  	_ =	swait.ge [sflag:s14], $0x2000  }
0xda: {  	s0 =	rddreg [dreg:$0x5];
	[sflag:s14] =	ssyncset.done $0x0  }
0xdb: {  	s7 =	simm.s32 $0xE400;
	[sflag:s14] =	ssyncadd.s32 $0xFFFFE000;
	s26 =	sadd.s32 s23, s0  }
0xdc: {  	[hbm4b:s26+s6] =	stream.strided.scatter [tilespmem:s7], [sflag:$0xD], $0x2000, s25, s6, $0x38;
	[tilespmem:$0x16400] =	vst v63  }
0xdd: {  	_ =	swait.ge [sflag:s15], $0x2000  }
0xde: {  	[sflag:s15] =	ssyncset.done $0x0  }
0xdf: {  	s2 =	sadd.s32 $0x980, s4;
	[sflag:s15] =	ssyncadd.s32 $0xFFFFE000  }
0xe0: {  	[tilespmem:s31], [sflag:$0x4] =	stream.indirect.gather [hbm4b:s3+s25], $0x40, s2, s25, $0xb8;
	[tilespmem:$0x16400] =	vst v63  }
0xe1: {  	_ =	swait.ge [sflag:s16], $0x2000  }
0xe2: {  	s2 =	rddreg [dreg:$0x4];
	[sflag:s16] =	ssyncset.done $0x0  }
0xe3: {  	[sflag:s16] =	ssyncadd.s32 $0xFFFFE000;
	s26 =	sadd.s32 s23, s2;
	s2 =	simm.s32 $0x10400  }
0xe4: {  	[hbm4b:s26+s6] =	stream.strided.scatter [tilespmem:s2], [sflag:$0xE], $0x2000, s25, s6, $0x38;
	[tilespmem:$0x16400] =	vst v63  }
0xe5: {  	_ =	swait.ge [sflag:s17], $0x2000  }
0xe6: {  	[sflag:s17] =	ssyncset.done $0x0  }
0xe7: {  	s26 =	sadd.s32 $0xA00, s4;
	[sflag:s17] =	ssyncadd.s32 $0xFFFFE000  }
0xe8: {  	[tilespmem:s7], [sflag:$0x5] =	stream.indirect.gather [hbm4b:s3+s25], $0x40, s26, s25, $0xb8;
	[tilespmem:$0x16400] =	vst v63  }
0xe9: {  	_ =	swait.ge [sflag:s18], $0x2000  }
0xea: {  	s7 =	rddreg [dreg:$0x3];
	[sflag:s18] =	ssyncset.done $0x0  }
0xeb: {  	[sflag:s18] =	ssyncadd.s32 $0xFFFFE000;
	s26 =	sadd.s32 s23, s7  }
0xec: {  	[hbm4b:s26+s6] =	stream.strided.scatter [tilespmem:s8], [sflag:$0xF], $0x2000, s25, s6, $0x38;
	[tilespmem:$0x16400] =	vst v63  }
0xed: {  	_ =	swait.ge [sflag:s19], $0x2000  }
0xee: {  	p0 =	sne.s32 s24, $0x16000;
	[sflag:s19] =	ssyncset.done $0x0  }
0xef: {  	s24 =	sadd.s32 $0x1000, s24;
	s8 =	sadd.s32 $0xA80, s4;
	[sflag:s19] =	ssyncadd.s32 $0xFFFFE000  }
0xf0: {  	[tilespmem:s2], [sflag:$0x6] =	stream.indirect.gather [hbm4b:s3+s25], $0x40, s8, s25, $0xb8;
	[tilespmem:$0x16400] =	vst v63  }
0xf1: {  	s30 =	simm.s32 $0x6400;
	s5 =	sadd.s32 $0x20000, s5;
	_ =	swait.ge [sflag:s20], $0x2000  }
0xf2: {  	s1 =	simm.s32 $0x8400;
	s8 =	rddreg [dreg:$0x9];
	[sflag:s20] =	ssyncset.done $0x0  }
.Ltmp0:
0xf3: {  	[sflag:s20] =	ssyncadd.s32 $0xFFFFE000;
	s26 =	sadd.s32 s23, s8;
	(pc) =	sbr.rel @p0 .LBB2_2-.Ltmp0, $4  }
0xf4: {  	[hbm4b:s26+s6] =	stream.strided.scatter [tilespmem:s9], [sflag:$0x10], $0x2000, s25, s6, $0x38;
	[tilespmem:$0x16400] =	vst v63  }
0xf5: {  	s29 =	simm.s32 $0xA400;
	s0 =	simm.s32 $0xC400;
	_ =	swait.ge [sflag:s21], $0x2000  }
0xf6: {  	s31 =	simm.s32 $0xE400;
	s7 =	simm.s32 $0x10400;
	[sflag:s21] =	ssyncset.done $0x0  }
0xf7: {  	s4 =	sadd.s32 $0xB00, s4;
	s23 =	sadd.s32 $0x4000, s23;
	[sflag:s21] =	ssyncadd.s32 $0xFFFFE000  }
0xf8: {  	s2 =	simm.s32 $0x12400;
	s9 =	simm.s32 $0x1  }
0xf9: {  	[tilespmem:s2], [sflag:$0x7] =	stream.indirect.gather [hbm4b:s3+s25], $0x40, s4, s25, $0xb8;
	[tilespmem:$0x16400] =	vst v63  }
0xfa: {  	_ =	swait.ge [sflag:s9], $0x2000  }
0xfb: {  	[sflag:s9] =	ssyncset.done $0x0  }
0xfc: {  	s23 =	rddreg [dreg:$0x13];
	[sflag:s9] =	ssyncadd.s32 $0xFFFFE000  }
0xfd: {  	[hbm4b:s23+s6] =	stream.strided.scatter [tilespmem:s30], [sflag:$0x9], $0x2000, s25, s6, $0x38;
	[tilespmem:$0x16400] =	vst v63  }
0xfe: {  	_ =	swait.ge [sflag:s22], $0x2000  }
0xff: {  	s5 =	simm.s32 $0x14400;
	[sflag:s22] =	ssyncset.done $0x0  }
0x100: {  	s24 =	simm.s32 $0x6380;
	s26 =	simm.s32 $0x2;
	[sflag:s22] =	ssyncadd.s32 $0xFFFFE000  }
0x101: {  	[tilespmem:s5], [sflag:$0x8] =	stream.indirect.gather [hbm4b:s3+s25], $0x40, s24, s25, $0xb8;
	[tilespmem:$0x16400] =	vst v63  }
0x102: {  	_ =	swait.ge [sflag:s26], $0x2000  }
0x103: {  	[sflag:s26] =	ssyncset.done $0x0  }
0x104: {  	s4 =	simm.s32 $0x9;
	s30 =	rddreg [dreg:$0x14];
	[sflag:s26] =	ssyncadd.s32 $0xFFFFE000  }
0x105: {  	[hbm4b:s30+s6] =	stream.strided.scatter [tilespmem:s1], [sflag:$0xA], $0x2000, s25, s6, $0x38;
	[tilespmem:$0x16400] =	vst v63  }
0x106: {  	_ =	swait.ge [sflag:s4], $0x2000  }
0x107: {  	[sflag:s4] =	ssyncset.done $0x0  }
0x108: {  	[sflag:s4] =	ssyncadd.s32 $0xFFFFE000  }
0x109: {  	_ =	swait.ge [sflag:s10], $0x2000  }
0x10a: {  	[sflag:s10] =	ssyncset.done $0x0  }
0x10b: {  	s8 =	rddreg [dreg:$0x15];
	[sflag:s10] =	ssyncadd.s32 $0xFFFFE000  }
0x10c: {  	[hbm4b:s8+s6] =	stream.strided.scatter [tilespmem:s29], [sflag:$0xB], $0x2000, s25, s6, $0x38;
	[tilespmem:$0x16400] =	vst v63  }
0x10d: {  	_ =	swait.ge [sflag:s11], $0x2000  }
0x10e: {  	[sflag:s11] =	ssyncset.done $0x0  }
0x10f: {  	[sflag:s11] =	ssyncadd.s32 $0xFFFFE000  }
0x110: {  	_ =	swait.ge [sflag:s12], $0x2000  }
0x111: {  	[sflag:s12] =	ssyncset.done $0x0  }
0x112: {  	s9 =	rddreg [dreg:$0x16];
	[sflag:s12] =	ssyncadd.s32 $0xFFFFE000  }
0x113: {  	[hbm4b:s9+s6] =	stream.strided.scatter [tilespmem:s0], [sflag:$0xC], $0x2000, s25, s6, $0x38;
	[tilespmem:$0x16400] =	vst v63  }
0x114: {  	_ =	swait.ge [sflag:s13], $0x2000  }
0x115: {  	[sflag:s13] =	ssyncset.done $0x0  }
0x116: {  	[sflag:s13] =	ssyncadd.s32 $0xFFFFE000  }
0x117: {  	_ =	swait.ge [sflag:s14], $0x2000  }
0x118: {  	[sflag:s14] =	ssyncset.done $0x0  }
0x119: {  	s23 =	rddreg [dreg:$0x17];
	[sflag:s14] =	ssyncadd.s32 $0xFFFFE000  }
0x11a: {  	[hbm4b:s23+s6] =	stream.strided.scatter [tilespmem:s31], [sflag:$0xD], $0x2000, s25, s6, $0x38;
	[tilespmem:$0x16400] =	vst v63  }
0x11b: {  	_ =	swait.ge [sflag:s15], $0x2000  }
0x11c: {  	[sflag:s15] =	ssyncset.done $0x0  }
0x11d: {  	[sflag:s15] =	ssyncadd.s32 $0xFFFFE000  }
0x11e: {  	_ =	swait.ge [sflag:s16], $0x2000  }
0x11f: {  	[sflag:s16] =	ssyncset.done $0x0  }
0x120: {  	s24 =	rddreg [dreg:$0x18];
	[sflag:s16] =	ssyncadd.s32 $0xFFFFE000  }
0x121: {  	[hbm4b:s24+s6] =	stream.strided.scatter [tilespmem:s7], [sflag:$0xE], $0x2000, s25, s6, $0x38;
	[tilespmem:$0x16400] =	vst v63  }
0x122: {  	_ =	swait.ge [sflag:s17], $0x2000  }
0x123: {  	[sflag:s17] =	ssyncset.done $0x0  }
0x124: {  	[sflag:s17] =	ssyncadd.s32 $0xFFFFE000  }
0x125: {  	_ =	swait.ge [sflag:s18], $0x2000  }
0x126: {  	[sflag:s18] =	ssyncset.done $0x0  }
0x127: {  	s26 =	rddreg [dreg:$0x19];
	[sflag:s18] =	ssyncadd.s32 $0xFFFFE000  }
0x128: {  	[hbm4b:s26+s6] =	stream.strided.scatter [tilespmem:s2], [sflag:$0xF], $0x2000, s25, s6, $0x38;
	[tilespmem:$0x16400] =	vst v63  }
0x129: {  	_ =	swait.ge [sflag:s19], $0x2000  }
0x12a: {  	[sflag:s19] =	ssyncset.done $0x0  }
0x12b: {  	[sflag:s19] =	ssyncadd.s32 $0xFFFFE000  }
0x12c: {  	_ =	swait.ge [sflag:s20], $0x2000  }
0x12d: {  	[sflag:s20] =	ssyncset.done $0x0  }
0x12e: {  	s29 =	rddreg [dreg:$0x1a];
	[sflag:s20] =	ssyncadd.s32 $0xFFFFE000  }
0x12f: {  	[hbm4b:s29+s6] =	stream.strided.scatter [tilespmem:s5], [sflag:$0x10], $0x2000, s25, s6, $0x38;
	[tilespmem:$0x16400] =	vst v63  }
0x130: {  	_ =	swait.ge [sflag:s21], $0x2000  }
0x131: {  	[sflag:s21] =	ssyncset.done $0x0  }
0x132: {  	[sflag:s21] =	ssyncadd.s32 $0xFFFFE000  }
0x133: {  	_ =	swait.ge [sflag:s22], $0x2000  }
0x134: {  	s30 =	rddreg [dreg:$0x1d]  }
0x135: {  	s31 =	rddreg [dreg:$0x1b];
	s0 =	sadd.s32 $0x1, s30  }
0x136: {  	p0 =	sne.s32 s0, s31  }
.Ltmp1:
0x137: {  	_ = 	snop;
	(pc) =	sbr.rel @p0 .LBB2_1-.Ltmp1, $3  }
0x138: {  	_ =	sdelay $0x1  }
0x139: {  	[sflag:s22] =	ssyncset.done $0x0  }
0x13a: {  	s23 =	smov.u32 s28;
	[sflag:s22] =	ssyncadd.s32 $0xFFFFE000  }
0x13b: {  	_ =	sfence.sel $0x180000  }
0x13c: {  	[bflag:$0x0] =	sbarrier.arrive $0xFFFF  }
0x13d: {  	_ =	strace $0x90000047  }
0x13e: {  	s0 =	stileid.u32;
	[bflag:$0x2] =	sbarrier.arrive $0xFFFF  }
0x13f: {  	p0 =	sne.s32 s0, $0x0;
	s0 =	rddreg [dreg:$0x2]  }
0x140: {  	s0 =	sadd.s32 @!p0 $0x100000, s0  }
0x141: {  	[sflag:s0] =	ssyncadd.tile.s32 @!p0 $0x1;
	_ =	shalt  }
.Lfunc_end2:
_tile_overlayer_lowered:
.L_overlay_start_2:
0x142: {  	(tag) =	ssettag $0x2  }
0x143: {  	s0 =	rddreg [dreg:$0x0];
	s2 =	stileid.u32  }
0x144: {  	s1 =	rddreg [dreg:$0x1];
	p0 =	sne.s32 s2, $0x0  }
0x145: {  	s3 =	rddreg [dreg:$0x2];
	[bflag:$0x3] =	sbarrier.arrive $0xFFFF;
	s2 =	simm.s32 @!p0 $0x1C11  }
0x146: {  	[timem:s3], [sflag:s2] =	dma.local @!p0 [hbm:s0], s1  }
0x147: {  	s0 =	simm.s32 @!p0 $0x11  }
0x148: {  	_ =	swait.ge @!p0 [sflag:s0], s1  }
0x149: {  	s1 =	ssub.s32 @!p0 $0x0, s1;
	[sflag:s0] =	ssyncset.done @!p0 $0x0  }
0x14a: {  	[sflag:s0] =	ssyncadd.s32 @!p0 s1  }
0x14b: {  	[bflag:$0x3] =	sbarrier.arrive $0xFFFF  }
0x14c: {  	_ =	shalt  }

// kernel: sparse-core-data-format-call.cloned.1.call-start
scs
called_computation_lowered:
.L_overlay_start_0:
0x0: {  	s2 =	sld [smem:$0x3FD9]  }
0x1: {  	s3 =	sld [smem:$0x3FFE];
	_ =	sdelay $0x1  }
0x2: {  	s1 =	srdreg.scid  }
0x3: {  	s0 =	sand.u32 $0x1, s1  }
0x4: {  	s18 =	sshll.u32 s0, $0xA;
	s2 =	sadd.s32 s3, s2  }
0x5: {  	s2 =	sadd.s32 s2, s18  }
0x6: {  	[smem:$0x3FC6] =	sst s2  }
0x7: {  	_ = 	snop  }
0x8: {  	s2 =	sld [smem:$0x3FD0];
	(tm) =	ssettm $0x1  }
0x9: {  	s19 =	sld [smem:$0x3FFB];
	_ =	sdelay $0x3  }
0xa: {  	_ =	strace s19  }
0xb: {  	s3 =	sld [smem:$0x3FFC];
	_ =	sdelay $0x3  }
0xc: {  	_ =	strace s3  }
0xd: {  	s3 =	sld [smem:$0x3FFD];
	_ =	sdelay $0x3  }
0xe: {  	_ =	strace s3  }
0xf: {  	_ =	strace $0x8FFFFFFF  }
0x10: {  	s20 =	sld [smem:$0x3FDB];
	_ =	sdelay $0x1  }
0x11: {  	s4 =	simm.s32 $_scs_section_size  }
0x12: {  	s5 =	simm.s32 $_size__tile_overlayer_lowered;
	s6 =	simm.s32 $_tile_overlayer_lowered  }
0x13: {  	s23 =	simm.s32 $0x1BFF;
	s22 =	sshll.u32 s6, $0x1;
	s3 =	sadd.s32 s4, s20  }
0x14: {  	s7 =	simm.s32 $0x0;
	s21 =	sshll.u32 s5, $0x1;
	s5 =	sadd.s32 s22, s3  }
0x15: {  	[timem:s7], [sflag:s23] =	dma.local [hbm:s5], s21  }
0x16: {  	_ =	swait.ge [sflag:s23], s21  }
0x17: {  	s4 =	ssub.s32 $0x0, s21;
	[sflag:s23] =	ssyncset.done $0x0  }
0x18: {  	[sflag:s23] =	ssyncadd.s32 s4;
	_ =	sdelay $0x1  }
0x19: {  	s24 =	simm.s32 $0x1B8B  }
0x1a: {  	_ =	swait.ge [sflag:s24], $0x1  }
0x1b: {  	[sflag:s24] =	ssyncset.done $0x0  }
0x1c: {  	s26 =	simm.s32 $0x1B8E;
	s25 =	sld [smem:$0x3FFE];
	[sflag:s24] =	ssyncadd.s32 $0xFFFFFFFF  }
0x1d: {  	s27 =	simm.s32 $execute0_lowered;
	[smem:$0x3FD2] =	sst s26  }
0x1e: {  	s5 =	sshll.u32 s27, $0x1;
	_ =	strace $0x80000049;
	[dreg:$0x1] =	wrdreg $0xFFFFFFFF  }
0x1f: {  	s28 =	simm.s32 $_size_execute0_lowered;
	s3 =	sadd.s32 s3, s5;
	[dreg:$0x0] =	wrdreg $0x0  }
0x20: {  	s5 =	sshll.u32 s28, $0x1;
	[dreg:$0x2] =	wrdreg s3  }
0x21: {  	[dreg:$0x3] =	wrdreg s5  }
0x22: {  	[dreg:$0x4] =	wrdreg $0xC0  }
0x23: {  	_ =	task [dreg:s7], $0x5FFFF  }
0x24: {  	[dreg:$0x1] =	wrdreg $0xFFFFFFFF  }
0x25: {  	[dreg:$0x0] =	wrdreg $0x60  }
0x26: {  	[dreg:$0x2] =	wrdreg s25  }
0x27: {  	[dreg:$0x3] =	wrdreg s2  }
0x28: {  	[dreg:$0x4] =	wrdreg $0x9  }
0x29: {  	_ =	task.clear_ibuf [dreg:s7], $0x5FFFF;
	_ =	strace $0x90000049  }
0x2a: {  	s29 =	simm.s32 $0x9;
	_ =	strace $0x8000004B  }
0x2b: {  	_ =	swait.ge [sflag:s29], $0x1  }
0x2c: {  	[sflag:s29] =	ssyncadd.s32 $0xFFFFFFFF  }
0x2d: {  	_ =	strace $0x9000004B  }
0x2e: {  	_ =	sfence  }
0x2f: {  	s30 =	sld [smem:$0x0];
	_ =	sdelay $0x2  }
0x30: {  	s31 =	sshll.u32 s1, $0xD;
	s1 =	sshrl.u32 s1, $0x2  }
0x31: {  	s3 =	sand.u32 $0x4000, s31;
	s1 =	sadd.s32 s1, s30  }
0x32: {  	s0 =	sor.u32 s3, s0;
	s1 =	sshll.u32 s1, $0x11  }
0x33: {  	s0 =	sor.u32 s1, s0  }
0x34: {  	s0 =	sadd.s32 $0x8F2B, s0  }
0x35: {  	[sflag:s0] =	ssyncadd.remote.s32 $0x1  }
0x36: {  	_ =	sfence.sel $0xFFFF  }
0x37: {  	[dreg:$0x0] =	wrdreg $0xFFFFFFFF;
	(pc) =	sbr.abs _section_cstart, $3  }
0x38: {  	[dreg:$0x1] =	wrdreg $0xFFFFFFFF  }
0x39: {  	_ =	task.clear_ibuf [dreg:s7], $0x2FFFF;
	_ =	strace $0x9FFFFFFF  }
0x3a: {  	(tm) =	ssettm $0x7FFFFFFF  }
0x3b: {  	_ =	shalt  }
tec
execute0_lowered:
.L_overlay_start_1:
0x0: {  	(tag) =	ssettag $0x1  }
0x1: {  	s0 =	srdreg.scid  }
0x2: {  	s1 =	sshll.u32 s0, $0x4  }
0x3: {  	s0 =	stileid.u32;
	s1 =	sand.u32 $0x10, s1  }
0x4: {  	s1 =	sor.u32 s0, s1  }
0x5: {  	s6 =	rddreg [dreg:$0x0];
	s4 =	simm.s32 $0x1;
	s2 =	sshll.u32 s1, $0x7  }
0x6: {  	s7 =	simm.s32 $0x2;
	s12 =	simm.s32 $0x0;
	s1 =	ssub.s32 $0x1000, s2  }
0x7: {  	s8 =	simm.s32 $0x8000;
	s13 =	simm.s32 $0x0;
	s3 =	sand.u32 $0xF80, s1  }
0x8: {  	s9 =	simm.s32 $0x0;
	s5 =	sshrl.u32 s1, $0xC;
	p0 =	sne.s32 s3, $0x0  }
.Ltmp0:
0x9: {  	s1 =	rddreg [dreg:$0x2];
	s4 =	simm.s32 @!p0 $0x0;
	(pc) =	sbr.rel .LBB1_1-.Ltmp0, $4  }
0xa: {  	s11 =	simm.s32 $0x0;
	s3 =	rddreg [dreg:$0x1];
	s5 =	sadd.s32 s4, s5  }
0xb: {  	_ =	strace $0x8000004A;
	s4 =	simm.s32 $0x1;
	s5 =	smul.u32 $0xC8, s5  }
0xc: {  	s6 =	sadd.s32 $0x7C0800, s6;
	s10 =	smov.u32 s2;
	[sflag:s4] =	ssyncpa.u1 $0x0  }
0xd: {  	p0 =	por $0x0, $0x0;
	[sflag:s7] =	ssyncpa.u1 $0x0;
	s7 =	sor.u32 $0x1, s5  }
.LBB1_4:
0xe: {  	s16 =	sshll.u32 s13, $0x3;
	s17 =	sand.u32 $0x78, s13  }
0xf: {  	s30 =	sand.u32 $0x7E00, s13;
	s12 =	sshll.u32 s12, $0xF;
	s16 =	sand.u32 $0xC00, s16  }
0x10: {  	[tilespmem:s15+$0x810 ss:$0x81] =	vst.msk $0xffff, v2;
	s31 =	sand.u32 $0x7, s13;
	s16 =	sor.u32 s17, s16;
	s17 =	sadd.s32 s3, s30  }
0x11: {  	[tilespmem:s15+$0x1020 ss:$0x81] =	vst.msk $0xffff, v0;
	s13 =	sshll.u32 s31, $0x12;
	s12 =	sadd.s32 s12, s17;
	s16 =	sshrl.u32 s16, $0x3  }
0x12: {  	[tilespmem:s15+$0x0 ss:$0x81] =	vst.msk $0xffff, v1;
	s13 =	sor.u32 $0x400, s13;
	s12 =	sadd.s32 s16, s12  }
0x13: {  	[hbm4b:s12+s13] =	stream.strided.scatter [tilespmem:s14], [sflag:$0x2], $0x2000, s8, s13, $0x20;
	[tilespmem:$0x8080] =	vst v63  }
.LBB1_5:
0x14: {  	s14 =	sadd.s32 $0x1, s9  }
0x15: {  	s12 =	sadd.s32 $0x1000, s10;
	s16 =	smov.u32 s10;
	p2 =	sgt.s32 s14, $0xC7  }
0x16: {  	s16 =	smov.u32 @p2 s12  }
0x17: {  	s14 =	simm.s32 @p2 $0x0;
	p2 =	sgt.s32 s16, $0xFFF  }
0x18: {  	s16 =	smov.u32 @p2 s2;
	p2 =	sne.s32 s11, s7  }
.Ltmp1:
0x19: {  	p1 =	slt.u32 s11, $0x2;
	(pc) =	sbr.rel @!p2 .LBB1_6-.Ltmp1, $4  }
0x1a: {  	s15 =	simm.s32 @!p1 $0x2  }
0x1b: {  	s13 =	smov.u32 s10;
	p0 =	por !p0, !p0;
	_ =	swait.ge @!p1 [sflag:s15], $0x2000  }
0x1c: {  	s12 =	smov.u32 s9;
	[sflag:s15] =	ssyncset.done @!p1 $0x0;
	s9 =	smov.u32 s14  }
0x1d: {  	s11 =	sadd.s32 $0x1, s11;
	[sflag:s15] =	ssyncadd.s32 @!p1 $0xFFFFE000;
	s10 =	smov.u32 s16  }
.LBB1_1:
0x1e: {  	p1 =	sge.u32 s11, s5  }
0x1f: {  	s14 =	sand.u32 @!p1 $0x1FFFFFF, s9  }
0x20: {  	s15 =	smulhi.u32 @!p1 $0x147AE15, s14;
	_ =	sdelay $0x1  }
0x21: {  	s15 =	smul.u32 @!p1 $0xC8, s15  }
0x22: {  	s16 =	sxor.u32 @!p1 $0xFFFFFFFF, s11;
	s17 =	smul.u32 @!p1 $0xC80, s10  }
0x23: {  	s31 =	sadd.s32 $0xFFFFFFFF, s11;
	s16 =	sshll.u32 @!p1 s16, $0xD;
	s14 =	ssub.s32 @!p1 s14, s15  }
0x24: {  	s15 =	sand.u32 @!p1 $0x2000, s16;
	s16 =	sadd.s32 @!p1 s6, s17;
	s14 =	sshll.u32 @!p1 s14, $0x4  }
0x25: {  	s17 =	simm.s32 @!p1 $0x6400;
	s14 =	sadd.s32 @!p1 s14, s16;
	s16 =	simm.s32 @!p1 $0x40  }
0x26: {  	[tilespmem:s15], [sflag:$0x1] =	stream.strided.gather @!p1 [hbm4b:s14+s16], $0x2000, s17, s16, $0x38;
	[tilespmem:$0x8080] =	vst v63  }
0x27: {  	p1 =	sge.u32 s31, s5  }
.Ltmp2:
0x28: {  	_ = 	snop;
	(pc) =	sbr.rel @p1 .LBB1_5-.Ltmp2, $1  }
0x29: {  	_ =	sdelay $0x3  }
0x2a: {  	s14 =	simm.s32 $0x1  }
0x2b: {  	_ =	swait.ge [sflag:s4], $0x2000;
	s14 =	simm.s32 @!p0 $0x0  }
0x2c: {  	[sflag:s4] =	ssyncset.done $0x0;
	s15 =	sshll.u32 s14, $0xD  }
0x2d: {  	[sflag:s4] =	ssyncadd.s32 $0xFFFFE000;
	s18 =	sor.u32 $0x20, s15  }
0x2e: {  	s14 =	smul.u32 $0x8100, s14;
	v3 =	vld [tilespmem:s18+$0x10]  }
0x2f: {  	s30 =	sand.u32 $0x1, s11;
	v2 =	vld [tilespmem:s18+$0xFFFFFFF0]  }
0x30: {  	s15 =	smul.u32 $0x8100, s30;
	s14 =	sshrl.u32 s14, $0x2;
	v0 =	vld [tilespmem:s18+$0x0]  }
0x31: {  	v1 =	vld [tilespmem:s18+$0xFFFFFFE0];
	s16 =	sor.u32 $0x4000, s14  }
0x32: {  	s31 =	sshrl.u32 s15, $0x2;
	s15 =	sadd.s32 $0x0, s16  }
0x33: {  	s17 =	simm.s32 $0x4;
	s18 =	sadd.s32 $0x40, s18;
	s14 =	sor.u32 $0x4000, s31;
	[tilespmem:s15+$0x1830 ss:$0x81] =	vst.msk $0xffff, v3  }
.LBB1_3:
0x34: {  	v3 =	vld [tilespmem:s18+$0x10];
	p1 =	sne.s32 s17, $0x1FC;
	[tilespmem:s15+$0x810 ss:$0x81] =	vst.msk $0xffff, v2;
	s19 =	smov.u32 s17;
	s17 =	sadd.s32 $0x4, s17  }
.Ltmp3:
0x35: {  	v2 =	vld [tilespmem:s18+$0xFFFFFFF0];
	[tilespmem:s15+$0x1020 ss:$0x81] =	vst.msk $0xffff, v0;
	(pc) =	sbr.rel @p1 .LBB1_3-.Ltmp3, $4  }
0x36: {  	v0 =	vld [tilespmem:s18+$0x0];
	[tilespmem:s15+$0x0 ss:$0x81] =	vst.msk $0xffff, v1  }
0x37: {  	s15 =	sshra.s32 s19, $0x2;
	v1 =	vld [tilespmem:s18+$0xFFFFFFE0]  }
0x38: {  	s15 =	sadd.s32 s15, s16  }
0x39: {  	s18 =	sadd.s32 $0x40, s18;
	[tilespmem:s15+$0x1830 ss:$0x81] =	vst.msk $0xffff, v3  }
.Ltmp4:
0x3a: {  	_ = 	snop;
	(pc) =	sbr.rel .LBB1_4-.Ltmp4, $1  }
0x3b: {  	_ =	sdelay $0x3  }
.LBB1_6:
0x3c: {  	_ =	sfence.sel $0x180000  }
0x3d: {  	s2 =	simm.s32 $0x1;
	[bflag:$0x0] =	sbarrier.arrive $0xFFFF  }
0x3e: {  	s31 =	simm.s32 $0x2;
	[sflag:s2] =	ssyncpa.u1 $0x1  }
0x3f: {  	[sflag:s31] =	ssyncpa.u1 $0x1  }
0x40: {  	p0 =	sne.s32 s0, $0x0;
	_ =	strace $0x9000004A  }
0x41: {  	s0 =	sadd.s32 @!p0 $0x100000, s1;
	[bflag:$0x2] =	sbarrier.arrive $0xFFFF  }
0x42: {  	[sflag:s0] =	ssyncadd.tile.s32 @!p0 $0x1;
	_ =	shalt  }
.Lfunc_end1:
_tile_overlayer_lowered:
.L_overlay_start_2:
0x43: {  	(tag) =	ssettag $0x2  }
0x44: {  	s0 =	rddreg [dreg:$0x0];
	s2 =	stileid.u32  }
0x45: {  	s1 =	rddreg [dreg:$0x1];
	p0 =	sne.s32 s2, $0x0  }
0x46: {  	s3 =	rddreg [dreg:$0x2];
	[bflag:$0x3] =	sbarrier.arrive $0xFFFF;
	s2 =	simm.s32 @!p0 $0x1C01  }
0x47: {  	[timem:s3], [sflag:s2] =	dma.local @!p0 [hbm:s0], s1  }
0x48: {  	s0 =	simm.s32 @!p0 $0x1  }
0x49: {  	_ =	swait.ge @!p0 [sflag:s0], s1  }
0x4a: {  	s1 =	ssub.s32 @!p0 $0x0, s1;
	[sflag:s0] =	ssyncset.done @!p0 $0x0  }
0x4b: {  	[sflag:s0] =	ssyncadd.s32 @!p0 s1  }
0x4c: {  	[bflag:$0x3] =	sbarrier.arrive $0xFFFF  }
0x4d: {  	_ =	shalt  }

</sc_bundles>
